<compile_context>
chip_gen: v7x
topology: tpu7x:2x2x1
jax: 0.10.2.dev20260603
libtpu: 0.0.44.dev20260713+nightly
codegen_flags: <defaults>
</compile_context>

<pallas_src>
import functools

import jax
import jax.numpy as jnp
from jax import lax
from jax.experimental import pallas as pl
from jax.experimental.pallas import tpu as pltpu
from jax.experimental.pallas import tpu_sc as plsc

N_NODES = 10000
N_EDGES = 320000
DIM = 128

NPAD = 10240
N_TILES = 16
N_CORES = 2
ROWS_PER_TILE = NPAD // N_TILES
CHUNK = 80
N_WORKERS = N_CORES * N_TILES
EDGES_PER_WORKER = N_EDGES // N_WORKERS
N_CHUNKS = EDGES_PER_WORKER // CHUNK
EPW_PAD = N_CHUNKS * CHUNK
N_PAIRS_I = (N_CHUNKS - 3) // 2

_f32 = jnp.float32


def _mlp_body(x_ref, w1_ref, b1_ref, w2_ref, b2_ref, o_ref):
    h = jnp.tanh(jnp.dot(x_ref[...], w1_ref[...],
                         preferred_element_type=_f32) + b1_ref[...])
    o_ref[...] = jnp.dot(h, w2_ref[...],
                         preferred_element_type=_f32) + b2_ref[...]


def _mlp(x, W1, b1, W2, b2):
    BR = 2000
    return pl.pallas_call(
        _mlp_body,
        grid=(N_NODES // BR,),
        in_specs=[
            pl.BlockSpec((BR, DIM), lambda i: (i, 0)),
            pl.BlockSpec((DIM, DIM), lambda i: (0, 0)),
            pl.BlockSpec((1, DIM), lambda i: (0, 0)),
            pl.BlockSpec((DIM, DIM), lambda i: (0, 0)),
            pl.BlockSpec((1, DIM), lambda i: (0, 0)),
        ],
        out_specs=pl.BlockSpec((BR, DIM), lambda i: (i, 0)),
        out_shape=jax.ShapeDtypeStruct((N_NODES, DIM), _f32),
    )(x, W1, b1.reshape(1, DIM), W2, b2.reshape(1, DIM))


def _agg(emb, src, dst, mvals):
    mesh = plsc.VectorSubcoreMesh(core_axis_name="c", subcore_axis_name="s")

    @functools.partial(
        pl.kernel,
        mesh=mesh,
        out_type=(
            jax.ShapeDtypeStruct((N_CORES, NPAD, DIM), _f32),
            jax.ShapeDtypeStruct((N_CORES, NPAD), _f32),
            jax.ShapeDtypeStruct((N_CORES, NPAD), _f32),
        ),
        scratch_types=[
            pltpu.VMEM((CHUNK,), jnp.int32),
            pltpu.VMEM((CHUNK,), jnp.int32),
            pltpu.VMEM((CHUNK,), jnp.int32),
            pltpu.VMEM((CHUNK,), jnp.int32),
            pltpu.VMEM((CHUNK,), jnp.int32),
            pltpu.VMEM((CHUNK,), jnp.int32),
            pltpu.VMEM((CHUNK, DIM), _f32),
            pltpu.VMEM((CHUNK, DIM), _f32),
            pltpu.VMEM((16,), _f32),
            pltpu.VMEM((CHUNK,), _f32),
            pltpu.VMEM((CHUNK,), _f32),
            pltpu.VMEM((CHUNK,), _f32),
            pltpu.VMEM((CHUNK,), _f32),
            pltpu.VMEM((ROWS_PER_TILE,), _f32),
            pltpu.VMEM_SHARED((NPAD, DIM), _f32),
            pltpu.VMEM_SHARED((NPAD,), _f32),
            pltpu.VMEM_SHARED((NPAD,), _f32),
            pltpu.SemaphoreType.DMA,
            pltpu.SemaphoreType.DMA,
            pltpu.SemaphoreType.DMA,
            pltpu.SemaphoreType.DMA,
            pltpu.SemaphoreType.DMA,
            pltpu.SemaphoreType.DMA,
            pltpu.SemaphoreType.DMA,
            pltpu.SemaphoreType.DMA,
        ],
    )
    def agg(emb_hbm, src_hbm, dst_hbm, mv_hbm, outp, outrs, outsc,
            idxs0_v, idxs1_v, idxd0_v, idxd1_v, iscat0_v, iscat1_v,
            rows0_v, rows1_v, mv_v, wval0_v, wval1_v, sval0_v, sval1_v,
            buf1_v, acc_sh, rsum_sh, scnt_sh,
            si0, si1, sg0, sg1, sr0, sr1, sw0, sw1):
        cid = lax.axis_index("c")
        sid = lax.axis_index("s")
        wid = sid * N_CORES + cid
        ebase = wid * EDGES_PER_WORKER

        pltpu.sync_copy(mv_hbm, mv_v)

        def zrow(i, carry):
            for j in range(DIM // 16):
                rows0_v[i, pl.ds(j * 16, 16)] = jnp.zeros((16,), _f32)
            return carry
        lax.fori_loop(0, CHUNK, zrow, 0)

        def zv(i, carry):
            buf1_v[pl.ds(i * 16, 16)] = jnp.zeros((16,), _f32)
            return carry
        lax.fori_loop(0, ROWS_PER_TILE // 16, zv, 0)

        row0 = pl.multiple_of(sid * ROWS_PER_TILE, 8)
        for t in range(ROWS_PER_TILE // CHUNK):
            pltpu.async_copy(rows0_v, acc_sh.at[pl.ds(row0 + t * CHUNK, CHUNK)], sg0)
        pltpu.async_copy(buf1_v, rsum_sh.at[pl.ds(row0, ROWS_PER_TILE)], sg1)
        pltpu.async_copy(buf1_v, scnt_sh.at[pl.ds(row0, ROWS_PER_TILE)], sg1)
        for t in range(ROWS_PER_TILE // CHUNK):
            pltpu.make_async_copy(
                rows0_v, acc_sh.at[pl.ds(row0 + t * CHUNK, CHUNK)], sg0).wait()
        pltpu.make_async_copy(buf1_v, rsum_sh.at[pl.ds(row0, ROWS_PER_TILE)], sg1).wait()
        pltpu.make_async_copy(buf1_v, scnt_sh.at[pl.ds(row0, ROWS_PER_TILE)], sg1).wait()

        plsc.subcore_barrier()

        def ebeg(c):
            return pl.multiple_of(ebase + c * CHUNK, 8)

        def idx_issue(c, bufs, bufd, sem):
            pltpu.async_copy(src_hbm.at[pl.ds(ebeg(c), CHUNK)], bufs, sem)
            pltpu.async_copy(dst_hbm.at[pl.ds(ebeg(c), CHUNK)], bufd, sem)

        def idx_wait(c, bufs, bufd, sem):
            pltpu.make_async_copy(src_hbm.at[pl.ds(ebeg(c), CHUNK)], bufs, sem).wait()
            pltpu.make_async_copy(dst_hbm.at[pl.ds(ebeg(c), CHUNK)], bufd, sem).wait()

        def process(bufs, bufd, iscat, wval, sval, rows, sr, sw):
            mcoef16 = mv_v[...] - 1.0
            for j in range(CHUNK // 16):
                sl = pl.ds(j * 16, 16)
                s16 = bufs[sl]
                d16 = bufd[sl]
                sm16 = jnp.where(s16 == d16, jnp.float32(1.0), jnp.float32(0.0))
                iscat[sl] = s16
                sval[sl] = sm16
                wval[sl] = 1.0 + mcoef16 * sm16
            pltpu.async_copy(rows, acc_sh.at[iscat], sr, add=True)
            pltpu.async_copy(wval, rsum_sh.at[iscat], sw, add=True)
            pltpu.async_copy(sval, scnt_sh.at[iscat], sw, add=True)

        def rows_wait(rows, iscat, sr):
            pltpu.make_async_copy(rows, acc_sh.at[iscat], sr).wait()

        def weights_wait(wval, sval, iscat, sw):
            pltpu.make_async_copy(wval, rsum_sh.at[iscat], sw).wait()
            pltpu.make_async_copy(sval, scnt_sh.at[iscat], sw).wait()

        pltpu.sync_copy(src_hbm.at[pl.ds(ebeg(0), CHUNK)], idxs0_v)
        pltpu.sync_copy(dst_hbm.at[pl.ds(ebeg(0), CHUNK)], idxd0_v)
        pltpu.async_copy(emb_hbm.at[idxd0_v], rows0_v, sg0)
        idx_issue(1, idxs1_v, idxd1_v, si1)
        idx_wait(1, idxs1_v, idxd1_v, si1)
        pltpu.async_copy(emb_hbm.at[idxd1_v], rows1_v, sg1)
        pltpu.make_async_copy(emb_hbm.at[idxd0_v], rows0_v, sg0).wait()
        process(idxs0_v, idxd0_v, iscat0_v, wval0_v, sval0_v, rows0_v, sr0, sw0)
        idx_issue(2, idxs0_v, idxd0_v, si0)
        idx_wait(2, idxs0_v, idxd0_v, si0)
        rows_wait(rows0_v, iscat0_v, sr0)
        pltpu.async_copy(emb_hbm.at[idxd0_v], rows0_v, sg0)
        pltpu.make_async_copy(emb_hbm.at[idxd1_v], rows1_v, sg1).wait()
        process(idxs1_v, idxd1_v, iscat1_v, wval1_v, sval1_v, rows1_v, sr1, sw1)
        idx_issue(3, idxs1_v, idxd1_v, si1)

        def pair(p, carry):
            c0 = p * 2 + 2
            c1 = c0 + 1
            idx_wait(c1, idxs1_v, idxd1_v, si1)
            rows_wait(rows1_v, iscat1_v, sr1)
            pltpu.async_copy(emb_hbm.at[idxd1_v], rows1_v, sg1)
            pltpu.make_async_copy(emb_hbm.at[idxd0_v], rows0_v, sg0).wait()
            weights_wait(wval0_v, sval0_v, iscat0_v, sw0)
            process(idxs0_v, idxd0_v, iscat0_v, wval0_v, sval0_v, rows0_v, sr0, sw0)
            idx_issue(c0 + 2, idxs0_v, idxd0_v, si0)
            idx_wait(c0 + 2, idxs0_v, idxd0_v, si0)
            rows_wait(rows0_v, iscat0_v, sr0)
            pltpu.async_copy(emb_hbm.at[idxd0_v], rows0_v, sg0)
            pltpu.make_async_copy(emb_hbm.at[idxd1_v], rows1_v, sg1).wait()
            weights_wait(wval1_v, sval1_v, iscat1_v, sw1)
            process(idxs1_v, idxd1_v, iscat1_v, wval1_v, sval1_v, rows1_v, sr1, sw1)

            @pl.when(p < N_PAIRS_I - 1)
            def _():
                idx_issue(c1 + 2, idxs1_v, idxd1_v, si1)

            return carry

        lax.fori_loop(0, N_PAIRS_I, pair, 0)

        pltpu.make_async_copy(emb_hbm.at[idxd0_v], rows0_v, sg0).wait()
        weights_wait(wval0_v, sval0_v, iscat0_v, sw0)
        process(idxs0_v, idxd0_v, iscat0_v, wval0_v, sval0_v, rows0_v, sr0, sw0)
        rows_wait(rows1_v, iscat1_v, sr1)
        weights_wait(wval1_v, sval1_v, iscat1_v, sw1)
        rows_wait(rows0_v, iscat0_v, sr0)
        weights_wait(wval0_v, sval0_v, iscat0_v, sw0)

        plsc.subcore_barrier()

        robufs = (rows0_v, rows1_v)
        rosems = (sg0, sg1)
        for t in range(ROWS_PER_TILE // CHUNK):
            r = pl.multiple_of(row0 + t * CHUNK, 8)
            b = t % 2
            if t >= 2:
                rp = pl.multiple_of(row0 + (t - 2) * CHUNK, 8)
                pltpu.make_async_copy(
                    robufs[b], outp.at[cid, pl.ds(rp, CHUNK)], rosems[b]).wait()
            pltpu.sync_copy(acc_sh.at[pl.ds(r, CHUNK)], robufs[b])
            pltpu.async_copy(robufs[b], outp.at[cid, pl.ds(r, CHUNK)], rosems[b])
        pltpu.sync_copy(rsum_sh.at[pl.ds(row0, ROWS_PER_TILE)], buf1_v)
        pltpu.sync_copy(buf1_v, outrs.at[cid, pl.ds(row0, ROWS_PER_TILE)])
        pltpu.sync_copy(scnt_sh.at[pl.ds(row0, ROWS_PER_TILE)], buf1_v)
        pltpu.sync_copy(buf1_v, outsc.at[cid, pl.ds(row0, ROWS_PER_TILE)])
        for t in (ROWS_PER_TILE // CHUNK - 2, ROWS_PER_TILE // CHUNK - 1):
            r = pl.multiple_of(row0 + t * CHUNK, 8)
            pltpu.make_async_copy(
                robufs[t % 2], outp.at[cid, pl.ds(r, CHUNK)], rosems[t % 2]).wait()

    return agg(emb, src, dst, mvals)


def _combine_body(p_ref, r_ref, s_ref, e_ref, m_ref, o_ref):
    m = m_ref[0, 0]
    sc = s_ref[:, 0:1] + s_ref[:, 1:2]
    rs = r_ref[:, 0:1] + r_ref[:, 1:2]
    res = p_ref[0] + p_ref[1] + (m * sc) * e_ref[...]
    rs = jnp.where(rs == 0.0, 1.0, rs)
    o_ref[...] = res / rs


def _combine(p, rsT, scntT, emb, mcoef):
    BR = 2000
    return pl.pallas_call(
        _combine_body,
        grid=(N_NODES // BR,),
        in_specs=[
            pl.BlockSpec((N_CORES, BR, DIM), lambda i: (0, i, 0)),
            pl.BlockSpec((BR, 2), lambda i: (i, 0)),
            pl.BlockSpec((BR, 2), lambda i: (i, 0)),
            pl.BlockSpec((BR, DIM), lambda i: (i, 0)),
            pl.BlockSpec((1, 1), lambda i: (0, 0)),
        ],
        out_specs=pl.BlockSpec((BR, DIM), lambda i: (i, 0)),
        out_shape=jax.ShapeDtypeStruct((N_NODES, DIM), _f32),
    )(p, rsT, scntT, emb, mcoef)


def kernel(local_features, W1, b1, W2, b2, nodes, edge_index, ind):
    del nodes
    mask = jnp.array([1.0, 1.0, 0.0, 0.0], _f32)
    mval = mask[ind]
    mcoef = (mval - 1.0).reshape(1, 1).astype(_f32)
    mvals = jnp.full((16,), mval, _f32)
    emb = _mlp(local_features, W1, b1, W2, b2)
    p, r, s = _agg(emb, edge_index[0], edge_index[1], mvals)
    rsT = r[:, :N_NODES].T
    scntT = s[:, :N_NODES].T
    return _combine(p, rsT, scntT, emb, mcoef)

# --- scband reference (transcript-rebuilt; emitter-appended) ---
"""Pipeline reference for scband-mean-aggregator-e-2551210574180 (READ-ONLY COPY).

The authoritative reference and input builder live on the scoring server;
editing this copy changes nothing except your own understanding.
"""

import jax, jax.numpy as jnp
import numpy as np

N_NODES = 10000
N_EDGES = 320000
IN_DIM = 128
OUT_DIM = 128

def setup_inputs(seed: int = 0) -> dict:
    key = jax.random.key(seed)
    k1, k2, k3, k4, k5, k6 = jax.random.split(key, 6)
    nodes = jnp.arange(N_NODES, dtype=jnp.int64) if jax.config.jax_enable_x64 else jnp.arange(N_NODES, dtype=jnp.int32)
    edge_index = jax.random.randint(k1, (2, N_EDGES), 0, N_NODES, dtype=jnp.int32)
    local_features = jax.random.normal(k2, (N_NODES, IN_DIM), dtype=jnp.float32)
    W1 = jax.random.normal(k3, (IN_DIM, OUT_DIM), dtype=jnp.float32) * (1.0 / np.sqrt(IN_DIM))
    b1 = jnp.zeros((OUT_DIM,), dtype=jnp.float32)
    W2 = jax.random.normal(k4, (OUT_DIM, OUT_DIM), dtype=jnp.float32) * (1.0 / np.sqrt(OUT_DIM))
    b2 = jnp.zeros((OUT_DIM,), dtype=jnp.float32)
    return {"local_features": local_features, "W1": W1, "b1": b1, "W2": W2, "b2": b2, "nodes": nodes, "edge_index": edge_index, "ind": 1}

def reference(local_features, W1, b1, W2, b2, nodes, edge_index, ind):
    # mask applied to self-loop edge weights per `ind`
    mask = jnp.array([1.0, 1.0, 0.0, 0.0], dtype=jnp.float32)
    N = local_features.shape[0]
    # features(n2, local_features): gather node features (nodes == arange(N), so
    # unique_nodes_list covers all nodes and the relabeling dict is identity)
    x = jnp.take(local_features, nodes, axis=0)
    # out_linear_layer: Linear -> Tanh -> Linear
    h = jnp.tanh(x @ W1 + b1)
    new_embeddings = h @ W2 + b2
    src = edge_index[0]
    dst = edge_index[1]
    # sparse adjacency values: mask[ind] on diagonal (self loops), 1 elsewhere
    values = jnp.where(src == dst, mask[ind], jnp.float32(1.0))
    # row_sum = spmm(matrix, ones)
    row_sum = jax.ops.segment_sum(values, src, num_segments=N)
    row_sum = jnp.where(row_sum == 0, jnp.float32(1.0), row_sum)
    # results = spmm(matrix, new_embeddings)
    results = jax.ops.segment_sum(values[:, None] * jnp.take(new_embeddings, dst, axis=0), src, num_segments=N)
    output_emb = results / row_sum[:, None]
    return jnp.take(output_emb, nodes, axis=0)

if __name__ == "__main__":
    import jax
    _d = setup_inputs()
    print(jax.jit(kernel)(*tuple(_d.values())))

</pallas_src>

<mosaic_0001>
#map = affine_map<(d0, d1) -> (0, 0)>
#map1 = affine_map<(d0, d1) -> (0)>
#map2 = affine_map<(d0, d1) -> (0, 0, 0)>
module attributes {stable_mosaic.version = 14 : i64} {
  func.func @agg(%arg0: i32, %arg1: i32, %arg2: memref<10000x128xf32, #tpu.memory_space<hbm>>, %arg3: memref<320000xi32, #tpu.memory_space<hbm>>, %arg4: memref<320000xi32, #tpu.memory_space<hbm>>, %arg5: memref<16xf32, #tpu.memory_space<hbm>>, %arg6: memref<2x10240x128xf32, #tpu.memory_space<hbm>>, %arg7: memref<2x10240xf32, #tpu.memory_space<hbm>>, %arg8: memref<2x10240xf32, #tpu.memory_space<hbm>>, %arg9: memref<80xi32, #tpu.memory_space<vmem>>, %arg10: memref<80xi32, #tpu.memory_space<vmem>>, %arg11: memref<80xi32, #tpu.memory_space<vmem>>, %arg12: memref<80xi32, #tpu.memory_space<vmem>>, %arg13: memref<80xi32, #tpu.memory_space<vmem>>, %arg14: memref<80xi32, #tpu.memory_space<vmem>>, %arg15: memref<80x128xf32, #tpu.memory_space<vmem>>, %arg16: memref<80x128xf32, #tpu.memory_space<vmem>>, %arg17: memref<16xf32, #tpu.memory_space<vmem>>, %arg18: memref<80xf32, #tpu.memory_space<vmem>>, %arg19: memref<80xf32, #tpu.memory_space<vmem>>, %arg20: memref<80xf32, #tpu.memory_space<vmem>>, %arg21: memref<80xf32, #tpu.memory_space<vmem>>, %arg22: memref<640xf32, #tpu.memory_space<vmem>>, %arg23: memref<10240x128xf32, #tpu.memory_space<vmem_shared>>, %arg24: memref<10240xf32, #tpu.memory_space<vmem_shared>>, %arg25: memref<10240xf32, #tpu.memory_space<vmem_shared>>, %arg26: memref<!tpu.dma_semaphore, #tpu.memory_space<semaphore_mem>>, %arg27: memref<!tpu.dma_semaphore, #tpu.memory_space<semaphore_mem>>, %arg28: memref<!tpu.dma_semaphore, #tpu.memory_space<semaphore_mem>>, %arg29: memref<!tpu.dma_semaphore, #tpu.memory_space<semaphore_mem>>, %arg30: memref<!tpu.dma_semaphore, #tpu.memory_space<semaphore_mem>>, %arg31: memref<!tpu.dma_semaphore, #tpu.memory_space<semaphore_mem>>, %arg32: memref<!tpu.dma_semaphore, #tpu.memory_space<semaphore_mem>>, %arg33: memref<!tpu.dma_semaphore, #tpu.memory_space<semaphore_mem>>) attributes {dimension_semantics = [#tpu.dimension_semantics<core_parallel>, #tpu.dimension_semantics<subcore_parallel>], iteration_bounds = array<i64: 2, 16>, scalar_prefetch = 0 : i64, scratch_operands = 25 : i64, tpu.core_type = #tpu.core_type<sc_vector_subcore>, window_params = [{transform_indices = #map}, {transform_indices = #map1}, {transform_indices = #map1}, {transform_indices = #map1}, {transform_indices = #map2}, {transform_indices = #map}, {transform_indices = #map}]} {
    %mul3A = arith.constant 2 : i32
    %mul3A_0 = arith.muli %arg1, %mul3A : i32
    %add3A = arith.addi %mul3A_0, %arg0 : i32
    %mul3A_1 = arith.constant 10000 : i32
    %mul3A_2 = arith.muli %add3A, %mul3A_1 : i32
    "tpu.region"() ({
      %run_scoped3A = tpu.sem_alloc : memref<!tpu.dma_semaphore, #tpu.memory_space<semaphore_mem>>
      tpu.enqueue_dma source(%arg5 : memref<16xf32, #tpu.memory_space<hbm>>) target(%arg17 : memref<16xf32, #tpu.memory_space<vmem>>) target_semaphore(%run_scoped3A : memref<!tpu.dma_semaphore, #tpu.memory_space<semaphore_mem>>)
      tpu.wait_dma2 semaphore(%run_scoped3A : memref<!tpu.dma_semaphore, #tpu.memory_space<semaphore_mem>>) src(%arg5 : memref<16xf32, #tpu.memory_space<hbm>>) dst(%arg17 : memref<16xf32, #tpu.memory_space<vmem>>)
      tpu.yield
    }) : () -> ()
    %scan3A = arith.constant 0 : i32
    %scan3A_3 = arith.constant 0 : i32
    %scan3A_4 = arith.constant 80 : i32
    %scan3A_5 = arith.addi %scan3A_3, %scan3A_4 : i32
    %scan3A_6 = arith.constant 1 : i32
    scf.for %scan3A_816 = %scan3A_3 to %scan3A_5 step %scan3A_6  : i32 {
      %broadcast_in_dim3A_817 = arith.constant 0.000000e+00 : f32
      %broadcast_in_dim3A_818 = vector.broadcast %broadcast_in_dim3A_817 : f32 to vector<16xf32>
      %swap3A_819 = arith.index_cast %scan3A_816 : i32 to index
      %swap3A_820 = arith.constant 0 : index
      %swap3A_821 = tpu.vector_load %arg15[%swap3A_819, %swap3A_820] {strides = array<i32>} : memref<80x128xf32, #tpu.memory_space<vmem>>, vector<1x16xf32>,
      %swap3A_822 = vector.shape_cast %swap3A_821 : vector<1x16xf32> to vector<16xf32>
      %swap3A_823 = vector.shape_cast %broadcast_in_dim3A_818 : vector<16xf32> to vector<1x16xf32>
      tpu.vector_store %arg15[%swap3A_819, %swap3A_820], %swap3A_823 {strides = array<i32>} : memref<80x128xf32, #tpu.memory_space<vmem>>, vector<1x16xf32>,
      %broadcast_in_dim3A_824 = arith.constant 0.000000e+00 : f32
      %broadcast_in_dim3A_825 = vector.broadcast %broadcast_in_dim3A_824 : f32 to vector<16xf32>
      %swap3A_826 = arith.index_cast %scan3A_816 : i32 to index
      %swap3A_827 = arith.constant 16 : index
      %swap3A_828 = tpu.vector_load %arg15[%swap3A_826, %swap3A_827] {strides = array<i32>} : memref<80x128xf32, #tpu.memory_space<vmem>>, vector<1x16xf32>,
      %swap3A_829 = vector.shape_cast %swap3A_828 : vector<1x16xf32> to vector<16xf32>
      %swap3A_830 = vector.shape_cast %broadcast_in_dim3A_825 : vector<16xf32> to vector<1x16xf32>
      tpu.vector_store %arg15[%swap3A_826, %swap3A_827], %swap3A_830 {strides = array<i32>} : memref<80x128xf32, #tpu.memory_space<vmem>>, vector<1x16xf32>,
      %broadcast_in_dim3A_831 = arith.constant 0.000000e+00 : f32
      %broadcast_in_dim3A_832 = vector.broadcast %broadcast_in_dim3A_831 : f32 to vector<16xf32>
      %swap3A_833 = arith.index_cast %scan3A_816 : i32 to index
      %swap3A_834 = arith.constant 32 : index
      %swap3A_835 = tpu.vector_load %arg15[%swap3A_833, %swap3A_834] {strides = array<i32>} : memref<80x128xf32, #tpu.memory_space<vmem>>, vector<1x16xf32>,
      %swap3A_836 = vector.shape_cast %swap3A_835 : vector<1x16xf32> to vector<16xf32>
      %swap3A_837 = vector.shape_cast %broadcast_in_dim3A_832 : vector<16xf32> to vector<1x16xf32>
      tpu.vector_store %arg15[%swap3A_833, %swap3A_834], %swap3A_837 {strides = array<i32>} : memref<80x128xf32, #tpu.memory_space<vmem>>, vector<1x16xf32>,
      %broadcast_in_dim3A_838 = arith.constant 0.000000e+00 : f32
      %broadcast_in_dim3A_839 = vector.broadcast %broadcast_in_dim3A_838 : f32 to vector<16xf32>
      %swap3A_840 = arith.index_cast %scan3A_816 : i32 to index
      %swap3A_841 = arith.constant 48 : index
      %swap3A_842 = tpu.vector_load %arg15[%swap3A_840, %swap3A_841] {strides = array<i32>} : memref<80x128xf32, #tpu.memory_space<vmem>>, vector<1x16xf32>,
      %swap3A_843 = vector.shape_cast %swap3A_842 : vector<1x16xf32> to vector<16xf32>
      %swap3A_844 = vector.shape_cast %broadcast_in_dim3A_839 : vector<16xf32> to vector<1x16xf32>
      tpu.vector_store %arg15[%swap3A_840, %swap3A_841], %swap3A_844 {strides = array<i32>} : memref<80x128xf32, #tpu.memory_space<vmem>>, vector<1x16xf32>,
      %broadcast_in_dim3A_845 = arith.constant 0.000000e+00 : f32
      %broadcast_in_dim3A_846 = vector.broadcast %broadcast_in_dim3A_845 : f32 to vector<16xf32>
      %swap3A_847 = arith.index_cast %scan3A_816 : i32 to index
      %swap3A_848 = arith.constant 64 : index
      %swap3A_849 = tpu.vector_load %arg15[%swap3A_847, %swap3A_848] {strides = array<i32>} : memref<80x128xf32, #tpu.memory_space<vmem>>, vector<1x16xf32>,
      %swap3A_850 = vector.shape_cast %swap3A_849 : vector<1x16xf32> to vector<16xf32>
      %swap3A_851 = vector.shape_cast %broadcast_in_dim3A_846 : vector<16xf32> to vector<1x16xf32>
      tpu.vector_store %arg15[%swap3A_847, %swap3A_848], %swap3A_851 {strides = array<i32>} : memref<80x128xf32, #tpu.memory_space<vmem>>, vector<1x16xf32>,
      %broadcast_in_dim3A_852 = arith.constant 0.000000e+00 : f32
      %broadcast_in_dim3A_853 = vector.broadcast %broadcast_in_dim3A_852 : f32 to vector<16xf32>
      %swap3A_854 = arith.index_cast %scan3A_816 : i32 to index
      %swap3A_855 = arith.constant 80 : index
      %swap3A_856 = tpu.vector_load %arg15[%swap3A_854, %swap3A_855] {strides = array<i32>} : memref<80x128xf32, #tpu.memory_space<vmem>>, vector<1x16xf32>,
      %swap3A_857 = vector.shape_cast %swap3A_856 : vector<1x16xf32> to vector<16xf32>
      %swap3A_858 = vector.shape_cast %broadcast_in_dim3A_853 : vector<16xf32> to vector<1x16xf32>
      tpu.vector_store %arg15[%swap3A_854, %swap3A_855], %swap3A_858 {strides = array<i32>} : memref<80x128xf32, #tpu.memory_space<vmem>>, vector<1x16xf32>,
      %broadcast_in_dim3A_859 = arith.constant 0.000000e+00 : f32
      %broadcast_in_dim3A_860 = vector.broadcast %broadcast_in_dim3A_859 : f32 to vector<16xf32>
      %swap3A_861 = arith.index_cast %scan3A_816 : i32 to index
      %swap3A_862 = arith.constant 96 : index
      %swap3A_863 = tpu.vector_load %arg15[%swap3A_861, %swap3A_862] {strides = array<i32>} : memref<80x128xf32, #tpu.memory_space<vmem>>, vector<1x16xf32>,
      %swap3A_864 = vector.shape_cast %swap3A_863 : vector<1x16xf32> to vector<16xf32>
      %swap3A_865 = vector.shape_cast %broadcast_in_dim3A_860 : vector<16xf32> to vector<1x16xf32>
      tpu.vector_store %arg15[%swap3A_861, %swap3A_862], %swap3A_865 {strides = array<i32>} : memref<80x128xf32, #tpu.memory_space<vmem>>, vector<1x16xf32>,
      %broadcast_in_dim3A_866 = arith.constant 0.000000e+00 : f32
      %broadcast_in_dim3A_867 = vector.broadcast %broadcast_in_dim3A_866 : f32 to vector<16xf32>
      %swap3A_868 = arith.index_cast %scan3A_816 : i32 to index
      %swap3A_869 = arith.constant 112 : index
      %swap3A_870 = tpu.vector_load %arg15[%swap3A_868, %swap3A_869] {strides = array<i32>} : memref<80x128xf32, #tpu.memory_space<vmem>>, vector<1x16xf32>,
      %swap3A_871 = vector.shape_cast %swap3A_870 : vector<1x16xf32> to vector<16xf32>
      %swap3A_872 = vector.shape_cast %broadcast_in_dim3A_867 : vector<16xf32> to vector<1x16xf32>
      tpu.vector_store %arg15[%swap3A_868, %swap3A_869], %swap3A_872 {strides = array<i32>} : memref<80x128xf32, #tpu.memory_space<vmem>>, vector<1x16xf32>,
    }
    %scan3A_7 = arith.constant 80 : i32
    %scan3A_8 = arith.constant 0 : i32
    %scan3A_9 = arith.constant 0 : i32
    %scan3A_10 = arith.constant 40 : i32
    %scan3A_11 = arith.addi %scan3A_9, %scan3A_10 : i32
    %scan3A_12 = arith.constant 1 : i32
    scf.for %scan3A_816 = %scan3A_9 to %scan3A_11 step %scan3A_12  : i32 {
      %broadcast_in_dim3A_817 = arith.constant 0.000000e+00 : f32
      %broadcast_in_dim3A_818 = vector.broadcast %broadcast_in_dim3A_817 : f32 to vector<16xf32>
      %mul3A_819 = arith.constant 16 : i32
      %mul3A_820 = arith.muli %scan3A_816, %mul3A_819 : i32
      %swap3A_821 = arith.index_cast %mul3A_820 : i32 to index
      %swap3A_822 = tpu.vector_load %arg22[%swap3A_821] {strides = array<i32>} : memref<640xf32, #tpu.memory_space<vmem>>, vector<16xf32>,
      %swap3A_823 = vector.shape_cast %swap3A_822 : vector<16xf32> to vector<16xf32>
      %swap3A_824 = vector.shape_cast %broadcast_in_dim3A_818 : vector<16xf32> to vector<16xf32>
      tpu.vector_store %arg22[%swap3A_821], %swap3A_824 {strides = array<i32>} : memref<640xf32, #tpu.memory_space<vmem>>, vector<16xf32>,
    }
    %scan3A_13 = arith.constant 40 : i32
    %mul3A_14 = arith.constant 640 : i32
    %mul3A_15 = arith.muli %arg1, %mul3A_14 : i32
    %multiple_of3A = tpu.assume_multiple %mul3A_15, 8 : i32
    %add3A_16 = arith.constant 0 : i32
    %add3A_17 = arith.addi %multiple_of3A, %add3A_16 : i32
    %dma_start3A = arith.constant 0 : i32
    %dma_start3A_18 = tpu.memref_slice %arg23[%add3A_17, %dma_start3A] : memref<10240x128xf32, #tpu.memory_space<vmem_shared>> -> memref<80x128xf32, #tpu.memory_space<vmem_shared>>
    %dma_start3A_19 = arith.constant 0 : i32
    %dma_start3A_20 = tpu.memref_slice %arg23[%add3A_17, %dma_start3A_19] : memref<10240x128xf32, #tpu.memory_space<vmem_shared>> -> memref<80x128xf32, #tpu.memory_space<vmem_shared>>
    tpu.enqueue_dma source(%arg15 : memref<80x128xf32, #tpu.memory_space<vmem>>) target(%dma_start3A_20 : memref<80x128xf32, #tpu.memory_space<vmem_shared>>) target_semaphore(%arg28 : memref<!tpu.dma_semaphore, #tpu.memory_space<semaphore_mem>>)
    %add3A_21 = arith.constant 80 : i32
    %add3A_22 = arith.addi %multiple_of3A, %add3A_21 : i32
    %dma_start3A_23 = arith.constant 0 : i32
    %dma_start3A_24 = tpu.memref_slice %arg23[%add3A_22, %dma_start3A_23] : memref<10240x128xf32, #tpu.memory_space<vmem_shared>> -> memref<80x128xf32, #tpu.memory_space<vmem_shared>>
    %dma_start3A_25 = arith.constant 0 : i32
    %dma_start3A_26 = tpu.memref_slice %arg23[%add3A_22, %dma_start3A_25] : memref<10240x128xf32, #tpu.memory_space<vmem_shared>> -> memref<80x128xf32, #tpu.memory_space<vmem_shared>>
    tpu.enqueue_dma source(%arg15 : memref<80x128xf32, #tpu.memory_space<vmem>>) target(%dma_start3A_26 : memref<80x128xf32, #tpu.memory_space<vmem_shared>>) target_semaphore(%arg28 : memref<!tpu.dma_semaphore, #tpu.memory_space<semaphore_mem>>)
    %add3A_27 = arith.constant 160 : i32
    %add3A_28 = arith.addi %multiple_of3A, %add3A_27 : i32
    %dma_start3A_29 = arith.constant 0 : i32
    %dma_start3A_30 = tpu.memref_slice %arg23[%add3A_28, %dma_start3A_29] : memref<10240x128xf32, #tpu.memory_space<vmem_shared>> -> memref<80x128xf32, #tpu.memory_space<vmem_shared>>
    %dma_start3A_31 = arith.constant 0 : i32
    %dma_start3A_32 = tpu.memref_slice %arg23[%add3A_28, %dma_start3A_31] : memref<10240x128xf32, #tpu.memory_space<vmem_shared>> -> memref<80x128xf32, #tpu.memory_space<vmem_shared>>
    tpu.enqueue_dma source(%arg15 : memref<80x128xf32, #tpu.memory_space<vmem>>) target(%dma_start3A_32 : memref<80x128xf32, #tpu.memory_space<vmem_shared>>) target_semaphore(%arg28 : memref<!tpu.dma_semaphore, #tpu.memory_space<semaphore_mem>>)
    %add3A_33 = arith.constant 240 : i32
    %add3A_34 = arith.addi %multiple_of3A, %add3A_33 : i32
    %dma_start3A_35 = arith.constant 0 : i32
    %dma_start3A_36 = tpu.memref_slice %arg23[%add3A_34, %dma_start3A_35] : memref<10240x128xf32, #tpu.memory_space<vmem_shared>> -> memref<80x128xf32, #tpu.memory_space<vmem_shared>>
    %dma_start3A_37 = arith.constant 0 : i32
    %dma_start3A_38 = tpu.memref_slice %arg23[%add3A_34, %dma_start3A_37] : memref<10240x128xf32, #tpu.memory_space<vmem_shared>> -> memref<80x128xf32, #tpu.memory_space<vmem_shared>>
    tpu.enqueue_dma source(%arg15 : memref<80x128xf32, #tpu.memory_space<vmem>>) target(%dma_start3A_38 : memref<80x128xf32, #tpu.memory_space<vmem_shared>>) target_semaphore(%arg28 : memref<!tpu.dma_semaphore, #tpu.memory_space<semaphore_mem>>)
    %add3A_39 = arith.constant 320 : i32
    %add3A_40 = arith.addi %multiple_of3A, %add3A_39 : i32
    %dma_start3A_41 = arith.constant 0 : i32
    %dma_start3A_42 = tpu.memref_slice %arg23[%add3A_40, %dma_start3A_41] : memref<10240x128xf32, #tpu.memory_space<vmem_shared>> -> memref<80x128xf32, #tpu.memory_space<vmem_shared>>
    %dma_start3A_43 = arith.constant 0 : i32
    %dma_start3A_44 = tpu.memref_slice %arg23[%add3A_40, %dma_start3A_43] : memref<10240x128xf32, #tpu.memory_space<vmem_shared>> -> memref<80x128xf32, #tpu.memory_space<vmem_shared>>
    tpu.enqueue_dma source(%arg15 : memref<80x128xf32, #tpu.memory_space<vmem>>) target(%dma_start3A_44 : memref<80x128xf32, #tpu.memory_space<vmem_shared>>) target_semaphore(%arg28 : memref<!tpu.dma_semaphore, #tpu.memory_space<semaphore_mem>>)
    %add3A_45 = arith.constant 400 : i32
    %add3A_46 = arith.addi %multiple_of3A, %add3A_45 : i32
    %dma_start3A_47 = arith.constant 0 : i32
    %dma_start3A_48 = tpu.memref_slice %arg23[%add3A_46, %dma_start3A_47] : memref<10240x128xf32, #tpu.memory_space<vmem_shared>> -> memref<80x128xf32, #tpu.memory_space<vmem_shared>>
    %dma_start3A_49 = arith.constant 0 : i32
    %dma_start3A_50 = tpu.memref_slice %arg23[%add3A_46, %dma_start3A_49] : memref<10240x128xf32, #tpu.memory_space<vmem_shared>> -> memref<80x128xf32, #tpu.memory_space<vmem_shared>>
    tpu.enqueue_dma source(%arg15 : memref<80x128xf32, #tpu.memory_space<vmem>>) target(%dma_start3A_50 : memref<80x128xf32, #tpu.memory_space<vmem_shared>>) target_semaphore(%arg28 : memref<!tpu.dma_semaphore, #tpu.memory_space<semaphore_mem>>)
    %add3A_51 = arith.constant 480 : i32
    %add3A_52 = arith.addi %multiple_of3A, %add3A_51 : i32
    %dma_start3A_53 = arith.constant 0 : i32
    %dma_start3A_54 = tpu.memref_slice %arg23[%add3A_52, %dma_start3A_53] : memref<10240x128xf32, #tpu.memory_space<vmem_shared>> -> memref<80x128xf32, #tpu.memory_space<vmem_shared>>
    %dma_start3A_55 = arith.constant 0 : i32
    %dma_start3A_56 = tpu.memref_slice %arg23[%add3A_52, %dma_start3A_55] : memref<10240x128xf32, #tpu.memory_space<vmem_shared>> -> memref<80x128xf32, #tpu.memory_space<vmem_shared>>
    tpu.enqueue_dma source(%arg15 : memref<80x128xf32, #tpu.memory_space<vmem>>) target(%dma_start3A_56 : memref<80x128xf32, #tpu.memory_space<vmem_shared>>) target_semaphore(%arg28 : memref<!tpu.dma_semaphore, #tpu.memory_space<semaphore_mem>>)
    %add3A_57 = arith.constant 560 : i32
    %add3A_58 = arith.addi %multiple_of3A, %add3A_57 : i32
    %dma_start3A_59 = arith.constant 0 : i32
    %dma_start3A_60 = tpu.memref_slice %arg23[%add3A_58, %dma_start3A_59] : memref<10240x128xf32, #tpu.memory_space<vmem_shared>> -> memref<80x128xf32, #tpu.memory_space<vmem_shared>>
    %dma_start3A_61 = arith.constant 0 : i32
    %dma_start3A_62 = tpu.memref_slice %arg23[%add3A_58, %dma_start3A_61] : memref<10240x128xf32, #tpu.memory_space<vmem_shared>> -> memref<80x128xf32, #tpu.memory_space<vmem_shared>>
    tpu.enqueue_dma source(%arg15 : memref<80x128xf32, #tpu.memory_space<vmem>>) target(%dma_start3A_62 : memref<80x128xf32, #tpu.memory_space<vmem_shared>>) target_semaphore(%arg28 : memref<!tpu.dma_semaphore, #tpu.memory_space<semaphore_mem>>)
    %dma_start3A_63 = tpu.memref_slice %arg24[%multiple_of3A] : memref<10240xf32, #tpu.memory_space<vmem_shared>> -> memref<640xf32, #tpu.memory_space<vmem_shared>>
    %dma_start3A_64 = tpu.memref_slice %arg24[%multiple_of3A] : memref<10240xf32, #tpu.memory_space<vmem_shared>> -> memref<640xf32, #tpu.memory_space<vmem_shared>>
    tpu.enqueue_dma source(%arg22 : memref<640xf32, #tpu.memory_space<vmem>>) target(%dma_start3A_64 : memref<640xf32, #tpu.memory_space<vmem_shared>>) target_semaphore(%arg29 : memref<!tpu.dma_semaphore, #tpu.memory_space<semaphore_mem>>)
    %dma_start3A_65 = tpu.memref_slice %arg25[%multiple_of3A] : memref<10240xf32, #tpu.memory_space<vmem_shared>> -> memref<640xf32, #tpu.memory_space<vmem_shared>>
    %dma_start3A_66 = tpu.memref_slice %arg25[%multiple_of3A] : memref<10240xf32, #tpu.memory_space<vmem_shared>> -> memref<640xf32, #tpu.memory_space<vmem_shared>>
    tpu.enqueue_dma source(%arg22 : memref<640xf32, #tpu.memory_space<vmem>>) target(%dma_start3A_66 : memref<640xf32, #tpu.memory_space<vmem_shared>>) target_semaphore(%arg29 : memref<!tpu.dma_semaphore, #tpu.memory_space<semaphore_mem>>)
    %add3A_67 = arith.constant 0 : i32
    %add3A_68 = arith.addi %multiple_of3A, %add3A_67 : i32
    %dma_wait3A = arith.constant 0 : i32
    %dma_wait3A_69 = tpu.memref_slice %arg23[%add3A_68, %dma_wait3A] : memref<10240x128xf32, #tpu.memory_space<vmem_shared>> -> memref<80x128xf32, #tpu.memory_space<vmem_shared>>
    %dma_wait3A_70 = arith.constant 0 : i32
    %dma_wait3A_71 = tpu.memref_slice %arg23[%add3A_68, %dma_wait3A_70] : memref<10240x128xf32, #tpu.memory_space<vmem_shared>> -> memref<80x128xf32, #tpu.memory_space<vmem_shared>>
    tpu.wait_dma2 semaphore(%arg28 : memref<!tpu.dma_semaphore, #tpu.memory_space<semaphore_mem>>) src(%arg15 : memref<80x128xf32, #tpu.memory_space<vmem>>) dst(%dma_wait3A_71 : memref<80x128xf32, #tpu.memory_space<vmem_shared>>)
    %add3A_72 = arith.constant 80 : i32
    %add3A_73 = arith.addi %multiple_of3A, %add3A_72 : i32
    %dma_wait3A_74 = arith.constant 0 : i32
    %dma_wait3A_75 = tpu.memref_slice %arg23[%add3A_73, %dma_wait3A_74] : memref<10240x128xf32, #tpu.memory_space<vmem_shared>> -> memref<80x128xf32, #tpu.memory_space<vmem_shared>>
    %dma_wait3A_76 = arith.constant 0 : i32
    %dma_wait3A_77 = tpu.memref_slice %arg23[%add3A_73, %dma_wait3A_76] : memref<10240x128xf32, #tpu.memory_space<vmem_shared>> -> memref<80x128xf32, #tpu.memory_space<vmem_shared>>
    tpu.wait_dma2 semaphore(%arg28 : memref<!tpu.dma_semaphore, #tpu.memory_space<semaphore_mem>>) src(%arg15 : memref<80x128xf32, #tpu.memory_space<vmem>>) dst(%dma_wait3A_77 : memref<80x128xf32, #tpu.memory_space<vmem_shared>>)
    %add3A_78 = arith.constant 160 : i32
    %add3A_79 = arith.addi %multiple_of3A, %add3A_78 : i32
    %dma_wait3A_80 = arith.constant 0 : i32
    %dma_wait3A_81 = tpu.memref_slice %arg23[%add3A_79, %dma_wait3A_80] : memref<10240x128xf32, #tpu.memory_space<vmem_shared>> -> memref<80x128xf32, #tpu.memory_space<vmem_shared>>
    %dma_wait3A_82 = arith.constant 0 : i32
    %dma_wait3A_83 = tpu.memref_slice %arg23[%add3A_79, %dma_wait3A_82] : memref<10240x128xf32, #tpu.memory_space<vmem_shared>> -> memref<80x128xf32, #tpu.memory_space<vmem_shared>>
    tpu.wait_dma2 semaphore(%arg28 : memref<!tpu.dma_semaphore, #tpu.memory_space<semaphore_mem>>) src(%arg15 : memref<80x128xf32, #tpu.memory_space<vmem>>) dst(%dma_wait3A_83 : memref<80x128xf32, #tpu.memory_space<vmem_shared>>)
    %add3A_84 = arith.constant 240 : i32
    %add3A_85 = arith.addi %multiple_of3A, %add3A_84 : i32
    %dma_wait3A_86 = arith.constant 0 : i32
    %dma_wait3A_87 = tpu.memref_slice %arg23[%add3A_85, %dma_wait3A_86] : memref<10240x128xf32, #tpu.memory_space<vmem_shared>> -> memref<80x128xf32, #tpu.memory_space<vmem_shared>>
    %dma_wait3A_88 = arith.constant 0 : i32
    %dma_wait3A_89 = tpu.memref_slice %arg23[%add3A_85, %dma_wait3A_88] : memref<10240x128xf32, #tpu.memory_space<vmem_shared>> -> memref<80x128xf32, #tpu.memory_space<vmem_shared>>
    tpu.wait_dma2 semaphore(%arg28 : memref<!tpu.dma_semaphore, #tpu.memory_space<semaphore_mem>>) src(%arg15 : memref<80x128xf32, #tpu.memory_space<vmem>>) dst(%dma_wait3A_89 : memref<80x128xf32, #tpu.memory_space<vmem_shared>>)
    %add3A_90 = arith.constant 320 : i32
    %add3A_91 = arith.addi %multiple_of3A, %add3A_90 : i32
    %dma_wait3A_92 = arith.constant 0 : i32
    %dma_wait3A_93 = tpu.memref_slice %arg23[%add3A_91, %dma_wait3A_92] : memref<10240x128xf32, #tpu.memory_space<vmem_shared>> -> memref<80x128xf32, #tpu.memory_space<vmem_shared>>
    %dma_wait3A_94 = arith.constant 0 : i32
    %dma_wait3A_95 = tpu.memref_slice %arg23[%add3A_91, %dma_wait3A_94] : memref<10240x128xf32, #tpu.memory_space<vmem_shared>> -> memref<80x128xf32, #tpu.memory_space<vmem_shared>>
    tpu.wait_dma2 semaphore(%arg28 : memref<!tpu.dma_semaphore, #tpu.memory_space<semaphore_mem>>) src(%arg15 : memref<80x128xf32, #tpu.memory_space<vmem>>) dst(%dma_wait3A_95 : memref<80x128xf32, #tpu.memory_space<vmem_shared>>)
    %add3A_96 = arith.constant 400 : i32
    %add3A_97 = arith.addi %multiple_of3A, %add3A_96 : i32
    %dma_wait3A_98 = arith.constant 0 : i32
    %dma_wait3A_99 = tpu.memref_slice %arg23[%add3A_97, %dma_wait3A_98] : memref<10240x128xf32, #tpu.memory_space<vmem_shared>> -> memref<80x128xf32, #tpu.memory_space<vmem_shared>>
    %dma_wait3A_100 = arith.constant 0 : i32
    %dma_wait3A_101 = tpu.memref_slice %arg23[%add3A_97, %dma_wait3A_100] : memref<10240x128xf32, #tpu.memory_space<vmem_shared>> -> memref<80x128xf32, #tpu.memory_space<vmem_shared>>
    tpu.wait_dma2 semaphore(%arg28 : memref<!tpu.dma_semaphore, #tpu.memory_space<semaphore_mem>>) src(%arg15 : memref<80x128xf32, #tpu.memory_space<vmem>>) dst(%dma_wait3A_101 : memref<80x128xf32, #tpu.memory_space<vmem_shared>>)
    %add3A_102 = arith.constant 480 : i32
    %add3A_103 = arith.addi %multiple_of3A, %add3A_102 : i32
    %dma_wait3A_104 = arith.constant 0 : i32
    %dma_wait3A_105 = tpu.memref_slice %arg23[%add3A_103, %dma_wait3A_104] : memref<10240x128xf32, #tpu.memory_space<vmem_shared>> -> memref<80x128xf32, #tpu.memory_space<vmem_shared>>
    %dma_wait3A_106 = arith.constant 0 : i32
    %dma_wait3A_107 = tpu.memref_slice %arg23[%add3A_103, %dma_wait3A_106] : memref<10240x128xf32, #tpu.memory_space<vmem_shared>> -> memref<80x128xf32, #tpu.memory_space<vmem_shared>>
    tpu.wait_dma2 semaphore(%arg28 : memref<!tpu.dma_semaphore, #tpu.memory_space<semaphore_mem>>) src(%arg15 : memref<80x128xf32, #tpu.memory_space<vmem>>) dst(%dma_wait3A_107 : memref<80x128xf32, #tpu.memory_space<vmem_shared>>)
    %add3A_108 = arith.constant 560 : i32
    %add3A_109 = arith.addi %multiple_of3A, %add3A_108 : i32
    %dma_wait3A_110 = arith.constant 0 : i32
    %dma_wait3A_111 = tpu.memref_slice %arg23[%add3A_109, %dma_wait3A_110] : memref<10240x128xf32, #tpu.memory_space<vmem_shared>> -> memref<80x128xf32, #tpu.memory_space<vmem_shared>>
    %dma_wait3A_112 = arith.constant 0 : i32
    %dma_wait3A_113 = tpu.memref_slice %arg23[%add3A_109, %dma_wait3A_112] : memref<10240x128xf32, #tpu.memory_space<vmem_shared>> -> memref<80x128xf32, #tpu.memory_space<vmem_shared>>
    tpu.wait_dma2 semaphore(%arg28 : memref<!tpu.dma_semaphore, #tpu.memory_space<semaphore_mem>>) src(%arg15 : memref<80x128xf32, #tpu.memory_space<vmem>>) dst(%dma_wait3A_113 : memref<80x128xf32, #tpu.memory_space<vmem_shared>>)
    %dma_wait3A_114 = tpu.memref_slice %arg24[%multiple_of3A] : memref<10240xf32, #tpu.memory_space<vmem_shared>> -> memref<640xf32, #tpu.memory_space<vmem_shared>>
    %dma_wait3A_115 = tpu.memref_slice %arg24[%multiple_of3A] : memref<10240xf32, #tpu.memory_space<vmem_shared>> -> memref<640xf32, #tpu.memory_space<vmem_shared>>
    tpu.wait_dma2 semaphore(%arg29 : memref<!tpu.dma_semaphore, #tpu.memory_space<semaphore_mem>>) src(%arg22 : memref<640xf32, #tpu.memory_space<vmem>>) dst(%dma_wait3A_115 : memref<640xf32, #tpu.memory_space<vmem_shared>>)
    %dma_wait3A_116 = tpu.memref_slice %arg25[%multiple_of3A] : memref<10240xf32, #tpu.memory_space<vmem_shared>> -> memref<640xf32, #tpu.memory_space<vmem_shared>>
    %dma_wait3A_117 = tpu.memref_slice %arg25[%multiple_of3A] : memref<10240xf32, #tpu.memory_space<vmem_shared>> -> memref<640xf32, #tpu.memory_space<vmem_shared>>
    tpu.wait_dma2 semaphore(%arg29 : memref<!tpu.dma_semaphore, #tpu.memory_space<semaphore_mem>>) src(%arg22 : memref<640xf32, #tpu.memory_space<vmem>>) dst(%dma_wait3A_117 : memref<640xf32, #tpu.memory_space<vmem_shared>>)
    %barrier3A = arith.constant 0 : index
    tpu.barrier barrier_id(%barrier3A)
    %add3A_118 = arith.constant 0 : i32
    %add3A_119 = arith.addi %mul3A_2, %add3A_118 : i32
    %multiple_of3A_120 = tpu.assume_multiple %add3A_119, 8 : i32
    "tpu.region"() ({
      %run_scoped3A = tpu.sem_alloc : memref<!tpu.dma_semaphore, #tpu.memory_space<semaphore_mem>>
      %dma_start3A_816 = tpu.memref_slice %arg3[%multiple_of3A_120] : memref<320000xi32, #tpu.memory_space<hbm>> -> memref<80xi32, #tpu.memory_space<hbm>>
      %dma_start3A_817 = tpu.memref_slice %arg3[%multiple_of3A_120] : memref<320000xi32, #tpu.memory_space<hbm>> -> memref<80xi32, #tpu.memory_space<hbm>>
      tpu.enqueue_dma source(%dma_start3A_817 : memref<80xi32, #tpu.memory_space<hbm>>) target(%arg9 : memref<80xi32, #tpu.memory_space<vmem>>) target_semaphore(%run_scoped3A : memref<!tpu.dma_semaphore, #tpu.memory_space<semaphore_mem>>)
      %dma_wait3A_818 = tpu.memref_slice %arg3[%multiple_of3A_120] : memref<320000xi32, #tpu.memory_space<hbm>> -> memref<80xi32, #tpu.memory_space<hbm>>
      %dma_wait3A_819 = tpu.memref_slice %arg3[%multiple_of3A_120] : memref<320000xi32, #tpu.memory_space<hbm>> -> memref<80xi32, #tpu.memory_space<hbm>>
      tpu.wait_dma2 semaphore(%run_scoped3A : memref<!tpu.dma_semaphore, #tpu.memory_space<semaphore_mem>>) src(%dma_wait3A_819 : memref<80xi32, #tpu.memory_space<hbm>>) dst(%arg9 : memref<80xi32, #tpu.memory_space<vmem>>)
      tpu.yield
    }) : () -> ()
    %add3A_121 = arith.constant 0 : i32
    %add3A_122 = arith.addi %mul3A_2, %add3A_121 : i32
    %multiple_of3A_123 = tpu.assume_multiple %add3A_122, 8 : i32
    "tpu.region"() ({
      %run_scoped3A = tpu.sem_alloc : memref<!tpu.dma_semaphore, #tpu.memory_space<semaphore_mem>>
      %dma_start3A_816 = tpu.memref_slice %arg4[%multiple_of3A_123] : memref<320000xi32, #tpu.memory_space<hbm>> -> memref<80xi32, #tpu.memory_space<hbm>>
      %dma_start3A_817 = tpu.memref_slice %arg4[%multiple_of3A_123] : memref<320000xi32, #tpu.memory_space<hbm>> -> memref<80xi32, #tpu.memory_space<hbm>>
      tpu.enqueue_dma source(%dma_start3A_817 : memref<80xi32, #tpu.memory_space<hbm>>) target(%arg11 : memref<80xi32, #tpu.memory_space<vmem>>) target_semaphore(%run_scoped3A : memref<!tpu.dma_semaphore, #tpu.memory_space<semaphore_mem>>)
      %dma_wait3A_818 = tpu.memref_slice %arg4[%multiple_of3A_123] : memref<320000xi32, #tpu.memory_space<hbm>> -> memref<80xi32, #tpu.memory_space<hbm>>
      %dma_wait3A_819 = tpu.memref_slice %arg4[%multiple_of3A_123] : memref<320000xi32, #tpu.memory_space<hbm>> -> memref<80xi32, #tpu.memory_space<hbm>>
      tpu.wait_dma2 semaphore(%run_scoped3A : memref<!tpu.dma_semaphore, #tpu.memory_space<semaphore_mem>>) src(%dma_wait3A_819 : memref<80xi32, #tpu.memory_space<hbm>>) dst(%arg11 : memref<80xi32, #tpu.memory_space<vmem>>)
      tpu.yield
    }) : () -> ()
    %dma_start3A_124 = arith.constant 0 : i32
    %dma_start3A_125 = arith.constant 0 : i32
    %dma_start3A_126 = tpu.memref_slice %arg2[%dma_start3A_124, %dma_start3A_125] : memref<10000x128xf32, #tpu.memory_space<hbm>> -> memref<10000x128xf32, #tpu.memory_space<hbm>>
    tpu.enqueue_indirect_dma source(%dma_start3A_126 : memref<10000x128xf32, #tpu.memory_space<hbm>>) target(%arg15 : memref<80x128xf32, #tpu.memory_space<vmem>>) offsets(%arg11 : memref<80xi32, #tpu.memory_space<vmem>>) semaphore(%arg28 : memref<!tpu.dma_semaphore, #tpu.memory_space<semaphore_mem>>)
    %add3A_127 = arith.constant 80 : i32
    %add3A_128 = arith.addi %mul3A_2, %add3A_127 : i32
    %multiple_of3A_129 = tpu.assume_multiple %add3A_128, 8 : i32
    %dma_start3A_130 = tpu.memref_slice %arg3[%multiple_of3A_129] : memref<320000xi32, #tpu.memory_space<hbm>> -> memref<80xi32, #tpu.memory_space<hbm>>
    %dma_start3A_131 = tpu.memref_slice %arg3[%multiple_of3A_129] : memref<320000xi32, #tpu.memory_space<hbm>> -> memref<80xi32, #tpu.memory_space<hbm>>
    tpu.enqueue_dma source(%dma_start3A_131 : memref<80xi32, #tpu.memory_space<hbm>>) target(%arg10 : memref<80xi32, #tpu.memory_space<vmem>>) target_semaphore(%arg27 : memref<!tpu.dma_semaphore, #tpu.memory_space<semaphore_mem>>)
    %add3A_132 = arith.constant 80 : i32
    %add3A_133 = arith.addi %mul3A_2, %add3A_132 : i32
    %multiple_of3A_134 = tpu.assume_multiple %add3A_133, 8 : i32
    %dma_start3A_135 = tpu.memref_slice %arg4[%multiple_of3A_134] : memref<320000xi32, #tpu.memory_space<hbm>> -> memref<80xi32, #tpu.memory_space<hbm>>
    %dma_start3A_136 = tpu.memref_slice %arg4[%multiple_of3A_134] : memref<320000xi32, #tpu.memory_space<hbm>> -> memref<80xi32, #tpu.memory_space<hbm>>
    tpu.enqueue_dma source(%dma_start3A_136 : memref<80xi32, #tpu.memory_space<hbm>>) target(%arg12 : memref<80xi32, #tpu.memory_space<vmem>>) target_semaphore(%arg27 : memref<!tpu.dma_semaphore, #tpu.memory_space<semaphore_mem>>)
    %add3A_137 = arith.constant 80 : i32
    %add3A_138 = arith.addi %mul3A_2, %add3A_137 : i32
    %multiple_of3A_139 = tpu.assume_multiple %add3A_138, 8 : i32
    %dma_wait3A_140 = tpu.memref_slice %arg3[%multiple_of3A_139] : memref<320000xi32, #tpu.memory_space<hbm>> -> memref<80xi32, #tpu.memory_space<hbm>>
    %dma_wait3A_141 = tpu.memref_slice %arg3[%multiple_of3A_139] : memref<320000xi32, #tpu.memory_space<hbm>> -> memref<80xi32, #tpu.memory_space<hbm>>
    tpu.wait_dma2 semaphore(%arg27 : memref<!tpu.dma_semaphore, #tpu.memory_space<semaphore_mem>>) src(%dma_wait3A_141 : memref<80xi32, #tpu.memory_space<hbm>>) dst(%arg10 : memref<80xi32, #tpu.memory_space<vmem>>)
    %add3A_142 = arith.constant 80 : i32
    %add3A_143 = arith.addi %mul3A_2, %add3A_142 : i32
    %multiple_of3A_144 = tpu.assume_multiple %add3A_143, 8 : i32
    %dma_wait3A_145 = tpu.memref_slice %arg4[%multiple_of3A_144] : memref<320000xi32, #tpu.memory_space<hbm>> -> memref<80xi32, #tpu.memory_space<hbm>>
    %dma_wait3A_146 = tpu.memref_slice %arg4[%multiple_of3A_144] : memref<320000xi32, #tpu.memory_space<hbm>> -> memref<80xi32, #tpu.memory_space<hbm>>
    tpu.wait_dma2 semaphore(%arg27 : memref<!tpu.dma_semaphore, #tpu.memory_space<semaphore_mem>>) src(%dma_wait3A_146 : memref<80xi32, #tpu.memory_space<hbm>>) dst(%arg12 : memref<80xi32, #tpu.memory_space<vmem>>)
    %dma_start3A_147 = arith.constant 0 : i32
    %dma_start3A_148 = arith.constant 0 : i32
    %dma_start3A_149 = tpu.memref_slice %arg2[%dma_start3A_147, %dma_start3A_148] : memref<10000x128xf32, #tpu.memory_space<hbm>> -> memref<10000x128xf32, #tpu.memory_space<hbm>>
    tpu.enqueue_indirect_dma source(%dma_start3A_149 : memref<10000x128xf32, #tpu.memory_space<hbm>>) target(%arg16 : memref<80x128xf32, #tpu.memory_space<vmem>>) offsets(%arg12 : memref<80xi32, #tpu.memory_space<vmem>>) semaphore(%arg29 : memref<!tpu.dma_semaphore, #tpu.memory_space<semaphore_mem>>)
    %dma_wait3A_150 = arith.constant 0 : i32
    %dma_wait3A_151 = arith.constant 0 : i32
    %dma_wait3A_152 = tpu.memref_slice %arg2[%dma_wait3A_150, %dma_wait3A_151] : memref<10000x128xf32, #tpu.memory_space<hbm>> -> memref<10000x128xf32, #tpu.memory_space<hbm>>
    tpu.wait_indirect_dma semaphore(%arg28 : memref<!tpu.dma_semaphore, #tpu.memory_space<semaphore_mem>>) src(%dma_wait3A_152 : memref<10000x128xf32, #tpu.memory_space<hbm>>) dst(%arg15 : memref<80x128xf32, #tpu.memory_space<vmem>>)
    %get3A = arith.constant 0 : index
    %get3A_153 = tpu.vector_load %arg17[%get3A] {strides = array<i32>} : memref<16xf32, #tpu.memory_space<vmem>>, vector<16xf32>,
    %get3A_154 = vector.shape_cast %get3A_153 : vector<16xf32> to vector<16xf32>
    %sub3A = arith.constant 1.000000e+00 : f32
    %sub3A_155 = vector.broadcast %sub3A : f32 to vector<16xf32>
    %sub3A_156 = arith.subf %get3A_154, %sub3A_155 : vector<16xf32>
    %get3A_157 = arith.constant 0 : index
    %get3A_158 = tpu.vector_load %arg9[%get3A_157] {strides = array<i32>} : memref<80xi32, #tpu.memory_space<vmem>>, vector<16xi32>,
    %get3A_159 = vector.shape_cast %get3A_158 : vector<16xi32> to vector<16xi32>
    %get3A_160 = arith.constant 0 : index
    %get3A_161 = tpu.vector_load %arg11[%get3A_160] {strides = array<i32>} : memref<80xi32, #tpu.memory_space<vmem>>, vector<16xi32>,
    %get3A_162 = vector.shape_cast %get3A_161 : vector<16xi32> to vector<16xi32>
    %eq3A = arith.cmpi eq, %get3A_159, %get3A_162 : vector<16xi32>
    %jit3A = arith.constant 1.000000e+00 : f32
    %jit3A_163 = arith.constant 0.000000e+00 : f32
    %broadcast_in_dim3A = vector.broadcast %jit3A : f32 to vector<16xf32>
    %broadcast_in_dim3A_164 = vector.broadcast %jit3A_163 : f32 to vector<16xf32>
    %select_n3A = arith.select %eq3A, %broadcast_in_dim3A, %broadcast_in_dim3A_164 : vector<16xi1>, vector<16xf32>
    %swap3A = arith.constant 0 : index
    %swap3A_165 = tpu.vector_load %arg13[%swap3A] {strides = array<i32>} : memref<80xi32, #tpu.memory_space<vmem>>, vector<16xi32>,
    %swap3A_166 = vector.shape_cast %swap3A_165 : vector<16xi32> to vector<16xi32>
    %swap3A_167 = vector.shape_cast %get3A_159 : vector<16xi32> to vector<16xi32>
    tpu.vector_store %arg13[%swap3A], %swap3A_167 {strides = array<i32>} : memref<80xi32, #tpu.memory_space<vmem>>, vector<16xi32>,
    %swap3A_168 = arith.constant 0 : index
    %swap3A_169 = tpu.vector_load %arg20[%swap3A_168] {strides = array<i32>} : memref<80xf32, #tpu.memory_space<vmem>>, vector<16xf32>,
    %swap3A_170 = vector.shape_cast %swap3A_169 : vector<16xf32> to vector<16xf32>
    %swap3A_171 = vector.shape_cast %select_n3A : vector<16xf32> to vector<16xf32>
    tpu.vector_store %arg20[%swap3A_168], %swap3A_171 {strides = array<i32>} : memref<80xf32, #tpu.memory_space<vmem>>, vector<16xf32>,
    %mul3A_172 = arith.mulf %sub3A_156, %select_n3A : vector<16xf32>
    %add3A_173 = arith.constant 1.000000e+00 : f32
    %add3A_174 = vector.broadcast %add3A_173 : f32 to vector<16xf32>
    %add3A_175 = arith.addf %add3A_174, %mul3A_172 : vector<16xf32>
    %swap3A_176 = arith.constant 0 : index
    %swap3A_177 = tpu.vector_load %arg18[%swap3A_176] {strides = array<i32>} : memref<80xf32, #tpu.memory_space<vmem>>, vector<16xf32>,
    %swap3A_178 = vector.shape_cast %swap3A_177 : vector<16xf32> to vector<16xf32>
    %swap3A_179 = vector.shape_cast %add3A_175 : vector<16xf32> to vector<16xf32>
    tpu.vector_store %arg18[%swap3A_176], %swap3A_179 {strides = array<i32>} : memref<80xf32, #tpu.memory_space<vmem>>, vector<16xf32>,
    %get3A_180 = arith.constant 16 : index
    %get3A_181 = tpu.vector_load %arg9[%get3A_180] {strides = array<i32>} : memref<80xi32, #tpu.memory_space<vmem>>, vector<16xi32>,
    %get3A_182 = vector.shape_cast %get3A_181 : vector<16xi32> to vector<16xi32>
    %get3A_183 = arith.constant 16 : index
    %get3A_184 = tpu.vector_load %arg11[%get3A_183] {strides = array<i32>} : memref<80xi32, #tpu.memory_space<vmem>>, vector<16xi32>,
    %get3A_185 = vector.shape_cast %get3A_184 : vector<16xi32> to vector<16xi32>
    %eq3A_186 = arith.cmpi eq, %get3A_182, %get3A_185 : vector<16xi32>
    %jit3A_187 = arith.constant 1.000000e+00 : f32
    %jit3A_188 = arith.constant 0.000000e+00 : f32
    %broadcast_in_dim3A_189 = vector.broadcast %jit3A_187 : f32 to vector<16xf32>
    %broadcast_in_dim3A_190 = vector.broadcast %jit3A_188 : f32 to vector<16xf32>
    %select_n3A_191 = arith.select %eq3A_186, %broadcast_in_dim3A_189, %broadcast_in_dim3A_190 : vector<16xi1>, vector<16xf32>
    %swap3A_192 = arith.constant 16 : index
    %swap3A_193 = tpu.vector_load %arg13[%swap3A_192] {strides = array<i32>} : memref<80xi32, #tpu.memory_space<vmem>>, vector<16xi32>,
    %swap3A_194 = vector.shape_cast %swap3A_193 : vector<16xi32> to vector<16xi32>
    %swap3A_195 = vector.shape_cast %get3A_182 : vector<16xi32> to vector<16xi32>
    tpu.vector_store %arg13[%swap3A_192], %swap3A_195 {strides = array<i32>} : memref<80xi32, #tpu.memory_space<vmem>>, vector<16xi32>,
    %swap3A_196 = arith.constant 16 : index
    %swap3A_197 = tpu.vector_load %arg20[%swap3A_196] {strides = array<i32>} : memref<80xf32, #tpu.memory_space<vmem>>, vector<16xf32>,
    %swap3A_198 = vector.shape_cast %swap3A_197 : vector<16xf32> to vector<16xf32>
    %swap3A_199 = vector.shape_cast %select_n3A_191 : vector<16xf32> to vector<16xf32>
    tpu.vector_store %arg20[%swap3A_196], %swap3A_199 {strides = array<i32>} : memref<80xf32, #tpu.memory_space<vmem>>, vector<16xf32>,
    %mul3A_200 = arith.mulf %sub3A_156, %select_n3A_191 : vector<16xf32>
    %add3A_201 = arith.constant 1.000000e+00 : f32
    %add3A_202 = vector.broadcast %add3A_201 : f32 to vector<16xf32>
    %add3A_203 = arith.addf %add3A_202, %mul3A_200 : vector<16xf32>
    %swap3A_204 = arith.constant 16 : index
    %swap3A_205 = tpu.vector_load %arg18[%swap3A_204] {strides = array<i32>} : memref<80xf32, #tpu.memory_space<vmem>>, vector<16xf32>,
    %swap3A_206 = vector.shape_cast %swap3A_205 : vector<16xf32> to vector<16xf32>
    %swap3A_207 = vector.shape_cast %add3A_203 : vector<16xf32> to vector<16xf32>
    tpu.vector_store %arg18[%swap3A_204], %swap3A_207 {strides = array<i32>} : memref<80xf32, #tpu.memory_space<vmem>>, vector<16xf32>,
    %get3A_208 = arith.constant 32 : index
    %get3A_209 = tpu.vector_load %arg9[%get3A_208] {strides = array<i32>} : memref<80xi32, #tpu.memory_space<vmem>>, vector<16xi32>,
    %get3A_210 = vector.shape_cast %get3A_209 : vector<16xi32> to vector<16xi32>
    %get3A_211 = arith.constant 32 : index
    %get3A_212 = tpu.vector_load %arg11[%get3A_211] {strides = array<i32>} : memref<80xi32, #tpu.memory_space<vmem>>, vector<16xi32>,
    %get3A_213 = vector.shape_cast %get3A_212 : vector<16xi32> to vector<16xi32>
    %eq3A_214 = arith.cmpi eq, %get3A_210, %get3A_213 : vector<16xi32>
    %jit3A_215 = arith.constant 1.000000e+00 : f32
    %jit3A_216 = arith.constant 0.000000e+00 : f32
    %broadcast_in_dim3A_217 = vector.broadcast %jit3A_215 : f32 to vector<16xf32>
    %broadcast_in_dim3A_218 = vector.broadcast %jit3A_216 : f32 to vector<16xf32>
    %select_n3A_219 = arith.select %eq3A_214, %broadcast_in_dim3A_217, %broadcast_in_dim3A_218 : vector<16xi1>, vector<16xf32>
    %swap3A_220 = arith.constant 32 : index
    %swap3A_221 = tpu.vector_load %arg13[%swap3A_220] {strides = array<i32>} : memref<80xi32, #tpu.memory_space<vmem>>, vector<16xi32>,
    %swap3A_222 = vector.shape_cast %swap3A_221 : vector<16xi32> to vector<16xi32>
    %swap3A_223 = vector.shape_cast %get3A_210 : vector<16xi32> to vector<16xi32>
    tpu.vector_store %arg13[%swap3A_220], %swap3A_223 {strides = array<i32>} : memref<80xi32, #tpu.memory_space<vmem>>, vector<16xi32>,
    %swap3A_224 = arith.constant 32 : index
    %swap3A_225 = tpu.vector_load %arg20[%swap3A_224] {strides = array<i32>} : memref<80xf32, #tpu.memory_space<vmem>>, vector<16xf32>,
    %swap3A_226 = vector.shape_cast %swap3A_225 : vector<16xf32> to vector<16xf32>
    %swap3A_227 = vector.shape_cast %select_n3A_219 : vector<16xf32> to vector<16xf32>
    tpu.vector_store %arg20[%swap3A_224], %swap3A_227 {strides = array<i32>} : memref<80xf32, #tpu.memory_space<vmem>>, vector<16xf32>,
    %mul3A_228 = arith.mulf %sub3A_156, %select_n3A_219 : vector<16xf32>
    %add3A_229 = arith.constant 1.000000e+00 : f32
    %add3A_230 = vector.broadcast %add3A_229 : f32 to vector<16xf32>
    %add3A_231 = arith.addf %add3A_230, %mul3A_228 : vector<16xf32>
    %swap3A_232 = arith.constant 32 : index
    %swap3A_233 = tpu.vector_load %arg18[%swap3A_232] {strides = array<i32>} : memref<80xf32, #tpu.memory_space<vmem>>, vector<16xf32>,
    %swap3A_234 = vector.shape_cast %swap3A_233 : vector<16xf32> to vector<16xf32>
    %swap3A_235 = vector.shape_cast %add3A_231 : vector<16xf32> to vector<16xf32>
    tpu.vector_store %arg18[%swap3A_232], %swap3A_235 {strides = array<i32>} : memref<80xf32, #tpu.memory_space<vmem>>, vector<16xf32>,
    %get3A_236 = arith.constant 48 : index
    %get3A_237 = tpu.vector_load %arg9[%get3A_236] {strides = array<i32>} : memref<80xi32, #tpu.memory_space<vmem>>, vector<16xi32>,
    %get3A_238 = vector.shape_cast %get3A_237 : vector<16xi32> to vector<16xi32>
    %get3A_239 = arith.constant 48 : index
    %get3A_240 = tpu.vector_load %arg11[%get3A_239] {strides = array<i32>} : memref<80xi32, #tpu.memory_space<vmem>>, vector<16xi32>,
    %get3A_241 = vector.shape_cast %get3A_240 : vector<16xi32> to vector<16xi32>
    %eq3A_242 = arith.cmpi eq, %get3A_238, %get3A_241 : vector<16xi32>
    %jit3A_243 = arith.constant 1.000000e+00 : f32
    %jit3A_244 = arith.constant 0.000000e+00 : f32
    %broadcast_in_dim3A_245 = vector.broadcast %jit3A_243 : f32 to vector<16xf32>
    %broadcast_in_dim3A_246 = vector.broadcast %jit3A_244 : f32 to vector<16xf32>
    %select_n3A_247 = arith.select %eq3A_242, %broadcast_in_dim3A_245, %broadcast_in_dim3A_246 : vector<16xi1>, vector<16xf32>
    %swap3A_248 = arith.constant 48 : index
    %swap3A_249 = tpu.vector_load %arg13[%swap3A_248] {strides = array<i32>} : memref<80xi32, #tpu.memory_space<vmem>>, vector<16xi32>,
    %swap3A_250 = vector.shape_cast %swap3A_249 : vector<16xi32> to vector<16xi32>
    %swap3A_251 = vector.shape_cast %get3A_238 : vector<16xi32> to vector<16xi32>
    tpu.vector_store %arg13[%swap3A_248], %swap3A_251 {strides = array<i32>} : memref<80xi32, #tpu.memory_space<vmem>>, vector<16xi32>,
    %swap3A_252 = arith.constant 48 : index
    %swap3A_253 = tpu.vector_load %arg20[%swap3A_252] {strides = array<i32>} : memref<80xf32, #tpu.memory_space<vmem>>, vector<16xf32>,
    %swap3A_254 = vector.shape_cast %swap3A_253 : vector<16xf32> to vector<16xf32>
    %swap3A_255 = vector.shape_cast %select_n3A_247 : vector<16xf32> to vector<16xf32>
    tpu.vector_store %arg20[%swap3A_252], %swap3A_255 {strides = array<i32>} : memref<80xf32, #tpu.memory_space<vmem>>, vector<16xf32>,
    %mul3A_256 = arith.mulf %sub3A_156, %select_n3A_247 : vector<16xf32>
    %add3A_257 = arith.constant 1.000000e+00 : f32
    %add3A_258 = vector.broadcast %add3A_257 : f32 to vector<16xf32>
    %add3A_259 = arith.addf %add3A_258, %mul3A_256 : vector<16xf32>
    %swap3A_260 = arith.constant 48 : index
    %swap3A_261 = tpu.vector_load %arg18[%swap3A_260] {strides = array<i32>} : memref<80xf32, #tpu.memory_space<vmem>>, vector<16xf32>,
    %swap3A_262 = vector.shape_cast %swap3A_261 : vector<16xf32> to vector<16xf32>
    %swap3A_263 = vector.shape_cast %add3A_259 : vector<16xf32> to vector<16xf32>
    tpu.vector_store %arg18[%swap3A_260], %swap3A_263 {strides = array<i32>} : memref<80xf32, #tpu.memory_space<vmem>>, vector<16xf32>,
    %get3A_264 = arith.constant 64 : index
    %get3A_265 = tpu.vector_load %arg9[%get3A_264] {strides = array<i32>} : memref<80xi32, #tpu.memory_space<vmem>>, vector<16xi32>,
    %get3A_266 = vector.shape_cast %get3A_265 : vector<16xi32> to vector<16xi32>
    %get3A_267 = arith.constant 64 : index
    %get3A_268 = tpu.vector_load %arg11[%get3A_267] {strides = array<i32>} : memref<80xi32, #tpu.memory_space<vmem>>, vector<16xi32>,
    %get3A_269 = vector.shape_cast %get3A_268 : vector<16xi32> to vector<16xi32>
    %eq3A_270 = arith.cmpi eq, %get3A_266, %get3A_269 : vector<16xi32>
    %jit3A_271 = arith.constant 1.000000e+00 : f32
    %jit3A_272 = arith.constant 0.000000e+00 : f32
    %broadcast_in_dim3A_273 = vector.broadcast %jit3A_271 : f32 to vector<16xf32>
    %broadcast_in_dim3A_274 = vector.broadcast %jit3A_272 : f32 to vector<16xf32>
    %select_n3A_275 = arith.select %eq3A_270, %broadcast_in_dim3A_273, %broadcast_in_dim3A_274 : vector<16xi1>, vector<16xf32>
    %swap3A_276 = arith.constant 64 : index
    %swap3A_277 = tpu.vector_load %arg13[%swap3A_276] {strides = array<i32>} : memref<80xi32, #tpu.memory_space<vmem>>, vector<16xi32>,
    %swap3A_278 = vector.shape_cast %swap3A_277 : vector<16xi32> to vector<16xi32>
    %swap3A_279 = vector.shape_cast %get3A_266 : vector<16xi32> to vector<16xi32>
    tpu.vector_store %arg13[%swap3A_276], %swap3A_279 {strides = array<i32>} : memref<80xi32, #tpu.memory_space<vmem>>, vector<16xi32>,
    %swap3A_280 = arith.constant 64 : index
    %swap3A_281 = tpu.vector_load %arg20[%swap3A_280] {strides = array<i32>} : memref<80xf32, #tpu.memory_space<vmem>>, vector<16xf32>,
    %swap3A_282 = vector.shape_cast %swap3A_281 : vector<16xf32> to vector<16xf32>
    %swap3A_283 = vector.shape_cast %select_n3A_275 : vector<16xf32> to vector<16xf32>
    tpu.vector_store %arg20[%swap3A_280], %swap3A_283 {strides = array<i32>} : memref<80xf32, #tpu.memory_space<vmem>>, vector<16xf32>,
    %mul3A_284 = arith.mulf %sub3A_156, %select_n3A_275 : vector<16xf32>
    %add3A_285 = arith.constant 1.000000e+00 : f32
    %add3A_286 = vector.broadcast %add3A_285 : f32 to vector<16xf32>
    %add3A_287 = arith.addf %add3A_286, %mul3A_284 : vector<16xf32>
    %swap3A_288 = arith.constant 64 : index
    %swap3A_289 = tpu.vector_load %arg18[%swap3A_288] {strides = array<i32>} : memref<80xf32, #tpu.memory_space<vmem>>, vector<16xf32>,
    %swap3A_290 = vector.shape_cast %swap3A_289 : vector<16xf32> to vector<16xf32>
    %swap3A_291 = vector.shape_cast %add3A_287 : vector<16xf32> to vector<16xf32>
    tpu.vector_store %arg18[%swap3A_288], %swap3A_291 {strides = array<i32>} : memref<80xf32, #tpu.memory_space<vmem>>, vector<16xf32>,
    %dma_start3A_292 = arith.constant 0 : i32
    %dma_start3A_293 = arith.constant 0 : i32
    %dma_start3A_294 = tpu.memref_slice %arg23[%dma_start3A_292, %dma_start3A_293] : memref<10240x128xf32, #tpu.memory_space<vmem_shared>> -> memref<10240x128xf32, #tpu.memory_space<vmem_shared>>
    tpu.enqueue_indirect_dma source(%arg15 : memref<80x128xf32, #tpu.memory_space<vmem>>) target(%dma_start3A_294 : memref<10240x128xf32, #tpu.memory_space<vmem_shared>>) offsets(%arg13 : memref<80xi32, #tpu.memory_space<vmem>>) semaphore(%arg30 : memref<!tpu.dma_semaphore, #tpu.memory_space<semaphore_mem>>) {add = true}
    %dma_start3A_295 = arith.constant 0 : i32
    %dma_start3A_296 = tpu.memref_slice %arg24[%dma_start3A_295] : memref<10240xf32, #tpu.memory_space<vmem_shared>> -> memref<10240xf32, #tpu.memory_space<vmem_shared>>
    tpu.enqueue_indirect_dma source(%arg18 : memref<80xf32, #tpu.memory_space<vmem>>) target(%dma_start3A_296 : memref<10240xf32, #tpu.memory_space<vmem_shared>>) offsets(%arg13 : memref<80xi32, #tpu.memory_space<vmem>>) semaphore(%arg32 : memref<!tpu.dma_semaphore, #tpu.memory_space<semaphore_mem>>) {add = true}
    %dma_start3A_297 = arith.constant 0 : i32
    %dma_start3A_298 = tpu.memref_slice %arg25[%dma_start3A_297] : memref<10240xf32, #tpu.memory_space<vmem_shared>> -> memref<10240xf32, #tpu.memory_space<vmem_shared>>
    tpu.enqueue_indirect_dma source(%arg20 : memref<80xf32, #tpu.memory_space<vmem>>) target(%dma_start3A_298 : memref<10240xf32, #tpu.memory_space<vmem_shared>>) offsets(%arg13 : memref<80xi32, #tpu.memory_space<vmem>>) semaphore(%arg32 : memref<!tpu.dma_semaphore, #tpu.memory_space<semaphore_mem>>) {add = true}
    %add3A_299 = arith.constant 160 : i32
    %add3A_300 = arith.addi %mul3A_2, %add3A_299 : i32
    %multiple_of3A_301 = tpu.assume_multiple %add3A_300, 8 : i32
    %dma_start3A_302 = tpu.memref_slice %arg3[%multiple_of3A_301] : memref<320000xi32, #tpu.memory_space<hbm>> -> memref<80xi32, #tpu.memory_space<hbm>>
    %dma_start3A_303 = tpu.memref_slice %arg3[%multiple_of3A_301] : memref<320000xi32, #tpu.memory_space<hbm>> -> memref<80xi32, #tpu.memory_space<hbm>>
    tpu.enqueue_dma source(%dma_start3A_303 : memref<80xi32, #tpu.memory_space<hbm>>) target(%arg9 : memref<80xi32, #tpu.memory_space<vmem>>) target_semaphore(%arg26 : memref<!tpu.dma_semaphore, #tpu.memory_space<semaphore_mem>>)
    %add3A_304 = arith.constant 160 : i32
    %add3A_305 = arith.addi %mul3A_2, %add3A_304 : i32
    %multiple_of3A_306 = tpu.assume_multiple %add3A_305, 8 : i32
    %dma_start3A_307 = tpu.memref_slice %arg4[%multiple_of3A_306] : memref<320000xi32, #tpu.memory_space<hbm>> -> memref<80xi32, #tpu.memory_space<hbm>>
    %dma_start3A_308 = tpu.memref_slice %arg4[%multiple_of3A_306] : memref<320000xi32, #tpu.memory_space<hbm>> -> memref<80xi32, #tpu.memory_space<hbm>>
    tpu.enqueue_dma source(%dma_start3A_308 : memref<80xi32, #tpu.memory_space<hbm>>) target(%arg11 : memref<80xi32, #tpu.memory_space<vmem>>) target_semaphore(%arg26 : memref<!tpu.dma_semaphore, #tpu.memory_space<semaphore_mem>>)
    %add3A_309 = arith.constant 160 : i32
    %add3A_310 = arith.addi %mul3A_2, %add3A_309 : i32
    %multiple_of3A_311 = tpu.assume_multiple %add3A_310, 8 : i32
    %dma_wait3A_312 = tpu.memref_slice %arg3[%multiple_of3A_311] : memref<320000xi32, #tpu.memory_space<hbm>> -> memref<80xi32, #tpu.memory_space<hbm>>
    %dma_wait3A_313 = tpu.memref_slice %arg3[%multiple_of3A_311] : memref<320000xi32, #tpu.memory_space<hbm>> -> memref<80xi32, #tpu.memory_space<hbm>>
    tpu.wait_dma2 semaphore(%arg26 : memref<!tpu.dma_semaphore, #tpu.memory_space<semaphore_mem>>) src(%dma_wait3A_313 : memref<80xi32, #tpu.memory_space<hbm>>) dst(%arg9 : memref<80xi32, #tpu.memory_space<vmem>>)
    %add3A_314 = arith.constant 160 : i32
    %add3A_315 = arith.addi %mul3A_2, %add3A_314 : i32
    %multiple_of3A_316 = tpu.assume_multiple %add3A_315, 8 : i32
    %dma_wait3A_317 = tpu.memref_slice %arg4[%multiple_of3A_316] : memref<320000xi32, #tpu.memory_space<hbm>> -> memref<80xi32, #tpu.memory_space<hbm>>
    %dma_wait3A_318 = tpu.memref_slice %arg4[%multiple_of3A_316] : memref<320000xi32, #tpu.memory_space<hbm>> -> memref<80xi32, #tpu.memory_space<hbm>>
    tpu.wait_dma2 semaphore(%arg26 : memref<!tpu.dma_semaphore, #tpu.memory_space<semaphore_mem>>) src(%dma_wait3A_318 : memref<80xi32, #tpu.memory_space<hbm>>) dst(%arg11 : memref<80xi32, #tpu.memory_space<vmem>>)
    %dma_wait3A_319 = arith.constant 0 : i32
    %dma_wait3A_320 = arith.constant 0 : i32
    %dma_wait3A_321 = tpu.memref_slice %arg23[%dma_wait3A_319, %dma_wait3A_320] : memref<10240x128xf32, #tpu.memory_space<vmem_shared>> -> memref<10240x128xf32, #tpu.memory_space<vmem_shared>>
    tpu.wait_indirect_dma semaphore(%arg30 : memref<!tpu.dma_semaphore, #tpu.memory_space<semaphore_mem>>) src(%arg15 : memref<80x128xf32, #tpu.memory_space<vmem>>) dst(%dma_wait3A_321 : memref<10240x128xf32, #tpu.memory_space<vmem_shared>>)
    %dma_start3A_322 = arith.constant 0 : i32
    %dma_start3A_323 = arith.constant 0 : i32
    %dma_start3A_324 = tpu.memref_slice %arg2[%dma_start3A_322, %dma_start3A_323] : memref<10000x128xf32, #tpu.memory_space<hbm>> -> memref<10000x128xf32, #tpu.memory_space<hbm>>
    tpu.enqueue_indirect_dma source(%dma_start3A_324 : memref<10000x128xf32, #tpu.memory_space<hbm>>) target(%arg15 : memref<80x128xf32, #tpu.memory_space<vmem>>) offsets(%arg11 : memref<80xi32, #tpu.memory_space<vmem>>) semaphore(%arg28 : memref<!tpu.dma_semaphore, #tpu.memory_space<semaphore_mem>>)
    %dma_wait3A_325 = arith.constant 0 : i32
    %dma_wait3A_326 = arith.constant 0 : i32
    %dma_wait3A_327 = tpu.memref_slice %arg2[%dma_wait3A_325, %dma_wait3A_326] : memref<10000x128xf32, #tpu.memory_space<hbm>> -> memref<10000x128xf32, #tpu.memory_space<hbm>>
    tpu.wait_indirect_dma semaphore(%arg29 : memref<!tpu.dma_semaphore, #tpu.memory_space<semaphore_mem>>) src(%dma_wait3A_327 : memref<10000x128xf32, #tpu.memory_space<hbm>>) dst(%arg16 : memref<80x128xf32, #tpu.memory_space<vmem>>)
    %get3A_328 = arith.constant 0 : index
    %get3A_329 = tpu.vector_load %arg17[%get3A_328] {strides = array<i32>} : memref<16xf32, #tpu.memory_space<vmem>>, vector<16xf32>,
    %get3A_330 = vector.shape_cast %get3A_329 : vector<16xf32> to vector<16xf32>
    %sub3A_331 = arith.constant 1.000000e+00 : f32
    %sub3A_332 = vector.broadcast %sub3A_331 : f32 to vector<16xf32>
    %sub3A_333 = arith.subf %get3A_330, %sub3A_332 : vector<16xf32>
    %get3A_334 = arith.constant 0 : index
    %get3A_335 = tpu.vector_load %arg10[%get3A_334] {strides = array<i32>} : memref<80xi32, #tpu.memory_space<vmem>>, vector<16xi32>,
    %get3A_336 = vector.shape_cast %get3A_335 : vector<16xi32> to vector<16xi32>
    %get3A_337 = arith.constant 0 : index
    %get3A_338 = tpu.vector_load %arg12[%get3A_337] {strides = array<i32>} : memref<80xi32, #tpu.memory_space<vmem>>, vector<16xi32>,
    %get3A_339 = vector.shape_cast %get3A_338 : vector<16xi32> to vector<16xi32>
    %eq3A_340 = arith.cmpi eq, %get3A_336, %get3A_339 : vector<16xi32>
    %jit3A_341 = arith.constant 1.000000e+00 : f32
    %jit3A_342 = arith.constant 0.000000e+00 : f32
    %broadcast_in_dim3A_343 = vector.broadcast %jit3A_341 : f32 to vector<16xf32>
    %broadcast_in_dim3A_344 = vector.broadcast %jit3A_342 : f32 to vector<16xf32>
    %select_n3A_345 = arith.select %eq3A_340, %broadcast_in_dim3A_343, %broadcast_in_dim3A_344 : vector<16xi1>, vector<16xf32>
    %swap3A_346 = arith.constant 0 : index
    %swap3A_347 = tpu.vector_load %arg14[%swap3A_346] {strides = array<i32>} : memref<80xi32, #tpu.memory_space<vmem>>, vector<16xi32>,
    %swap3A_348 = vector.shape_cast %swap3A_347 : vector<16xi32> to vector<16xi32>
    %swap3A_349 = vector.shape_cast %get3A_336 : vector<16xi32> to vector<16xi32>
    tpu.vector_store %arg14[%swap3A_346], %swap3A_349 {strides = array<i32>} : memref<80xi32, #tpu.memory_space<vmem>>, vector<16xi32>,
    %swap3A_350 = arith.constant 0 : index
    %swap3A_351 = tpu.vector_load %arg21[%swap3A_350] {strides = array<i32>} : memref<80xf32, #tpu.memory_space<vmem>>, vector<16xf32>,
    %swap3A_352 = vector.shape_cast %swap3A_351 : vector<16xf32> to vector<16xf32>
    %swap3A_353 = vector.shape_cast %select_n3A_345 : vector<16xf32> to vector<16xf32>
    tpu.vector_store %arg21[%swap3A_350], %swap3A_353 {strides = array<i32>} : memref<80xf32, #tpu.memory_space<vmem>>, vector<16xf32>,
    %mul3A_354 = arith.mulf %sub3A_333, %select_n3A_345 : vector<16xf32>
    %add3A_355 = arith.constant 1.000000e+00 : f32
    %add3A_356 = vector.broadcast %add3A_355 : f32 to vector<16xf32>
    %add3A_357 = arith.addf %add3A_356, %mul3A_354 : vector<16xf32>
    %swap3A_358 = arith.constant 0 : index
    %swap3A_359 = tpu.vector_load %arg19[%swap3A_358] {strides = array<i32>} : memref<80xf32, #tpu.memory_space<vmem>>, vector<16xf32>,
    %swap3A_360 = vector.shape_cast %swap3A_359 : vector<16xf32> to vector<16xf32>
    %swap3A_361 = vector.shape_cast %add3A_357 : vector<16xf32> to vector<16xf32>
    tpu.vector_store %arg19[%swap3A_358], %swap3A_361 {strides = array<i32>} : memref<80xf32, #tpu.memory_space<vmem>>, vector<16xf32>,
    %get3A_362 = arith.constant 16 : index
    %get3A_363 = tpu.vector_load %arg10[%get3A_362] {strides = array<i32>} : memref<80xi32, #tpu.memory_space<vmem>>, vector<16xi32>,
    %get3A_364 = vector.shape_cast %get3A_363 : vector<16xi32> to vector<16xi32>
    %get3A_365 = arith.constant 16 : index
    %get3A_366 = tpu.vector_load %arg12[%get3A_365] {strides = array<i32>} : memref<80xi32, #tpu.memory_space<vmem>>, vector<16xi32>,
    %get3A_367 = vector.shape_cast %get3A_366 : vector<16xi32> to vector<16xi32>
    %eq3A_368 = arith.cmpi eq, %get3A_364, %get3A_367 : vector<16xi32>
    %jit3A_369 = arith.constant 1.000000e+00 : f32
    %jit3A_370 = arith.constant 0.000000e+00 : f32
    %broadcast_in_dim3A_371 = vector.broadcast %jit3A_369 : f32 to vector<16xf32>
    %broadcast_in_dim3A_372 = vector.broadcast %jit3A_370 : f32 to vector<16xf32>
    %select_n3A_373 = arith.select %eq3A_368, %broadcast_in_dim3A_371, %broadcast_in_dim3A_372 : vector<16xi1>, vector<16xf32>
    %swap3A_374 = arith.constant 16 : index
    %swap3A_375 = tpu.vector_load %arg14[%swap3A_374] {strides = array<i32>} : memref<80xi32, #tpu.memory_space<vmem>>, vector<16xi32>,
    %swap3A_376 = vector.shape_cast %swap3A_375 : vector<16xi32> to vector<16xi32>
    %swap3A_377 = vector.shape_cast %get3A_364 : vector<16xi32> to vector<16xi32>
    tpu.vector_store %arg14[%swap3A_374], %swap3A_377 {strides = array<i32>} : memref<80xi32, #tpu.memory_space<vmem>>, vector<16xi32>,
    %swap3A_378 = arith.constant 16 : index
    %swap3A_379 = tpu.vector_load %arg21[%swap3A_378] {strides = array<i32>} : memref<80xf32, #tpu.memory_space<vmem>>, vector<16xf32>,
    %swap3A_380 = vector.shape_cast %swap3A_379 : vector<16xf32> to vector<16xf32>
    %swap3A_381 = vector.shape_cast %select_n3A_373 : vector<16xf32> to vector<16xf32>
    tpu.vector_store %arg21[%swap3A_378], %swap3A_381 {strides = array<i32>} : memref<80xf32, #tpu.memory_space<vmem>>, vector<16xf32>,
    %mul3A_382 = arith.mulf %sub3A_333, %select_n3A_373 : vector<16xf32>
    %add3A_383 = arith.constant 1.000000e+00 : f32
    %add3A_384 = vector.broadcast %add3A_383 : f32 to vector<16xf32>
    %add3A_385 = arith.addf %add3A_384, %mul3A_382 : vector<16xf32>
    %swap3A_386 = arith.constant 16 : index
    %swap3A_387 = tpu.vector_load %arg19[%swap3A_386] {strides = array<i32>} : memref<80xf32, #tpu.memory_space<vmem>>, vector<16xf32>,
    %swap3A_388 = vector.shape_cast %swap3A_387 : vector<16xf32> to vector<16xf32>
    %swap3A_389 = vector.shape_cast %add3A_385 : vector<16xf32> to vector<16xf32>
    tpu.vector_store %arg19[%swap3A_386], %swap3A_389 {strides = array<i32>} : memref<80xf32, #tpu.memory_space<vmem>>, vector<16xf32>,
    %get3A_390 = arith.constant 32 : index
    %get3A_391 = tpu.vector_load %arg10[%get3A_390] {strides = array<i32>} : memref<80xi32, #tpu.memory_space<vmem>>, vector<16xi32>,
    %get3A_392 = vector.shape_cast %get3A_391 : vector<16xi32> to vector<16xi32>
    %get3A_393 = arith.constant 32 : index
    %get3A_394 = tpu.vector_load %arg12[%get3A_393] {strides = array<i32>} : memref<80xi32, #tpu.memory_space<vmem>>, vector<16xi32>,
    %get3A_395 = vector.shape_cast %get3A_394 : vector<16xi32> to vector<16xi32>
    %eq3A_396 = arith.cmpi eq, %get3A_392, %get3A_395 : vector<16xi32>
    %jit3A_397 = arith.constant 1.000000e+00 : f32
    %jit3A_398 = arith.constant 0.000000e+00 : f32
    %broadcast_in_dim3A_399 = vector.broadcast %jit3A_397 : f32 to vector<16xf32>
    %broadcast_in_dim3A_400 = vector.broadcast %jit3A_398 : f32 to vector<16xf32>
    %select_n3A_401 = arith.select %eq3A_396, %broadcast_in_dim3A_399, %broadcast_in_dim3A_400 : vector<16xi1>, vector<16xf32>
    %swap3A_402 = arith.constant 32 : index
    %swap3A_403 = tpu.vector_load %arg14[%swap3A_402] {strides = array<i32>} : memref<80xi32, #tpu.memory_space<vmem>>, vector<16xi32>,
    %swap3A_404 = vector.shape_cast %swap3A_403 : vector<16xi32> to vector<16xi32>
    %swap3A_405 = vector.shape_cast %get3A_392 : vector<16xi32> to vector<16xi32>
    tpu.vector_store %arg14[%swap3A_402], %swap3A_405 {strides = array<i32>} : memref<80xi32, #tpu.memory_space<vmem>>, vector<16xi32>,
    %swap3A_406 = arith.constant 32 : index
    %swap3A_407 = tpu.vector_load %arg21[%swap3A_406] {strides = array<i32>} : memref<80xf32, #tpu.memory_space<vmem>>, vector<16xf32>,
    %swap3A_408 = vector.shape_cast %swap3A_407 : vector<16xf32> to vector<16xf32>
    %swap3A_409 = vector.shape_cast %select_n3A_401 : vector<16xf32> to vector<16xf32>
    tpu.vector_store %arg21[%swap3A_406], %swap3A_409 {strides = array<i32>} : memref<80xf32, #tpu.memory_space<vmem>>, vector<16xf32>,
    %mul3A_410 = arith.mulf %sub3A_333, %select_n3A_401 : vector<16xf32>
    %add3A_411 = arith.constant 1.000000e+00 : f32
    %add3A_412 = vector.broadcast %add3A_411 : f32 to vector<16xf32>
    %add3A_413 = arith.addf %add3A_412, %mul3A_410 : vector<16xf32>
    %swap3A_414 = arith.constant 32 : index
    %swap3A_415 = tpu.vector_load %arg19[%swap3A_414] {strides = array<i32>} : memref<80xf32, #tpu.memory_space<vmem>>, vector<16xf32>,
    %swap3A_416 = vector.shape_cast %swap3A_415 : vector<16xf32> to vector<16xf32>
    %swap3A_417 = vector.shape_cast %add3A_413 : vector<16xf32> to vector<16xf32>
    tpu.vector_store %arg19[%swap3A_414], %swap3A_417 {strides = array<i32>} : memref<80xf32, #tpu.memory_space<vmem>>, vector<16xf32>,
    %get3A_418 = arith.constant 48 : index
    %get3A_419 = tpu.vector_load %arg10[%get3A_418] {strides = array<i32>} : memref<80xi32, #tpu.memory_space<vmem>>, vector<16xi32>,
    %get3A_420 = vector.shape_cast %get3A_419 : vector<16xi32> to vector<16xi32>
    %get3A_421 = arith.constant 48 : index
    %get3A_422 = tpu.vector_load %arg12[%get3A_421] {strides = array<i32>} : memref<80xi32, #tpu.memory_space<vmem>>, vector<16xi32>,
    %get3A_423 = vector.shape_cast %get3A_422 : vector<16xi32> to vector<16xi32>
    %eq3A_424 = arith.cmpi eq, %get3A_420, %get3A_423 : vector<16xi32>
    %jit3A_425 = arith.constant 1.000000e+00 : f32
    %jit3A_426 = arith.constant 0.000000e+00 : f32
    %broadcast_in_dim3A_427 = vector.broadcast %jit3A_425 : f32 to vector<16xf32>
    %broadcast_in_dim3A_428 = vector.broadcast %jit3A_426 : f32 to vector<16xf32>
    %select_n3A_429 = arith.select %eq3A_424, %broadcast_in_dim3A_427, %broadcast_in_dim3A_428 : vector<16xi1>, vector<16xf32>
    %swap3A_430 = arith.constant 48 : index
    %swap3A_431 = tpu.vector_load %arg14[%swap3A_430] {strides = array<i32>} : memref<80xi32, #tpu.memory_space<vmem>>, vector<16xi32>,
    %swap3A_432 = vector.shape_cast %swap3A_431 : vector<16xi32> to vector<16xi32>
    %swap3A_433 = vector.shape_cast %get3A_420 : vector<16xi32> to vector<16xi32>
    tpu.vector_store %arg14[%swap3A_430], %swap3A_433 {strides = array<i32>} : memref<80xi32, #tpu.memory_space<vmem>>, vector<16xi32>,
    %swap3A_434 = arith.constant 48 : index
    %swap3A_435 = tpu.vector_load %arg21[%swap3A_434] {strides = array<i32>} : memref<80xf32, #tpu.memory_space<vmem>>, vector<16xf32>,
    %swap3A_436 = vector.shape_cast %swap3A_435 : vector<16xf32> to vector<16xf32>
    %swap3A_437 = vector.shape_cast %select_n3A_429 : vector<16xf32> to vector<16xf32>
    tpu.vector_store %arg21[%swap3A_434], %swap3A_437 {strides = array<i32>} : memref<80xf32, #tpu.memory_space<vmem>>, vector<16xf32>,
    %mul3A_438 = arith.mulf %sub3A_333, %select_n3A_429 : vector<16xf32>
    %add3A_439 = arith.constant 1.000000e+00 : f32
    %add3A_440 = vector.broadcast %add3A_439 : f32 to vector<16xf32>
    %add3A_441 = arith.addf %add3A_440, %mul3A_438 : vector<16xf32>
    %swap3A_442 = arith.constant 48 : index
    %swap3A_443 = tpu.vector_load %arg19[%swap3A_442] {strides = array<i32>} : memref<80xf32, #tpu.memory_space<vmem>>, vector<16xf32>,
    %swap3A_444 = vector.shape_cast %swap3A_443 : vector<16xf32> to vector<16xf32>
    %swap3A_445 = vector.shape_cast %add3A_441 : vector<16xf32> to vector<16xf32>
    tpu.vector_store %arg19[%swap3A_442], %swap3A_445 {strides = array<i32>} : memref<80xf32, #tpu.memory_space<vmem>>, vector<16xf32>,
    %get3A_446 = arith.constant 64 : index
    %get3A_447 = tpu.vector_load %arg10[%get3A_446] {strides = array<i32>} : memref<80xi32, #tpu.memory_space<vmem>>, vector<16xi32>,
    %get3A_448 = vector.shape_cast %get3A_447 : vector<16xi32> to vector<16xi32>
    %get3A_449 = arith.constant 64 : index
    %get3A_450 = tpu.vector_load %arg12[%get3A_449] {strides = array<i32>} : memref<80xi32, #tpu.memory_space<vmem>>, vector<16xi32>,
    %get3A_451 = vector.shape_cast %get3A_450 : vector<16xi32> to vector<16xi32>
    %eq3A_452 = arith.cmpi eq, %get3A_448, %get3A_451 : vector<16xi32>
    %jit3A_453 = arith.constant 1.000000e+00 : f32
    %jit3A_454 = arith.constant 0.000000e+00 : f32
    %broadcast_in_dim3A_455 = vector.broadcast %jit3A_453 : f32 to vector<16xf32>
    %broadcast_in_dim3A_456 = vector.broadcast %jit3A_454 : f32 to vector<16xf32>
    %select_n3A_457 = arith.select %eq3A_452, %broadcast_in_dim3A_455, %broadcast_in_dim3A_456 : vector<16xi1>, vector<16xf32>
    %swap3A_458 = arith.constant 64 : index
    %swap3A_459 = tpu.vector_load %arg14[%swap3A_458] {strides = array<i32>} : memref<80xi32, #tpu.memory_space<vmem>>, vector<16xi32>,
    %swap3A_460 = vector.shape_cast %swap3A_459 : vector<16xi32> to vector<16xi32>
    %swap3A_461 = vector.shape_cast %get3A_448 : vector<16xi32> to vector<16xi32>
    tpu.vector_store %arg14[%swap3A_458], %swap3A_461 {strides = array<i32>} : memref<80xi32, #tpu.memory_space<vmem>>, vector<16xi32>,
    %swap3A_462 = arith.constant 64 : index
    %swap3A_463 = tpu.vector_load %arg21[%swap3A_462] {strides = array<i32>} : memref<80xf32, #tpu.memory_space<vmem>>, vector<16xf32>,
    %swap3A_464 = vector.shape_cast %swap3A_463 : vector<16xf32> to vector<16xf32>
    %swap3A_465 = vector.shape_cast %select_n3A_457 : vector<16xf32> to vector<16xf32>
    tpu.vector_store %arg21[%swap3A_462], %swap3A_465 {strides = array<i32>} : memref<80xf32, #tpu.memory_space<vmem>>, vector<16xf32>,
    %mul3A_466 = arith.mulf %sub3A_333, %select_n3A_457 : vector<16xf32>
    %add3A_467 = arith.constant 1.000000e+00 : f32
    %add3A_468 = vector.broadcast %add3A_467 : f32 to vector<16xf32>
    %add3A_469 = arith.addf %add3A_468, %mul3A_466 : vector<16xf32>
    %swap3A_470 = arith.constant 64 : index
    %swap3A_471 = tpu.vector_load %arg19[%swap3A_470] {strides = array<i32>} : memref<80xf32, #tpu.memory_space<vmem>>, vector<16xf32>,
    %swap3A_472 = vector.shape_cast %swap3A_471 : vector<16xf32> to vector<16xf32>
    %swap3A_473 = vector.shape_cast %add3A_469 : vector<16xf32> to vector<16xf32>
    tpu.vector_store %arg19[%swap3A_470], %swap3A_473 {strides = array<i32>} : memref<80xf32, #tpu.memory_space<vmem>>, vector<16xf32>,
    %dma_start3A_474 = arith.constant 0 : i32
    %dma_start3A_475 = arith.constant 0 : i32
    %dma_start3A_476 = tpu.memref_slice %arg23[%dma_start3A_474, %dma_start3A_475] : memref<10240x128xf32, #tpu.memory_space<vmem_shared>> -> memref<10240x128xf32, #tpu.memory_space<vmem_shared>>
    tpu.enqueue_indirect_dma source(%arg16 : memref<80x128xf32, #tpu.memory_space<vmem>>) target(%dma_start3A_476 : memref<10240x128xf32, #tpu.memory_space<vmem_shared>>) offsets(%arg14 : memref<80xi32, #tpu.memory_space<vmem>>) semaphore(%arg31 : memref<!tpu.dma_semaphore, #tpu.memory_space<semaphore_mem>>) {add = true}
    %dma_start3A_477 = arith.constant 0 : i32
    %dma_start3A_478 = tpu.memref_slice %arg24[%dma_start3A_477] : memref<10240xf32, #tpu.memory_space<vmem_shared>> -> memref<10240xf32, #tpu.memory_space<vmem_shared>>
    tpu.enqueue_indirect_dma source(%arg19 : memref<80xf32, #tpu.memory_space<vmem>>) target(%dma_start3A_478 : memref<10240xf32, #tpu.memory_space<vmem_shared>>) offsets(%arg14 : memref<80xi32, #tpu.memory_space<vmem>>) semaphore(%arg33 : memref<!tpu.dma_semaphore, #tpu.memory_space<semaphore_mem>>) {add = true}
    %dma_start3A_479 = arith.constant 0 : i32
    %dma_start3A_480 = tpu.memref_slice %arg25[%dma_start3A_479] : memref<10240xf32, #tpu.memory_space<vmem_shared>> -> memref<10240xf32, #tpu.memory_space<vmem_shared>>
    tpu.enqueue_indirect_dma source(%arg21 : memref<80xf32, #tpu.memory_space<vmem>>) target(%dma_start3A_480 : memref<10240xf32, #tpu.memory_space<vmem_shared>>) offsets(%arg14 : memref<80xi32, #tpu.memory_space<vmem>>) semaphore(%arg33 : memref<!tpu.dma_semaphore, #tpu.memory_space<semaphore_mem>>) {add = true}
    %add3A_481 = arith.constant 240 : i32
    %add3A_482 = arith.addi %mul3A_2, %add3A_481 : i32
    %multiple_of3A_483 = tpu.assume_multiple %add3A_482, 8 : i32
    %dma_start3A_484 = tpu.memref_slice %arg3[%multiple_of3A_483] : memref<320000xi32, #tpu.memory_space<hbm>> -> memref<80xi32, #tpu.memory_space<hbm>>
    %dma_start3A_485 = tpu.memref_slice %arg3[%multiple_of3A_483] : memref<320000xi32, #tpu.memory_space<hbm>> -> memref<80xi32, #tpu.memory_space<hbm>>
    tpu.enqueue_dma source(%dma_start3A_485 : memref<80xi32, #tpu.memory_space<hbm>>) target(%arg10 : memref<80xi32, #tpu.memory_space<vmem>>) target_semaphore(%arg27 : memref<!tpu.dma_semaphore, #tpu.memory_space<semaphore_mem>>)
    %add3A_486 = arith.constant 240 : i32
    %add3A_487 = arith.addi %mul3A_2, %add3A_486 : i32
    %multiple_of3A_488 = tpu.assume_multiple %add3A_487, 8 : i32
    %dma_start3A_489 = tpu.memref_slice %arg4[%multiple_of3A_488] : memref<320000xi32, #tpu.memory_space<hbm>> -> memref<80xi32, #tpu.memory_space<hbm>>
    %dma_start3A_490 = tpu.memref_slice %arg4[%multiple_of3A_488] : memref<320000xi32, #tpu.memory_space<hbm>> -> memref<80xi32, #tpu.memory_space<hbm>>
    tpu.enqueue_dma source(%dma_start3A_490 : memref<80xi32, #tpu.memory_space<hbm>>) target(%arg12 : memref<80xi32, #tpu.memory_space<vmem>>) target_semaphore(%arg27 : memref<!tpu.dma_semaphore, #tpu.memory_space<semaphore_mem>>)
    %scan3A_491 = arith.constant 0 : i32
    %scan3A_492 = arith.constant 0 : i32
    %scan3A_493 = arith.constant 61 : i32
    %scan3A_494 = arith.addi %scan3A_492, %scan3A_493 : i32
    %scan3A_495 = arith.constant 1 : i32
    scf.for %scan3A_816 = %scan3A_492 to %scan3A_494 step %scan3A_495  : i32 {
      %mul3A_817 = arith.constant 2 : i32
      %mul3A_818 = arith.muli %scan3A_816, %mul3A_817 : i32
      %add3A_819 = arith.constant 2 : i32
      %add3A_820 = arith.addi %mul3A_818, %add3A_819 : i32
      %add3A_821 = arith.constant 1 : i32
      %add3A_822 = arith.addi %add3A_820, %add3A_821 : i32
      %mul3A_823 = arith.constant 80 : i32
      %mul3A_824 = arith.muli %add3A_822, %mul3A_823 : i32
      %add3A_825 = arith.addi %mul3A_2, %mul3A_824 : i32
      %multiple_of3A_826 = tpu.assume_multiple %add3A_825, 8 : i32
      %dma_wait3A_827 = tpu.memref_slice %arg3[%multiple_of3A_826] : memref<320000xi32, #tpu.memory_space<hbm>> -> memref<80xi32, #tpu.memory_space<hbm>>
      %dma_wait3A_828 = tpu.memref_slice %arg3[%multiple_of3A_826] : memref<320000xi32, #tpu.memory_space<hbm>> -> memref<80xi32, #tpu.memory_space<hbm>>
      tpu.wait_dma2 semaphore(%arg27 : memref<!tpu.dma_semaphore, #tpu.memory_space<semaphore_mem>>) src(%dma_wait3A_828 : memref<80xi32, #tpu.memory_space<hbm>>) dst(%arg10 : memref<80xi32, #tpu.memory_space<vmem>>)
      %mul3A_829 = arith.constant 80 : i32
      %mul3A_830 = arith.muli %add3A_822, %mul3A_829 : i32
      %add3A_831 = arith.addi %mul3A_2, %mul3A_830 : i32
      %multiple_of3A_832 = tpu.assume_multiple %add3A_831, 8 : i32
      %dma_wait3A_833 = tpu.memref_slice %arg4[%multiple_of3A_832] : memref<320000xi32, #tpu.memory_space<hbm>> -> memref<80xi32, #tpu.memory_space<hbm>>
      %dma_wait3A_834 = tpu.memref_slice %arg4[%multiple_of3A_832] : memref<320000xi32, #tpu.memory_space<hbm>> -> memref<80xi32, #tpu.memory_space<hbm>>
      tpu.wait_dma2 semaphore(%arg27 : memref<!tpu.dma_semaphore, #tpu.memory_space<semaphore_mem>>) src(%dma_wait3A_834 : memref<80xi32, #tpu.memory_space<hbm>>) dst(%arg12 : memref<80xi32, #tpu.memory_space<vmem>>)
      %dma_wait3A_835 = arith.constant 0 : i32
      %dma_wait3A_836 = arith.constant 0 : i32
      %dma_wait3A_837 = tpu.memref_slice %arg23[%dma_wait3A_835, %dma_wait3A_836] : memref<10240x128xf32, #tpu.memory_space<vmem_shared>> -> memref<10240x128xf32, #tpu.memory_space<vmem_shared>>
      tpu.wait_indirect_dma semaphore(%arg31 : memref<!tpu.dma_semaphore, #tpu.memory_space<semaphore_mem>>) src(%arg16 : memref<80x128xf32, #tpu.memory_space<vmem>>) dst(%dma_wait3A_837 : memref<10240x128xf32, #tpu.memory_space<vmem_shared>>)
      %dma_start3A_838 = arith.constant 0 : i32
      %dma_start3A_839 = arith.constant 0 : i32
      %dma_start3A_840 = tpu.memref_slice %arg2[%dma_start3A_838, %dma_start3A_839] : memref<10000x128xf32, #tpu.memory_space<hbm>> -> memref<10000x128xf32, #tpu.memory_space<hbm>>
      tpu.enqueue_indirect_dma source(%dma_start3A_840 : memref<10000x128xf32, #tpu.memory_space<hbm>>) target(%arg16 : memref<80x128xf32, #tpu.memory_space<vmem>>) offsets(%arg12 : memref<80xi32, #tpu.memory_space<vmem>>) semaphore(%arg29 : memref<!tpu.dma_semaphore, #tpu.memory_space<semaphore_mem>>)
      %dma_wait3A_841 = arith.constant 0 : i32
      %dma_wait3A_842 = arith.constant 0 : i32
      %dma_wait3A_843 = tpu.memref_slice %arg2[%dma_wait3A_841, %dma_wait3A_842] : memref<10000x128xf32, #tpu.memory_space<hbm>> -> memref<10000x128xf32, #tpu.memory_space<hbm>>
      tpu.wait_indirect_dma semaphore(%arg28 : memref<!tpu.dma_semaphore, #tpu.memory_space<semaphore_mem>>) src(%dma_wait3A_843 : memref<10000x128xf32, #tpu.memory_space<hbm>>) dst(%arg15 : memref<80x128xf32, #tpu.memory_space<vmem>>)
      %dma_wait3A_844 = arith.constant 0 : i32
      %dma_wait3A_845 = tpu.memref_slice %arg24[%dma_wait3A_844] : memref<10240xf32, #tpu.memory_space<vmem_shared>> -> memref<10240xf32, #tpu.memory_space<vmem_shared>>
      tpu.wait_indirect_dma semaphore(%arg32 : memref<!tpu.dma_semaphore, #tpu.memory_space<semaphore_mem>>) src(%arg18 : memref<80xf32, #tpu.memory_space<vmem>>) dst(%dma_wait3A_845 : memref<10240xf32, #tpu.memory_space<vmem_shared>>)
      %dma_wait3A_846 = arith.constant 0 : i32
      %dma_wait3A_847 = tpu.memref_slice %arg25[%dma_wait3A_846] : memref<10240xf32, #tpu.memory_space<vmem_shared>> -> memref<10240xf32, #tpu.memory_space<vmem_shared>>
      tpu.wait_indirect_dma semaphore(%arg32 : memref<!tpu.dma_semaphore, #tpu.memory_space<semaphore_mem>>) src(%arg20 : memref<80xf32, #tpu.memory_space<vmem>>) dst(%dma_wait3A_847 : memref<10240xf32, #tpu.memory_space<vmem_shared>>)
      %get3A_848 = arith.constant 0 : index
      %get3A_849 = tpu.vector_load %arg17[%get3A_848] {strides = array<i32>} : memref<16xf32, #tpu.memory_space<vmem>>, vector<16xf32>,
      %get3A_850 = vector.shape_cast %get3A_849 : vector<16xf32> to vector<16xf32>
      %sub3A_851 = arith.constant 1.000000e+00 : f32
      %sub3A_852 = vector.broadcast %sub3A_851 : f32 to vector<16xf32>
      %sub3A_853 = arith.subf %get3A_850, %sub3A_852 : vector<16xf32>
      %get3A_854 = arith.constant 0 : index
      %get3A_855 = tpu.vector_load %arg9[%get3A_854] {strides = array<i32>} : memref<80xi32, #tpu.memory_space<vmem>>, vector<16xi32>,
      %get3A_856 = vector.shape_cast %get3A_855 : vector<16xi32> to vector<16xi32>
      %get3A_857 = arith.constant 0 : index
      %get3A_858 = tpu.vector_load %arg11[%get3A_857] {strides = array<i32>} : memref<80xi32, #tpu.memory_space<vmem>>, vector<16xi32>,
      %get3A_859 = vector.shape_cast %get3A_858 : vector<16xi32> to vector<16xi32>
      %eq3A_860 = arith.cmpi eq, %get3A_856, %get3A_859 : vector<16xi32>
      %jit3A_861 = arith.constant 1.000000e+00 : f32
      %jit3A_862 = arith.constant 0.000000e+00 : f32
      %broadcast_in_dim3A_863 = vector.broadcast %jit3A_861 : f32 to vector<16xf32>
      %broadcast_in_dim3A_864 = vector.broadcast %jit3A_862 : f32 to vector<16xf32>
      %select_n3A_865 = arith.select %eq3A_860, %broadcast_in_dim3A_863, %broadcast_in_dim3A_864 : vector<16xi1>, vector<16xf32>
      %swap3A_866 = arith.constant 0 : index
      %swap3A_867 = tpu.vector_load %arg13[%swap3A_866] {strides = array<i32>} : memref<80xi32, #tpu.memory_space<vmem>>, vector<16xi32>,
      %swap3A_868 = vector.shape_cast %swap3A_867 : vector<16xi32> to vector<16xi32>
      %swap3A_869 = vector.shape_cast %get3A_856 : vector<16xi32> to vector<16xi32>
      tpu.vector_store %arg13[%swap3A_866], %swap3A_869 {strides = array<i32>} : memref<80xi32, #tpu.memory_space<vmem>>, vector<16xi32>,
      %swap3A_870 = arith.constant 0 : index
      %swap3A_871 = tpu.vector_load %arg20[%swap3A_870] {strides = array<i32>} : memref<80xf32, #tpu.memory_space<vmem>>, vector<16xf32>,
      %swap3A_872 = vector.shape_cast %swap3A_871 : vector<16xf32> to vector<16xf32>
      %swap3A_873 = vector.shape_cast %select_n3A_865 : vector<16xf32> to vector<16xf32>
      tpu.vector_store %arg20[%swap3A_870], %swap3A_873 {strides = array<i32>} : memref<80xf32, #tpu.memory_space<vmem>>, vector<16xf32>,
      %mul3A_874 = arith.mulf %sub3A_853, %select_n3A_865 : vector<16xf32>
      %add3A_875 = arith.constant 1.000000e+00 : f32
      %add3A_876 = vector.broadcast %add3A_875 : f32 to vector<16xf32>
      %add3A_877 = arith.addf %add3A_876, %mul3A_874 : vector<16xf32>
      %swap3A_878 = arith.constant 0 : index
      %swap3A_879 = tpu.vector_load %arg18[%swap3A_878] {strides = array<i32>} : memref<80xf32, #tpu.memory_space<vmem>>, vector<16xf32>,
      %swap3A_880 = vector.shape_cast %swap3A_879 : vector<16xf32> to vector<16xf32>
      %swap3A_881 = vector.shape_cast %add3A_877 : vector<16xf32> to vector<16xf32>
      tpu.vector_store %arg18[%swap3A_878], %swap3A_881 {strides = array<i32>} : memref<80xf32, #tpu.memory_space<vmem>>, vector<16xf32>,
      %get3A_882 = arith.constant 16 : index
      %get3A_883 = tpu.vector_load %arg9[%get3A_882] {strides = array<i32>} : memref<80xi32, #tpu.memory_space<vmem>>, vector<16xi32>,
      %get3A_884 = vector.shape_cast %get3A_883 : vector<16xi32> to vector<16xi32>
      %get3A_885 = arith.constant 16 : index
      %get3A_886 = tpu.vector_load %arg11[%get3A_885] {strides = array<i32>} : memref<80xi32, #tpu.memory_space<vmem>>, vector<16xi32>,
      %get3A_887 = vector.shape_cast %get3A_886 : vector<16xi32> to vector<16xi32>
      %eq3A_888 = arith.cmpi eq, %get3A_884, %get3A_887 : vector<16xi32>
      %jit3A_889 = arith.constant 1.000000e+00 : f32
      %jit3A_890 = arith.constant 0.000000e+00 : f32
      %broadcast_in_dim3A_891 = vector.broadcast %jit3A_889 : f32 to vector<16xf32>
      %broadcast_in_dim3A_892 = vector.broadcast %jit3A_890 : f32 to vector<16xf32>
      %select_n3A_893 = arith.select %eq3A_888, %broadcast_in_dim3A_891, %broadcast_in_dim3A_892 : vector<16xi1>, vector<16xf32>
      %swap3A_894 = arith.constant 16 : index
      %swap3A_895 = tpu.vector_load %arg13[%swap3A_894] {strides = array<i32>} : memref<80xi32, #tpu.memory_space<vmem>>, vector<16xi32>,
      %swap3A_896 = vector.shape_cast %swap3A_895 : vector<16xi32> to vector<16xi32>
      %swap3A_897 = vector.shape_cast %get3A_884 : vector<16xi32> to vector<16xi32>
      tpu.vector_store %arg13[%swap3A_894], %swap3A_897 {strides = array<i32>} : memref<80xi32, #tpu.memory_space<vmem>>, vector<16xi32>,
      %swap3A_898 = arith.constant 16 : index
      %swap3A_899 = tpu.vector_load %arg20[%swap3A_898] {strides = array<i32>} : memref<80xf32, #tpu.memory_space<vmem>>, vector<16xf32>,
      %swap3A_900 = vector.shape_cast %swap3A_899 : vector<16xf32> to vector<16xf32>
      %swap3A_901 = vector.shape_cast %select_n3A_893 : vector<16xf32> to vector<16xf32>
      tpu.vector_store %arg20[%swap3A_898], %swap3A_901 {strides = array<i32>} : memref<80xf32, #tpu.memory_space<vmem>>, vector<16xf32>,
      %mul3A_902 = arith.mulf %sub3A_853, %select_n3A_893 : vector<16xf32>
      %add3A_903 = arith.constant 1.000000e+00 : f32
      %add3A_904 = vector.broadcast %add3A_903 : f32 to vector<16xf32>
      %add3A_905 = arith.addf %add3A_904, %mul3A_902 : vector<16xf32>
      %swap3A_906 = arith.constant 16 : index
      %swap3A_907 = tpu.vector_load %arg18[%swap3A_906] {strides = array<i32>} : memref<80xf32, #tpu.memory_space<vmem>>, vector<16xf32>,
      %swap3A_908 = vector.shape_cast %swap3A_907 : vector<16xf32> to vector<16xf32>
      %swap3A_909 = vector.shape_cast %add3A_905 : vector<16xf32> to vector<16xf32>
      tpu.vector_store %arg18[%swap3A_906], %swap3A_909 {strides = array<i32>} : memref<80xf32, #tpu.memory_space<vmem>>, vector<16xf32>,
      %get3A_910 = arith.constant 32 : index
      %get3A_911 = tpu.vector_load %arg9[%get3A_910] {strides = array<i32>} : memref<80xi32, #tpu.memory_space<vmem>>, vector<16xi32>,
      %get3A_912 = vector.shape_cast %get3A_911 : vector<16xi32> to vector<16xi32>
      %get3A_913 = arith.constant 32 : index
      %get3A_914 = tpu.vector_load %arg11[%get3A_913] {strides = array<i32>} : memref<80xi32, #tpu.memory_space<vmem>>, vector<16xi32>,
      %get3A_915 = vector.shape_cast %get3A_914 : vector<16xi32> to vector<16xi32>
      %eq3A_916 = arith.cmpi eq, %get3A_912, %get3A_915 : vector<16xi32>
      %jit3A_917 = arith.constant 1.000000e+00 : f32
      %jit3A_918 = arith.constant 0.000000e+00 : f32
      %broadcast_in_dim3A_919 = vector.broadcast %jit3A_917 : f32 to vector<16xf32>
      %broadcast_in_dim3A_920 = vector.broadcast %jit3A_918 : f32 to vector<16xf32>
      %select_n3A_921 = arith.select %eq3A_916, %broadcast_in_dim3A_919, %broadcast_in_dim3A_920 : vector<16xi1>, vector<16xf32>
      %swap3A_922 = arith.constant 32 : index
      %swap3A_923 = tpu.vector_load %arg13[%swap3A_922] {strides = array<i32>} : memref<80xi32, #tpu.memory_space<vmem>>, vector<16xi32>,
      %swap3A_924 = vector.shape_cast %swap3A_923 : vector<16xi32> to vector<16xi32>
      %swap3A_925 = vector.shape_cast %get3A_912 : vector<16xi32> to vector<16xi32>
      tpu.vector_store %arg13[%swap3A_922], %swap3A_925 {strides = array<i32>} : memref<80xi32, #tpu.memory_space<vmem>>, vector<16xi32>,
      %swap3A_926 = arith.constant 32 : index
      %swap3A_927 = tpu.vector_load %arg20[%swap3A_926] {strides = array<i32>} : memref<80xf32, #tpu.memory_space<vmem>>, vector<16xf32>,
      %swap3A_928 = vector.shape_cast %swap3A_927 : vector<16xf32> to vector<16xf32>
      %swap3A_929 = vector.shape_cast %select_n3A_921 : vector<16xf32> to vector<16xf32>
      tpu.vector_store %arg20[%swap3A_926], %swap3A_929 {strides = array<i32>} : memref<80xf32, #tpu.memory_space<vmem>>, vector<16xf32>,
      %mul3A_930 = arith.mulf %sub3A_853, %select_n3A_921 : vector<16xf32>
      %add3A_931 = arith.constant 1.000000e+00 : f32
      %add3A_932 = vector.broadcast %add3A_931 : f32 to vector<16xf32>
      %add3A_933 = arith.addf %add3A_932, %mul3A_930 : vector<16xf32>
      %swap3A_934 = arith.constant 32 : index
      %swap3A_935 = tpu.vector_load %arg18[%swap3A_934] {strides = array<i32>} : memref<80xf32, #tpu.memory_space<vmem>>, vector<16xf32>,
      %swap3A_936 = vector.shape_cast %swap3A_935 : vector<16xf32> to vector<16xf32>
      %swap3A_937 = vector.shape_cast %add3A_933 : vector<16xf32> to vector<16xf32>
      tpu.vector_store %arg18[%swap3A_934], %swap3A_937 {strides = array<i32>} : memref<80xf32, #tpu.memory_space<vmem>>, vector<16xf32>,
      %get3A_938 = arith.constant 48 : index
      %get3A_939 = tpu.vector_load %arg9[%get3A_938] {strides = array<i32>} : memref<80xi32, #tpu.memory_space<vmem>>, vector<16xi32>,
      %get3A_940 = vector.shape_cast %get3A_939 : vector<16xi32> to vector<16xi32>
      %get3A_941 = arith.constant 48 : index
      %get3A_942 = tpu.vector_load %arg11[%get3A_941] {strides = array<i32>} : memref<80xi32, #tpu.memory_space<vmem>>, vector<16xi32>,
      %get3A_943 = vector.shape_cast %get3A_942 : vector<16xi32> to vector<16xi32>
      %eq3A_944 = arith.cmpi eq, %get3A_940, %get3A_943 : vector<16xi32>
      %jit3A_945 = arith.constant 1.000000e+00 : f32
      %jit3A_946 = arith.constant 0.000000e+00 : f32
      %broadcast_in_dim3A_947 = vector.broadcast %jit3A_945 : f32 to vector<16xf32>
      %broadcast_in_dim3A_948 = vector.broadcast %jit3A_946 : f32 to vector<16xf32>
      %select_n3A_949 = arith.select %eq3A_944, %broadcast_in_dim3A_947, %broadcast_in_dim3A_948 : vector<16xi1>, vector<16xf32>
      %swap3A_950 = arith.constant 48 : index
      %swap3A_951 = tpu.vector_load %arg13[%swap3A_950] {strides = array<i32>} : memref<80xi32, #tpu.memory_space<vmem>>, vector<16xi32>,
      %swap3A_952 = vector.shape_cast %swap3A_951 : vector<16xi32> to vector<16xi32>
      %swap3A_953 = vector.shape_cast %get3A_940 : vector<16xi32> to vector<16xi32>
      tpu.vector_store %arg13[%swap3A_950], %swap3A_953 {strides = array<i32>} : memref<80xi32, #tpu.memory_space<vmem>>, vector<16xi32>,
      %swap3A_954 = arith.constant 48 : index
      %swap3A_955 = tpu.vector_load %arg20[%swap3A_954] {strides = array<i32>} : memref<80xf32, #tpu.memory_space<vmem>>, vector<16xf32>,
      %swap3A_956 = vector.shape_cast %swap3A_955 : vector<16xf32> to vector<16xf32>
      %swap3A_957 = vector.shape_cast %select_n3A_949 : vector<16xf32> to vector<16xf32>
      tpu.vector_store %arg20[%swap3A_954], %swap3A_957 {strides = array<i32>} : memref<80xf32, #tpu.memory_space<vmem>>, vector<16xf32>,
      %mul3A_958 = arith.mulf %sub3A_853, %select_n3A_949 : vector<16xf32>
      %add3A_959 = arith.constant 1.000000e+00 : f32
      %add3A_960 = vector.broadcast %add3A_959 : f32 to vector<16xf32>
      %add3A_961 = arith.addf %add3A_960, %mul3A_958 : vector<16xf32>
      %swap3A_962 = arith.constant 48 : index
      %swap3A_963 = tpu.vector_load %arg18[%swap3A_962] {strides = array<i32>} : memref<80xf32, #tpu.memory_space<vmem>>, vector<16xf32>,
      %swap3A_964 = vector.shape_cast %swap3A_963 : vector<16xf32> to vector<16xf32>
      %swap3A_965 = vector.shape_cast %add3A_961 : vector<16xf32> to vector<16xf32>
      tpu.vector_store %arg18[%swap3A_962], %swap3A_965 {strides = array<i32>} : memref<80xf32, #tpu.memory_space<vmem>>, vector<16xf32>,
      %get3A_966 = arith.constant 64 : index
      %get3A_967 = tpu.vector_load %arg9[%get3A_966] {strides = array<i32>} : memref<80xi32, #tpu.memory_space<vmem>>, vector<16xi32>,
      %get3A_968 = vector.shape_cast %get3A_967 : vector<16xi32> to vector<16xi32>
      %get3A_969 = arith.constant 64 : index
      %get3A_970 = tpu.vector_load %arg11[%get3A_969] {strides = array<i32>} : memref<80xi32, #tpu.memory_space<vmem>>, vector<16xi32>,
      %get3A_971 = vector.shape_cast %get3A_970 : vector<16xi32> to vector<16xi32>
      %eq3A_972 = arith.cmpi eq, %get3A_968, %get3A_971 : vector<16xi32>
      %jit3A_973 = arith.constant 1.000000e+00 : f32
      %jit3A_974 = arith.constant 0.000000e+00 : f32
      %broadcast_in_dim3A_975 = vector.broadcast %jit3A_973 : f32 to vector<16xf32>
      %broadcast_in_dim3A_976 = vector.broadcast %jit3A_974 : f32 to vector<16xf32>
      %select_n3A_977 = arith.select %eq3A_972, %broadcast_in_dim3A_975, %broadcast_in_dim3A_976 : vector<16xi1>, vector<16xf32>
      %swap3A_978 = arith.constant 64 : index
      %swap3A_979 = tpu.vector_load %arg13[%swap3A_978] {strides = array<i32>} : memref<80xi32, #tpu.memory_space<vmem>>, vector<16xi32>,
      %swap3A_980 = vector.shape_cast %swap3A_979 : vector<16xi32> to vector<16xi32>
      %swap3A_981 = vector.shape_cast %get3A_968 : vector<16xi32> to vector<16xi32>
      tpu.vector_store %arg13[%swap3A_978], %swap3A_981 {strides = array<i32>} : memref<80xi32, #tpu.memory_space<vmem>>, vector<16xi32>,
      %swap3A_982 = arith.constant 64 : index
      %swap3A_983 = tpu.vector_load %arg20[%swap3A_982] {strides = array<i32>} : memref<80xf32, #tpu.memory_space<vmem>>, vector<16xf32>,
      %swap3A_984 = vector.shape_cast %swap3A_983 : vector<16xf32> to vector<16xf32>
      %swap3A_985 = vector.shape_cast %select_n3A_977 : vector<16xf32> to vector<16xf32>
      tpu.vector_store %arg20[%swap3A_982], %swap3A_985 {strides = array<i32>} : memref<80xf32, #tpu.memory_space<vmem>>, vector<16xf32>,
      %mul3A_986 = arith.mulf %sub3A_853, %select_n3A_977 : vector<16xf32>
      %add3A_987 = arith.constant 1.000000e+00 : f32
      %add3A_988 = vector.broadcast %add3A_987 : f32 to vector<16xf32>
      %add3A_989 = arith.addf %add3A_988, %mul3A_986 : vector<16xf32>
      %swap3A_990 = arith.constant 64 : index
      %swap3A_991 = tpu.vector_load %arg18[%swap3A_990] {strides = array<i32>} : memref<80xf32, #tpu.memory_space<vmem>>, vector<16xf32>,
      %swap3A_992 = vector.shape_cast %swap3A_991 : vector<16xf32> to vector<16xf32>
      %swap3A_993 = vector.shape_cast %add3A_989 : vector<16xf32> to vector<16xf32>
      tpu.vector_store %arg18[%swap3A_990], %swap3A_993 {strides = array<i32>} : memref<80xf32, #tpu.memory_space<vmem>>, vector<16xf32>,
      %dma_start3A_994 = arith.constant 0 : i32
      %dma_start3A_995 = arith.constant 0 : i32
      %dma_start3A_996 = tpu.memref_slice %arg23[%dma_start3A_994, %dma_start3A_995] : memref<10240x128xf32, #tpu.memory_space<vmem_shared>> -> memref<10240x128xf32, #tpu.memory_space<vmem_shared>>
      tpu.enqueue_indirect_dma source(%arg15 : memref<80x128xf32, #tpu.memory_space<vmem>>) target(%dma_start3A_996 : memref<10240x128xf32, #tpu.memory_space<vmem_shared>>) offsets(%arg13 : memref<80xi32, #tpu.memory_space<vmem>>) semaphore(%arg30 : memref<!tpu.dma_semaphore, #tpu.memory_space<semaphore_mem>>) {add = true}
      %dma_start3A_997 = arith.constant 0 : i32
      %dma_start3A_998 = tpu.memref_slice %arg24[%dma_start3A_997] : memref<10240xf32, #tpu.memory_space<vmem_shared>> -> memref<10240xf32, #tpu.memory_space<vmem_shared>>
      tpu.enqueue_indirect_dma source(%arg18 : memref<80xf32, #tpu.memory_space<vmem>>) target(%dma_start3A_998 : memref<10240xf32, #tpu.memory_space<vmem_shared>>) offsets(%arg13 : memref<80xi32, #tpu.memory_space<vmem>>) semaphore(%arg32 : memref<!tpu.dma_semaphore, #tpu.memory_space<semaphore_mem>>) {add = true}
      %dma_start3A_999 = arith.constant 0 : i32
      %dma_start3A_1000 = tpu.memref_slice %arg25[%dma_start3A_999] : memref<10240xf32, #tpu.memory_space<vmem_shared>> -> memref<10240xf32, #tpu.memory_space<vmem_shared>>
      tpu.enqueue_indirect_dma source(%arg20 : memref<80xf32, #tpu.memory_space<vmem>>) target(%dma_start3A_1000 : memref<10240xf32, #tpu.memory_space<vmem_shared>>) offsets(%arg13 : memref<80xi32, #tpu.memory_space<vmem>>) semaphore(%arg32 : memref<!tpu.dma_semaphore, #tpu.memory_space<semaphore_mem>>) {add = true}
      %add3A_1001 = arith.constant 2 : i32
      %add3A_1002 = arith.addi %add3A_820, %add3A_1001 : i32
      %mul3A_1003 = arith.constant 80 : i32
      %mul3A_1004 = arith.muli %add3A_1002, %mul3A_1003 : i32
      %add3A_1005 = arith.addi %mul3A_2, %mul3A_1004 : i32
      %multiple_of3A_1006 = tpu.assume_multiple %add3A_1005, 8 : i32
      %dma_start3A_1007 = tpu.memref_slice %arg3[%multiple_of3A_1006] : memref<320000xi32, #tpu.memory_space<hbm>> -> memref<80xi32, #tpu.memory_space<hbm>>
      %dma_start3A_1008 = tpu.memref_slice %arg3[%multiple_of3A_1006] : memref<320000xi32, #tpu.memory_space<hbm>> -> memref<80xi32, #tpu.memory_space<hbm>>
      tpu.enqueue_dma source(%dma_start3A_1008 : memref<80xi32, #tpu.memory_space<hbm>>) target(%arg9 : memref<80xi32, #tpu.memory_space<vmem>>) target_semaphore(%arg26 : memref<!tpu.dma_semaphore, #tpu.memory_space<semaphore_mem>>)
      %mul3A_1009 = arith.constant 80 : i32
      %mul3A_1010 = arith.muli %add3A_1002, %mul3A_1009 : i32
      %add3A_1011 = arith.addi %mul3A_2, %mul3A_1010 : i32
      %multiple_of3A_1012 = tpu.assume_multiple %add3A_1011, 8 : i32
      %dma_start3A_1013 = tpu.memref_slice %arg4[%multiple_of3A_1012] : memref<320000xi32, #tpu.memory_space<hbm>> -> memref<80xi32, #tpu.memory_space<hbm>>
      %dma_start3A_1014 = tpu.memref_slice %arg4[%multiple_of3A_1012] : memref<320000xi32, #tpu.memory_space<hbm>> -> memref<80xi32, #tpu.memory_space<hbm>>
      tpu.enqueue_dma source(%dma_start3A_1014 : memref<80xi32, #tpu.memory_space<hbm>>) target(%arg11 : memref<80xi32, #tpu.memory_space<vmem>>) target_semaphore(%arg26 : memref<!tpu.dma_semaphore, #tpu.memory_space<semaphore_mem>>)
      %add3A_1015 = arith.constant 2 : i32
      %add3A_1016 = arith.addi %add3A_820, %add3A_1015 : i32
      %mul3A_1017 = arith.constant 80 : i32
      %mul3A_1018 = arith.muli %add3A_1016, %mul3A_1017 : i32
      %add3A_1019 = arith.addi %mul3A_2, %mul3A_1018 : i32
      %multiple_of3A_1020 = tpu.assume_multiple %add3A_1019, 8 : i32
      %dma_wait3A_1021 = tpu.memref_slice %arg3[%multiple_of3A_1020] : memref<320000xi32, #tpu.memory_space<hbm>> -> memref<80xi32, #tpu.memory_space<hbm>>
      %dma_wait3A_1022 = tpu.memref_slice %arg3[%multiple_of3A_1020] : memref<320000xi32, #tpu.memory_space<hbm>> -> memref<80xi32, #tpu.memory_space<hbm>>
      tpu.wait_dma2 semaphore(%arg26 : memref<!tpu.dma_semaphore, #tpu.memory_space<semaphore_mem>>) src(%dma_wait3A_1022 : memref<80xi32, #tpu.memory_space<hbm>>) dst(%arg9 : memref<80xi32, #tpu.memory_space<vmem>>)
      %mul3A_1023 = arith.constant 80 : i32
      %mul3A_1024 = arith.muli %add3A_1016, %mul3A_1023 : i32
      %add3A_1025 = arith.addi %mul3A_2, %mul3A_1024 : i32
      %multiple_of3A_1026 = tpu.assume_multiple %add3A_1025, 8 : i32
      %dma_wait3A_1027 = tpu.memref_slice %arg4[%multiple_of3A_1026] : memref<320000xi32, #tpu.memory_space<hbm>> -> memref<80xi32, #tpu.memory_space<hbm>>
      %dma_wait3A_1028 = tpu.memref_slice %arg4[%multiple_of3A_1026] : memref<320000xi32, #tpu.memory_space<hbm>> -> memref<80xi32, #tpu.memory_space<hbm>>
      tpu.wait_dma2 semaphore(%arg26 : memref<!tpu.dma_semaphore, #tpu.memory_space<semaphore_mem>>) src(%dma_wait3A_1028 : memref<80xi32, #tpu.memory_space<hbm>>) dst(%arg11 : memref<80xi32, #tpu.memory_space<vmem>>)
      %dma_wait3A_1029 = arith.constant 0 : i32
      %dma_wait3A_1030 = arith.constant 0 : i32
      %dma_wait3A_1031 = tpu.memref_slice %arg23[%dma_wait3A_1029, %dma_wait3A_1030] : memref<10240x128xf32, #tpu.memory_space<vmem_shared>> -> memref<10240x128xf32, #tpu.memory_space<vmem_shared>>
      tpu.wait_indirect_dma semaphore(%arg30 : memref<!tpu.dma_semaphore, #tpu.memory_space<semaphore_mem>>) src(%arg15 : memref<80x128xf32, #tpu.memory_space<vmem>>) dst(%dma_wait3A_1031 : memref<10240x128xf32, #tpu.memory_space<vmem_shared>>)
      %dma_start3A_1032 = arith.constant 0 : i32
      %dma_start3A_1033 = arith.constant 0 : i32
      %dma_start3A_1034 = tpu.memref_slice %arg2[%dma_start3A_1032, %dma_start3A_1033] : memref<10000x128xf32, #tpu.memory_space<hbm>> -> memref<10000x128xf32, #tpu.memory_space<hbm>>
      tpu.enqueue_indirect_dma source(%dma_start3A_1034 : memref<10000x128xf32, #tpu.memory_space<hbm>>) target(%arg15 : memref<80x128xf32, #tpu.memory_space<vmem>>) offsets(%arg11 : memref<80xi32, #tpu.memory_space<vmem>>) semaphore(%arg28 : memref<!tpu.dma_semaphore, #tpu.memory_space<semaphore_mem>>)
      %dma_wait3A_1035 = arith.constant 0 : i32
      %dma_wait3A_1036 = arith.constant 0 : i32
      %dma_wait3A_1037 = tpu.memref_slice %arg2[%dma_wait3A_1035, %dma_wait3A_1036] : memref<10000x128xf32, #tpu.memory_space<hbm>> -> memref<10000x128xf32, #tpu.memory_space<hbm>>
      tpu.wait_indirect_dma semaphore(%arg29 : memref<!tpu.dma_semaphore, #tpu.memory_space<semaphore_mem>>) src(%dma_wait3A_1037 : memref<10000x128xf32, #tpu.memory_space<hbm>>) dst(%arg16 : memref<80x128xf32, #tpu.memory_space<vmem>>)
      %dma_wait3A_1038 = arith.constant 0 : i32
      %dma_wait3A_1039 = tpu.memref_slice %arg24[%dma_wait3A_1038] : memref<10240xf32, #tpu.memory_space<vmem_shared>> -> memref<10240xf32, #tpu.memory_space<vmem_shared>>
      tpu.wait_indirect_dma semaphore(%arg33 : memref<!tpu.dma_semaphore, #tpu.memory_space<semaphore_mem>>) src(%arg19 : memref<80xf32, #tpu.memory_space<vmem>>) dst(%dma_wait3A_1039 : memref<10240xf32, #tpu.memory_space<vmem_shared>>)
      %dma_wait3A_1040 = arith.constant 0 : i32
      %dma_wait3A_1041 = tpu.memref_slice %arg25[%dma_wait3A_1040] : memref<10240xf32, #tpu.memory_space<vmem_shared>> -> memref<10240xf32, #tpu.memory_space<vmem_shared>>
      tpu.wait_indirect_dma semaphore(%arg33 : memref<!tpu.dma_semaphore, #tpu.memory_space<semaphore_mem>>) src(%arg21 : memref<80xf32, #tpu.memory_space<vmem>>) dst(%dma_wait3A_1041 : memref<10240xf32, #tpu.memory_space<vmem_shared>>)
      %get3A_1042 = arith.constant 0 : index
      %get3A_1043 = tpu.vector_load %arg17[%get3A_1042] {strides = array<i32>} : memref<16xf32, #tpu.memory_space<vmem>>, vector<16xf32>,
      %get3A_1044 = vector.shape_cast %get3A_1043 : vector<16xf32> to vector<16xf32>
      %sub3A_1045 = arith.constant 1.000000e+00 : f32
      %sub3A_1046 = vector.broadcast %sub3A_1045 : f32 to vector<16xf32>
      %sub3A_1047 = arith.subf %get3A_1044, %sub3A_1046 : vector<16xf32>
      %get3A_1048 = arith.constant 0 : index
      %get3A_1049 = tpu.vector_load %arg10[%get3A_1048] {strides = array<i32>} : memref<80xi32, #tpu.memory_space<vmem>>, vector<16xi32>,
      %get3A_1050 = vector.shape_cast %get3A_1049 : vector<16xi32> to vector<16xi32>
      %get3A_1051 = arith.constant 0 : index
      %get3A_1052 = tpu.vector_load %arg12[%get3A_1051] {strides = array<i32>} : memref<80xi32, #tpu.memory_space<vmem>>, vector<16xi32>,
      %get3A_1053 = vector.shape_cast %get3A_1052 : vector<16xi32> to vector<16xi32>
      %eq3A_1054 = arith.cmpi eq, %get3A_1050, %get3A_1053 : vector<16xi32>
      %jit3A_1055 = arith.constant 1.000000e+00 : f32
      %jit3A_1056 = arith.constant 0.000000e+00 : f32
      %broadcast_in_dim3A_1057 = vector.broadcast %jit3A_1055 : f32 to vector<16xf32>
      %broadcast_in_dim3A_1058 = vector.broadcast %jit3A_1056 : f32 to vector<16xf32>
      %select_n3A_1059 = arith.select %eq3A_1054, %broadcast_in_dim3A_1057, %broadcast_in_dim3A_1058 : vector<16xi1>, vector<16xf32>
      %swap3A_1060 = arith.constant 0 : index
      %swap3A_1061 = tpu.vector_load %arg14[%swap3A_1060] {strides = array<i32>} : memref<80xi32, #tpu.memory_space<vmem>>, vector<16xi32>,
      %swap3A_1062 = vector.shape_cast %swap3A_1061 : vector<16xi32> to vector<16xi32>
      %swap3A_1063 = vector.shape_cast %get3A_1050 : vector<16xi32> to vector<16xi32>
      tpu.vector_store %arg14[%swap3A_1060], %swap3A_1063 {strides = array<i32>} : memref<80xi32, #tpu.memory_space<vmem>>, vector<16xi32>,
      %swap3A_1064 = arith.constant 0 : index
      %swap3A_1065 = tpu.vector_load %arg21[%swap3A_1064] {strides = array<i32>} : memref<80xf32, #tpu.memory_space<vmem>>, vector<16xf32>,
      %swap3A_1066 = vector.shape_cast %swap3A_1065 : vector<16xf32> to vector<16xf32>
      %swap3A_1067 = vector.shape_cast %select_n3A_1059 : vector<16xf32> to vector<16xf32>
      tpu.vector_store %arg21[%swap3A_1064], %swap3A_1067 {strides = array<i32>} : memref<80xf32, #tpu.memory_space<vmem>>, vector<16xf32>,
      %mul3A_1068 = arith.mulf %sub3A_1047, %select_n3A_1059 : vector<16xf32>
      %add3A_1069 = arith.constant 1.000000e+00 : f32
      %add3A_1070 = vector.broadcast %add3A_1069 : f32 to vector<16xf32>
      %add3A_1071 = arith.addf %add3A_1070, %mul3A_1068 : vector<16xf32>
      %swap3A_1072 = arith.constant 0 : index
      %swap3A_1073 = tpu.vector_load %arg19[%swap3A_1072] {strides = array<i32>} : memref<80xf32, #tpu.memory_space<vmem>>, vector<16xf32>,
      %swap3A_1074 = vector.shape_cast %swap3A_1073 : vector<16xf32> to vector<16xf32>
      %swap3A_1075 = vector.shape_cast %add3A_1071 : vector<16xf32> to vector<16xf32>
      tpu.vector_store %arg19[%swap3A_1072], %swap3A_1075 {strides = array<i32>} : memref<80xf32, #tpu.memory_space<vmem>>, vector<16xf32>,
      %get3A_1076 = arith.constant 16 : index
      %get3A_1077 = tpu.vector_load %arg10[%get3A_1076] {strides = array<i32>} : memref<80xi32, #tpu.memory_space<vmem>>, vector<16xi32>,
      %get3A_1078 = vector.shape_cast %get3A_1077 : vector<16xi32> to vector<16xi32>
      %get3A_1079 = arith.constant 16 : index
      %get3A_1080 = tpu.vector_load %arg12[%get3A_1079] {strides = array<i32>} : memref<80xi32, #tpu.memory_space<vmem>>, vector<16xi32>,
      %get3A_1081 = vector.shape_cast %get3A_1080 : vector<16xi32> to vector<16xi32>
      %eq3A_1082 = arith.cmpi eq, %get3A_1078, %get3A_1081 : vector<16xi32>
      %jit3A_1083 = arith.constant 1.000000e+00 : f32
      %jit3A_1084 = arith.constant 0.000000e+00 : f32
      %broadcast_in_dim3A_1085 = vector.broadcast %jit3A_1083 : f32 to vector<16xf32>
      %broadcast_in_dim3A_1086 = vector.broadcast %jit3A_1084 : f32 to vector<16xf32>
      %select_n3A_1087 = arith.select %eq3A_1082, %broadcast_in_dim3A_1085, %broadcast_in_dim3A_1086 : vector<16xi1>, vector<16xf32>
      %swap3A_1088 = arith.constant 16 : index
      %swap3A_1089 = tpu.vector_load %arg14[%swap3A_1088] {strides = array<i32>} : memref<80xi32, #tpu.memory_space<vmem>>, vector<16xi32>,
      %swap3A_1090 = vector.shape_cast %swap3A_1089 : vector<16xi32> to vector<16xi32>
      %swap3A_1091 = vector.shape_cast %get3A_1078 : vector<16xi32> to vector<16xi32>
      tpu.vector_store %arg14[%swap3A_1088], %swap3A_1091 {strides = array<i32>} : memref<80xi32, #tpu.memory_space<vmem>>, vector<16xi32>,
      %swap3A_1092 = arith.constant 16 : index
      %swap3A_1093 = tpu.vector_load %arg21[%swap3A_1092] {strides = array<i32>} : memref<80xf32, #tpu.memory_space<vmem>>, vector<16xf32>,
      %swap3A_1094 = vector.shape_cast %swap3A_1093 : vector<16xf32> to vector<16xf32>
      %swap3A_1095 = vector.shape_cast %select_n3A_1087 : vector<16xf32> to vector<16xf32>
      tpu.vector_store %arg21[%swap3A_1092], %swap3A_1095 {strides = array<i32>} : memref<80xf32, #tpu.memory_space<vmem>>, vector<16xf32>,
      %mul3A_1096 = arith.mulf %sub3A_1047, %select_n3A_1087 : vector<16xf32>
      %add3A_1097 = arith.constant 1.000000e+00 : f32
      %add3A_1098 = vector.broadcast %add3A_1097 : f32 to vector<16xf32>
      %add3A_1099 = arith.addf %add3A_1098, %mul3A_1096 : vector<16xf32>
      %swap3A_1100 = arith.constant 16 : index
      %swap3A_1101 = tpu.vector_load %arg19[%swap3A_1100] {strides = array<i32>} : memref<80xf32, #tpu.memory_space<vmem>>, vector<16xf32>,
      %swap3A_1102 = vector.shape_cast %swap3A_1101 : vector<16xf32> to vector<16xf32>
      %swap3A_1103 = vector.shape_cast %add3A_1099 : vector<16xf32> to vector<16xf32>
      tpu.vector_store %arg19[%swap3A_1100], %swap3A_1103 {strides = array<i32>} : memref<80xf32, #tpu.memory_space<vmem>>, vector<16xf32>,
      %get3A_1104 = arith.constant 32 : index
      %get3A_1105 = tpu.vector_load %arg10[%get3A_1104] {strides = array<i32>} : memref<80xi32, #tpu.memory_space<vmem>>, vector<16xi32>,
      %get3A_1106 = vector.shape_cast %get3A_1105 : vector<16xi32> to vector<16xi32>
      %get3A_1107 = arith.constant 32 : index
      %get3A_1108 = tpu.vector_load %arg12[%get3A_1107] {strides = array<i32>} : memref<80xi32, #tpu.memory_space<vmem>>, vector<16xi32>,
      %get3A_1109 = vector.shape_cast %get3A_1108 : vector<16xi32> to vector<16xi32>
      %eq3A_1110 = arith.cmpi eq, %get3A_1106, %get3A_1109 : vector<16xi32>
      %jit3A_1111 = arith.constant 1.000000e+00 : f32
      %jit3A_1112 = arith.constant 0.000000e+00 : f32
      %broadcast_in_dim3A_1113 = vector.broadcast %jit3A_1111 : f32 to vector<16xf32>
      %broadcast_in_dim3A_1114 = vector.broadcast %jit3A_1112 : f32 to vector<16xf32>
      %select_n3A_1115 = arith.select %eq3A_1110, %broadcast_in_dim3A_1113, %broadcast_in_dim3A_1114 : vector<16xi1>, vector<16xf32>
      %swap3A_1116 = arith.constant 32 : index
      %swap3A_1117 = tpu.vector_load %arg14[%swap3A_1116] {strides = array<i32>} : memref<80xi32, #tpu.memory_space<vmem>>, vector<16xi32>,
      %swap3A_1118 = vector.shape_cast %swap3A_1117 : vector<16xi32> to vector<16xi32>
      %swap3A_1119 = vector.shape_cast %get3A_1106 : vector<16xi32> to vector<16xi32>
      tpu.vector_store %arg14[%swap3A_1116], %swap3A_1119 {strides = array<i32>} : memref<80xi32, #tpu.memory_space<vmem>>, vector<16xi32>,
      %swap3A_1120 = arith.constant 32 : index
      %swap3A_1121 = tpu.vector_load %arg21[%swap3A_1120] {strides = array<i32>} : memref<80xf32, #tpu.memory_space<vmem>>, vector<16xf32>,
      %swap3A_1122 = vector.shape_cast %swap3A_1121 : vector<16xf32> to vector<16xf32>
      %swap3A_1123 = vector.shape_cast %select_n3A_1115 : vector<16xf32> to vector<16xf32>
      tpu.vector_store %arg21[%swap3A_1120], %swap3A_1123 {strides = array<i32>} : memref<80xf32, #tpu.memory_space<vmem>>, vector<16xf32>,
      %mul3A_1124 = arith.mulf %sub3A_1047, %select_n3A_1115 : vector<16xf32>
      %add3A_1125 = arith.constant 1.000000e+00 : f32
      %add3A_1126 = vector.broadcast %add3A_1125 : f32 to vector<16xf32>
      %add3A_1127 = arith.addf %add3A_1126, %mul3A_1124 : vector<16xf32>
      %swap3A_1128 = arith.constant 32 : index
      %swap3A_1129 = tpu.vector_load %arg19[%swap3A_1128] {strides = array<i32>} : memref<80xf32, #tpu.memory_space<vmem>>, vector<16xf32>,
      %swap3A_1130 = vector.shape_cast %swap3A_1129 : vector<16xf32> to vector<16xf32>
      %swap3A_1131 = vector.shape_cast %add3A_1127 : vector<16xf32> to vector<16xf32>
      tpu.vector_store %arg19[%swap3A_1128], %swap3A_1131 {strides = array<i32>} : memref<80xf32, #tpu.memory_space<vmem>>, vector<16xf32>,
      %get3A_1132 = arith.constant 48 : index
      %get3A_1133 = tpu.vector_load %arg10[%get3A_1132] {strides = array<i32>} : memref<80xi32, #tpu.memory_space<vmem>>, vector<16xi32>,
      %get3A_1134 = vector.shape_cast %get3A_1133 : vector<16xi32> to vector<16xi32>
      %get3A_1135 = arith.constant 48 : index
      %get3A_1136 = tpu.vector_load %arg12[%get3A_1135] {strides = array<i32>} : memref<80xi32, #tpu.memory_space<vmem>>, vector<16xi32>,
      %get3A_1137 = vector.shape_cast %get3A_1136 : vector<16xi32> to vector<16xi32>
      %eq3A_1138 = arith.cmpi eq, %get3A_1134, %get3A_1137 : vector<16xi32>
      %jit3A_1139 = arith.constant 1.000000e+00 : f32
      %jit3A_1140 = arith.constant 0.000000e+00 : f32
      %broadcast_in_dim3A_1141 = vector.broadcast %jit3A_1139 : f32 to vector<16xf32>
      %broadcast_in_dim3A_1142 = vector.broadcast %jit3A_1140 : f32 to vector<16xf32>
      %select_n3A_1143 = arith.select %eq3A_1138, %broadcast_in_dim3A_1141, %broadcast_in_dim3A_1142 : vector<16xi1>, vector<16xf32>
      %swap3A_1144 = arith.constant 48 : index
      %swap3A_1145 = tpu.vector_load %arg14[%swap3A_1144] {strides = array<i32>} : memref<80xi32, #tpu.memory_space<vmem>>, vector<16xi32>,
      %swap3A_1146 = vector.shape_cast %swap3A_1145 : vector<16xi32> to vector<16xi32>
      %swap3A_1147 = vector.shape_cast %get3A_1134 : vector<16xi32> to vector<16xi32>
      tpu.vector_store %arg14[%swap3A_1144], %swap3A_1147 {strides = array<i32>} : memref<80xi32, #tpu.memory_space<vmem>>, vector<16xi32>,
      %swap3A_1148 = arith.constant 48 : index
      %swap3A_1149 = tpu.vector_load %arg21[%swap3A_1148] {strides = array<i32>} : memref<80xf32, #tpu.memory_space<vmem>>, vector<16xf32>,
      %swap3A_1150 = vector.shape_cast %swap3A_1149 : vector<16xf32> to vector<16xf32>
      %swap3A_1151 = vector.shape_cast %select_n3A_1143 : vector<16xf32> to vector<16xf32>
      tpu.vector_store %arg21[%swap3A_1148], %swap3A_1151 {strides = array<i32>} : memref<80xf32, #tpu.memory_space<vmem>>, vector<16xf32>,
      %mul3A_1152 = arith.mulf %sub3A_1047, %select_n3A_1143 : vector<16xf32>
      %add3A_1153 = arith.constant 1.000000e+00 : f32
      %add3A_1154 = vector.broadcast %add3A_1153 : f32 to vector<16xf32>
      %add3A_1155 = arith.addf %add3A_1154, %mul3A_1152 : vector<16xf32>
      %swap3A_1156 = arith.constant 48 : index
      %swap3A_1157 = tpu.vector_load %arg19[%swap3A_1156] {strides = array<i32>} : memref<80xf32, #tpu.memory_space<vmem>>, vector<16xf32>,
      %swap3A_1158 = vector.shape_cast %swap3A_1157 : vector<16xf32> to vector<16xf32>
      %swap3A_1159 = vector.shape_cast %add3A_1155 : vector<16xf32> to vector<16xf32>
      tpu.vector_store %arg19[%swap3A_1156], %swap3A_1159 {strides = array<i32>} : memref<80xf32, #tpu.memory_space<vmem>>, vector<16xf32>,
      %get3A_1160 = arith.constant 64 : index
      %get3A_1161 = tpu.vector_load %arg10[%get3A_1160] {strides = array<i32>} : memref<80xi32, #tpu.memory_space<vmem>>, vector<16xi32>,
      %get3A_1162 = vector.shape_cast %get3A_1161 : vector<16xi32> to vector<16xi32>
      %get3A_1163 = arith.constant 64 : index
      %get3A_1164 = tpu.vector_load %arg12[%get3A_1163] {strides = array<i32>} : memref<80xi32, #tpu.memory_space<vmem>>, vector<16xi32>,
      %get3A_1165 = vector.shape_cast %get3A_1164 : vector<16xi32> to vector<16xi32>
      %eq3A_1166 = arith.cmpi eq, %get3A_1162, %get3A_1165 : vector<16xi32>
      %jit3A_1167 = arith.constant 1.000000e+00 : f32
      %jit3A_1168 = arith.constant 0.000000e+00 : f32
      %broadcast_in_dim3A_1169 = vector.broadcast %jit3A_1167 : f32 to vector<16xf32>
      %broadcast_in_dim3A_1170 = vector.broadcast %jit3A_1168 : f32 to vector<16xf32>
      %select_n3A_1171 = arith.select %eq3A_1166, %broadcast_in_dim3A_1169, %broadcast_in_dim3A_1170 : vector<16xi1>, vector<16xf32>
      %swap3A_1172 = arith.constant 64 : index
      %swap3A_1173 = tpu.vector_load %arg14[%swap3A_1172] {strides = array<i32>} : memref<80xi32, #tpu.memory_space<vmem>>, vector<16xi32>,
      %swap3A_1174 = vector.shape_cast %swap3A_1173 : vector<16xi32> to vector<16xi32>
      %swap3A_1175 = vector.shape_cast %get3A_1162 : vector<16xi32> to vector<16xi32>
      tpu.vector_store %arg14[%swap3A_1172], %swap3A_1175 {strides = array<i32>} : memref<80xi32, #tpu.memory_space<vmem>>, vector<16xi32>,
      %swap3A_1176 = arith.constant 64 : index
      %swap3A_1177 = tpu.vector_load %arg21[%swap3A_1176] {strides = array<i32>} : memref<80xf32, #tpu.memory_space<vmem>>, vector<16xf32>,
      %swap3A_1178 = vector.shape_cast %swap3A_1177 : vector<16xf32> to vector<16xf32>
      %swap3A_1179 = vector.shape_cast %select_n3A_1171 : vector<16xf32> to vector<16xf32>
      tpu.vector_store %arg21[%swap3A_1176], %swap3A_1179 {strides = array<i32>} : memref<80xf32, #tpu.memory_space<vmem>>, vector<16xf32>,
      %mul3A_1180 = arith.mulf %sub3A_1047, %select_n3A_1171 : vector<16xf32>
      %add3A_1181 = arith.constant 1.000000e+00 : f32
      %add3A_1182 = vector.broadcast %add3A_1181 : f32 to vector<16xf32>
      %add3A_1183 = arith.addf %add3A_1182, %mul3A_1180 : vector<16xf32>
      %swap3A_1184 = arith.constant 64 : index
      %swap3A_1185 = tpu.vector_load %arg19[%swap3A_1184] {strides = array<i32>} : memref<80xf32, #tpu.memory_space<vmem>>, vector<16xf32>,
      %swap3A_1186 = vector.shape_cast %swap3A_1185 : vector<16xf32> to vector<16xf32>
      %swap3A_1187 = vector.shape_cast %add3A_1183 : vector<16xf32> to vector<16xf32>
      tpu.vector_store %arg19[%swap3A_1184], %swap3A_1187 {strides = array<i32>} : memref<80xf32, #tpu.memory_space<vmem>>, vector<16xf32>,
      %dma_start3A_1188 = arith.constant 0 : i32
      %dma_start3A_1189 = arith.constant 0 : i32
      %dma_start3A_1190 = tpu.memref_slice %arg23[%dma_start3A_1188, %dma_start3A_1189] : memref<10240x128xf32, #tpu.memory_space<vmem_shared>> -> memref<10240x128xf32, #tpu.memory_space<vmem_shared>>
      tpu.enqueue_indirect_dma source(%arg16 : memref<80x128xf32, #tpu.memory_space<vmem>>) target(%dma_start3A_1190 : memref<10240x128xf32, #tpu.memory_space<vmem_shared>>) offsets(%arg14 : memref<80xi32, #tpu.memory_space<vmem>>) semaphore(%arg31 : memref<!tpu.dma_semaphore, #tpu.memory_space<semaphore_mem>>) {add = true}
      %dma_start3A_1191 = arith.constant 0 : i32
      %dma_start3A_1192 = tpu.memref_slice %arg24[%dma_start3A_1191] : memref<10240xf32, #tpu.memory_space<vmem_shared>> -> memref<10240xf32, #tpu.memory_space<vmem_shared>>
      tpu.enqueue_indirect_dma source(%arg19 : memref<80xf32, #tpu.memory_space<vmem>>) target(%dma_start3A_1192 : memref<10240xf32, #tpu.memory_space<vmem_shared>>) offsets(%arg14 : memref<80xi32, #tpu.memory_space<vmem>>) semaphore(%arg33 : memref<!tpu.dma_semaphore, #tpu.memory_space<semaphore_mem>>) {add = true}
      %dma_start3A_1193 = arith.constant 0 : i32
      %dma_start3A_1194 = tpu.memref_slice %arg25[%dma_start3A_1193] : memref<10240xf32, #tpu.memory_space<vmem_shared>> -> memref<10240xf32, #tpu.memory_space<vmem_shared>>
      tpu.enqueue_indirect_dma source(%arg21 : memref<80xf32, #tpu.memory_space<vmem>>) target(%dma_start3A_1194 : memref<10240xf32, #tpu.memory_space<vmem_shared>>) offsets(%arg14 : memref<80xi32, #tpu.memory_space<vmem>>) semaphore(%arg33 : memref<!tpu.dma_semaphore, #tpu.memory_space<semaphore_mem>>) {add = true}
      %lt3A = arith.constant 60 : i32
      %lt3A_1195 = arith.cmpi slt, %scan3A_816, %lt3A : i32
      %convert_element_type3A = arith.extui %lt3A_1195 : i1 to i32
      %cond3A = arith.constant 0 : i32
      %cond3A_1196 = arith.cmpi ne, %convert_element_type3A, %cond3A : i32
      scf.if %cond3A_1196 {
        %add3A_1197 = arith.constant 2 : i32
        %add3A_1198 = arith.addi %add3A_822, %add3A_1197 : i32
        %mul3A_1199 = arith.constant 80 : i32
        %mul3A_1200 = arith.muli %add3A_1198, %mul3A_1199 : i32
        %add3A_1201 = arith.addi %mul3A_2, %mul3A_1200 : i32
        %multiple_of3A_1202 = tpu.assume_multiple %add3A_1201, 8 : i32
        %dma_start3A_1203 = tpu.memref_slice %arg3[%multiple_of3A_1202] : memref<320000xi32, #tpu.memory_space<hbm>> -> memref<80xi32, #tpu.memory_space<hbm>>
        %dma_start3A_1204 = tpu.memref_slice %arg3[%multiple_of3A_1202] : memref<320000xi32, #tpu.memory_space<hbm>> -> memref<80xi32, #tpu.memory_space<hbm>>
        tpu.enqueue_dma source(%dma_start3A_1204 : memref<80xi32, #tpu.memory_space<hbm>>) target(%arg10 : memref<80xi32, #tpu.memory_space<vmem>>) target_semaphore(%arg27 : memref<!tpu.dma_semaphore, #tpu.memory_space<semaphore_mem>>)
        %mul3A_1205 = arith.constant 80 : i32
        %mul3A_1206 = arith.muli %add3A_1198, %mul3A_1205 : i32
        %add3A_1207 = arith.addi %mul3A_2, %mul3A_1206 : i32
        %multiple_of3A_1208 = tpu.assume_multiple %add3A_1207, 8 : i32
        %dma_start3A_1209 = tpu.memref_slice %arg4[%multiple_of3A_1208] : memref<320000xi32, #tpu.memory_space<hbm>> -> memref<80xi32, #tpu.memory_space<hbm>>
        %dma_start3A_1210 = tpu.memref_slice %arg4[%multiple_of3A_1208] : memref<320000xi32, #tpu.memory_space<hbm>> -> memref<80xi32, #tpu.memory_space<hbm>>
        tpu.enqueue_dma source(%dma_start3A_1210 : memref<80xi32, #tpu.memory_space<hbm>>) target(%arg12 : memref<80xi32, #tpu.memory_space<vmem>>) target_semaphore(%arg27 : memref<!tpu.dma_semaphore, #tpu.memory_space<semaphore_mem>>)
      } else {
      }
    }
    %scan3A_496 = arith.constant 61 : i32
    %dma_wait3A_497 = arith.constant 0 : i32
    %dma_wait3A_498 = arith.constant 0 : i32
    %dma_wait3A_499 = tpu.memref_slice %arg2[%dma_wait3A_497, %dma_wait3A_498] : memref<10000x128xf32, #tpu.memory_space<hbm>> -> memref<10000x128xf32, #tpu.memory_space<hbm>>
    tpu.wait_indirect_dma semaphore(%arg28 : memref<!tpu.dma_semaphore, #tpu.memory_space<semaphore_mem>>) src(%dma_wait3A_499 : memref<10000x128xf32, #tpu.memory_space<hbm>>) dst(%arg15 : memref<80x128xf32, #tpu.memory_space<vmem>>)
    %dma_wait3A_500 = arith.constant 0 : i32
    %dma_wait3A_501 = tpu.memref_slice %arg24[%dma_wait3A_500] : memref<10240xf32, #tpu.memory_space<vmem_shared>> -> memref<10240xf32, #tpu.memory_space<vmem_shared>>
    tpu.wait_indirect_dma semaphore(%arg32 : memref<!tpu.dma_semaphore, #tpu.memory_space<semaphore_mem>>) src(%arg18 : memref<80xf32, #tpu.memory_space<vmem>>) dst(%dma_wait3A_501 : memref<10240xf32, #tpu.memory_space<vmem_shared>>)
    %dma_wait3A_502 = arith.constant 0 : i32
    %dma_wait3A_503 = tpu.memref_slice %arg25[%dma_wait3A_502] : memref<10240xf32, #tpu.memory_space<vmem_shared>> -> memref<10240xf32, #tpu.memory_space<vmem_shared>>
    tpu.wait_indirect_dma semaphore(%arg32 : memref<!tpu.dma_semaphore, #tpu.memory_space<semaphore_mem>>) src(%arg20 : memref<80xf32, #tpu.memory_space<vmem>>) dst(%dma_wait3A_503 : memref<10240xf32, #tpu.memory_space<vmem_shared>>)
    %get3A_504 = arith.constant 0 : index
    %get3A_505 = tpu.vector_load %arg17[%get3A_504] {strides = array<i32>} : memref<16xf32, #tpu.memory_space<vmem>>, vector<16xf32>,
    %get3A_506 = vector.shape_cast %get3A_505 : vector<16xf32> to vector<16xf32>
    %sub3A_507 = arith.constant 1.000000e+00 : f32
    %sub3A_508 = vector.broadcast %sub3A_507 : f32 to vector<16xf32>
    %sub3A_509 = arith.subf %get3A_506, %sub3A_508 : vector<16xf32>
    %get3A_510 = arith.constant 0 : index
    %get3A_511 = tpu.vector_load %arg9[%get3A_510] {strides = array<i32>} : memref<80xi32, #tpu.memory_space<vmem>>, vector<16xi32>,
    %get3A_512 = vector.shape_cast %get3A_511 : vector<16xi32> to vector<16xi32>
    %get3A_513 = arith.constant 0 : index
    %get3A_514 = tpu.vector_load %arg11[%get3A_513] {strides = array<i32>} : memref<80xi32, #tpu.memory_space<vmem>>, vector<16xi32>,
    %get3A_515 = vector.shape_cast %get3A_514 : vector<16xi32> to vector<16xi32>
    %eq3A_516 = arith.cmpi eq, %get3A_512, %get3A_515 : vector<16xi32>
    %jit3A_517 = arith.constant 1.000000e+00 : f32
    %jit3A_518 = arith.constant 0.000000e+00 : f32
    %broadcast_in_dim3A_519 = vector.broadcast %jit3A_517 : f32 to vector<16xf32>
    %broadcast_in_dim3A_520 = vector.broadcast %jit3A_518 : f32 to vector<16xf32>
    %select_n3A_521 = arith.select %eq3A_516, %broadcast_in_dim3A_519, %broadcast_in_dim3A_520 : vector<16xi1>, vector<16xf32>
    %swap3A_522 = arith.constant 0 : index
    %swap3A_523 = tpu.vector_load %arg13[%swap3A_522] {strides = array<i32>} : memref<80xi32, #tpu.memory_space<vmem>>, vector<16xi32>,
    %swap3A_524 = vector.shape_cast %swap3A_523 : vector<16xi32> to vector<16xi32>
    %swap3A_525 = vector.shape_cast %get3A_512 : vector<16xi32> to vector<16xi32>
    tpu.vector_store %arg13[%swap3A_522], %swap3A_525 {strides = array<i32>} : memref<80xi32, #tpu.memory_space<vmem>>, vector<16xi32>,
    %swap3A_526 = arith.constant 0 : index
    %swap3A_527 = tpu.vector_load %arg20[%swap3A_526] {strides = array<i32>} : memref<80xf32, #tpu.memory_space<vmem>>, vector<16xf32>,
    %swap3A_528 = vector.shape_cast %swap3A_527 : vector<16xf32> to vector<16xf32>
    %swap3A_529 = vector.shape_cast %select_n3A_521 : vector<16xf32> to vector<16xf32>
    tpu.vector_store %arg20[%swap3A_526], %swap3A_529 {strides = array<i32>} : memref<80xf32, #tpu.memory_space<vmem>>, vector<16xf32>,
    %mul3A_530 = arith.mulf %sub3A_509, %select_n3A_521 : vector<16xf32>
    %add3A_531 = arith.constant 1.000000e+00 : f32
    %add3A_532 = vector.broadcast %add3A_531 : f32 to vector<16xf32>
    %add3A_533 = arith.addf %add3A_532, %mul3A_530 : vector<16xf32>
    %swap3A_534 = arith.constant 0 : index
    %swap3A_535 = tpu.vector_load %arg18[%swap3A_534] {strides = array<i32>} : memref<80xf32, #tpu.memory_space<vmem>>, vector<16xf32>,
    %swap3A_536 = vector.shape_cast %swap3A_535 : vector<16xf32> to vector<16xf32>
    %swap3A_537 = vector.shape_cast %add3A_533 : vector<16xf32> to vector<16xf32>
    tpu.vector_store %arg18[%swap3A_534], %swap3A_537 {strides = array<i32>} : memref<80xf32, #tpu.memory_space<vmem>>, vector<16xf32>,
    %get3A_538 = arith.constant 16 : index
    %get3A_539 = tpu.vector_load %arg9[%get3A_538] {strides = array<i32>} : memref<80xi32, #tpu.memory_space<vmem>>, vector<16xi32>,
    %get3A_540 = vector.shape_cast %get3A_539 : vector<16xi32> to vector<16xi32>
    %get3A_541 = arith.constant 16 : index
    %get3A_542 = tpu.vector_load %arg11[%get3A_541] {strides = array<i32>} : memref<80xi32, #tpu.memory_space<vmem>>, vector<16xi32>,
    %get3A_543 = vector.shape_cast %get3A_542 : vector<16xi32> to vector<16xi32>
    %eq3A_544 = arith.cmpi eq, %get3A_540, %get3A_543 : vector<16xi32>
    %jit3A_545 = arith.constant 1.000000e+00 : f32
    %jit3A_546 = arith.constant 0.000000e+00 : f32
    %broadcast_in_dim3A_547 = vector.broadcast %jit3A_545 : f32 to vector<16xf32>
    %broadcast_in_dim3A_548 = vector.broadcast %jit3A_546 : f32 to vector<16xf32>
    %select_n3A_549 = arith.select %eq3A_544, %broadcast_in_dim3A_547, %broadcast_in_dim3A_548 : vector<16xi1>, vector<16xf32>
    %swap3A_550 = arith.constant 16 : index
    %swap3A_551 = tpu.vector_load %arg13[%swap3A_550] {strides = array<i32>} : memref<80xi32, #tpu.memory_space<vmem>>, vector<16xi32>,
    %swap3A_552 = vector.shape_cast %swap3A_551 : vector<16xi32> to vector<16xi32>
    %swap3A_553 = vector.shape_cast %get3A_540 : vector<16xi32> to vector<16xi32>
    tpu.vector_store %arg13[%swap3A_550], %swap3A_553 {strides = array<i32>} : memref<80xi32, #tpu.memory_space<vmem>>, vector<16xi32>,
    %swap3A_554 = arith.constant 16 : index
    %swap3A_555 = tpu.vector_load %arg20[%swap3A_554] {strides = array<i32>} : memref<80xf32, #tpu.memory_space<vmem>>, vector<16xf32>,
    %swap3A_556 = vector.shape_cast %swap3A_555 : vector<16xf32> to vector<16xf32>
    %swap3A_557 = vector.shape_cast %select_n3A_549 : vector<16xf32> to vector<16xf32>
    tpu.vector_store %arg20[%swap3A_554], %swap3A_557 {strides = array<i32>} : memref<80xf32, #tpu.memory_space<vmem>>, vector<16xf32>,
    %mul3A_558 = arith.mulf %sub3A_509, %select_n3A_549 : vector<16xf32>
    %add3A_559 = arith.constant 1.000000e+00 : f32
    %add3A_560 = vector.broadcast %add3A_559 : f32 to vector<16xf32>
    %add3A_561 = arith.addf %add3A_560, %mul3A_558 : vector<16xf32>
    %swap3A_562 = arith.constant 16 : index
    %swap3A_563 = tpu.vector_load %arg18[%swap3A_562] {strides = array<i32>} : memref<80xf32, #tpu.memory_space<vmem>>, vector<16xf32>,
    %swap3A_564 = vector.shape_cast %swap3A_563 : vector<16xf32> to vector<16xf32>
    %swap3A_565 = vector.shape_cast %add3A_561 : vector<16xf32> to vector<16xf32>
    tpu.vector_store %arg18[%swap3A_562], %swap3A_565 {strides = array<i32>} : memref<80xf32, #tpu.memory_space<vmem>>, vector<16xf32>,
    %get3A_566 = arith.constant 32 : index
    %get3A_567 = tpu.vector_load %arg9[%get3A_566] {strides = array<i32>} : memref<80xi32, #tpu.memory_space<vmem>>, vector<16xi32>,
    %get3A_568 = vector.shape_cast %get3A_567 : vector<16xi32> to vector<16xi32>
    %get3A_569 = arith.constant 32 : index
    %get3A_570 = tpu.vector_load %arg11[%get3A_569] {strides = array<i32>} : memref<80xi32, #tpu.memory_space<vmem>>, vector<16xi32>,
    %get3A_571 = vector.shape_cast %get3A_570 : vector<16xi32> to vector<16xi32>
    %eq3A_572 = arith.cmpi eq, %get3A_568, %get3A_571 : vector<16xi32>
    %jit3A_573 = arith.constant 1.000000e+00 : f32
    %jit3A_574 = arith.constant 0.000000e+00 : f32
    %broadcast_in_dim3A_575 = vector.broadcast %jit3A_573 : f32 to vector<16xf32>
    %broadcast_in_dim3A_576 = vector.broadcast %jit3A_574 : f32 to vector<16xf32>
    %select_n3A_577 = arith.select %eq3A_572, %broadcast_in_dim3A_575, %broadcast_in_dim3A_576 : vector<16xi1>, vector<16xf32>
    %swap3A_578 = arith.constant 32 : index
    %swap3A_579 = tpu.vector_load %arg13[%swap3A_578] {strides = array<i32>} : memref<80xi32, #tpu.memory_space<vmem>>, vector<16xi32>,
    %swap3A_580 = vector.shape_cast %swap3A_579 : vector<16xi32> to vector<16xi32>
    %swap3A_581 = vector.shape_cast %get3A_568 : vector<16xi32> to vector<16xi32>
    tpu.vector_store %arg13[%swap3A_578], %swap3A_581 {strides = array<i32>} : memref<80xi32, #tpu.memory_space<vmem>>, vector<16xi32>,
    %swap3A_582 = arith.constant 32 : index
    %swap3A_583 = tpu.vector_load %arg20[%swap3A_582] {strides = array<i32>} : memref<80xf32, #tpu.memory_space<vmem>>, vector<16xf32>,
    %swap3A_584 = vector.shape_cast %swap3A_583 : vector<16xf32> to vector<16xf32>
    %swap3A_585 = vector.shape_cast %select_n3A_577 : vector<16xf32> to vector<16xf32>
    tpu.vector_store %arg20[%swap3A_582], %swap3A_585 {strides = array<i32>} : memref<80xf32, #tpu.memory_space<vmem>>, vector<16xf32>,
    %mul3A_586 = arith.mulf %sub3A_509, %select_n3A_577 : vector<16xf32>
    %add3A_587 = arith.constant 1.000000e+00 : f32
    %add3A_588 = vector.broadcast %add3A_587 : f32 to vector<16xf32>
    %add3A_589 = arith.addf %add3A_588, %mul3A_586 : vector<16xf32>
    %swap3A_590 = arith.constant 32 : index
    %swap3A_591 = tpu.vector_load %arg18[%swap3A_590] {strides = array<i32>} : memref<80xf32, #tpu.memory_space<vmem>>, vector<16xf32>,
    %swap3A_592 = vector.shape_cast %swap3A_591 : vector<16xf32> to vector<16xf32>
    %swap3A_593 = vector.shape_cast %add3A_589 : vector<16xf32> to vector<16xf32>
    tpu.vector_store %arg18[%swap3A_590], %swap3A_593 {strides = array<i32>} : memref<80xf32, #tpu.memory_space<vmem>>, vector<16xf32>,
    %get3A_594 = arith.constant 48 : index
    %get3A_595 = tpu.vector_load %arg9[%get3A_594] {strides = array<i32>} : memref<80xi32, #tpu.memory_space<vmem>>, vector<16xi32>,
    %get3A_596 = vector.shape_cast %get3A_595 : vector<16xi32> to vector<16xi32>
    %get3A_597 = arith.constant 48 : index
    %get3A_598 = tpu.vector_load %arg11[%get3A_597] {strides = array<i32>} : memref<80xi32, #tpu.memory_space<vmem>>, vector<16xi32>,
    %get3A_599 = vector.shape_cast %get3A_598 : vector<16xi32> to vector<16xi32>
    %eq3A_600 = arith.cmpi eq, %get3A_596, %get3A_599 : vector<16xi32>
    %jit3A_601 = arith.constant 1.000000e+00 : f32
    %jit3A_602 = arith.constant 0.000000e+00 : f32
    %broadcast_in_dim3A_603 = vector.broadcast %jit3A_601 : f32 to vector<16xf32>
    %broadcast_in_dim3A_604 = vector.broadcast %jit3A_602 : f32 to vector<16xf32>
    %select_n3A_605 = arith.select %eq3A_600, %broadcast_in_dim3A_603, %broadcast_in_dim3A_604 : vector<16xi1>, vector<16xf32>
    %swap3A_606 = arith.constant 48 : index
    %swap3A_607 = tpu.vector_load %arg13[%swap3A_606] {strides = array<i32>} : memref<80xi32, #tpu.memory_space<vmem>>, vector<16xi32>,
    %swap3A_608 = vector.shape_cast %swap3A_607 : vector<16xi32> to vector<16xi32>
    %swap3A_609 = vector.shape_cast %get3A_596 : vector<16xi32> to vector<16xi32>
    tpu.vector_store %arg13[%swap3A_606], %swap3A_609 {strides = array<i32>} : memref<80xi32, #tpu.memory_space<vmem>>, vector<16xi32>,
    %swap3A_610 = arith.constant 48 : index
    %swap3A_611 = tpu.vector_load %arg20[%swap3A_610] {strides = array<i32>} : memref<80xf32, #tpu.memory_space<vmem>>, vector<16xf32>,
    %swap3A_612 = vector.shape_cast %swap3A_611 : vector<16xf32> to vector<16xf32>
    %swap3A_613 = vector.shape_cast %select_n3A_605 : vector<16xf32> to vector<16xf32>
    tpu.vector_store %arg20[%swap3A_610], %swap3A_613 {strides = array<i32>} : memref<80xf32, #tpu.memory_space<vmem>>, vector<16xf32>,
    %mul3A_614 = arith.mulf %sub3A_509, %select_n3A_605 : vector<16xf32>
    %add3A_615 = arith.constant 1.000000e+00 : f32
    %add3A_616 = vector.broadcast %add3A_615 : f32 to vector<16xf32>
    %add3A_617 = arith.addf %add3A_616, %mul3A_614 : vector<16xf32>
    %swap3A_618 = arith.constant 48 : index
    %swap3A_619 = tpu.vector_load %arg18[%swap3A_618] {strides = array<i32>} : memref<80xf32, #tpu.memory_space<vmem>>, vector<16xf32>,
    %swap3A_620 = vector.shape_cast %swap3A_619 : vector<16xf32> to vector<16xf32>
    %swap3A_621 = vector.shape_cast %add3A_617 : vector<16xf32> to vector<16xf32>
    tpu.vector_store %arg18[%swap3A_618], %swap3A_621 {strides = array<i32>} : memref<80xf32, #tpu.memory_space<vmem>>, vector<16xf32>,
    %get3A_622 = arith.constant 64 : index
    %get3A_623 = tpu.vector_load %arg9[%get3A_622] {strides = array<i32>} : memref<80xi32, #tpu.memory_space<vmem>>, vector<16xi32>,
    %get3A_624 = vector.shape_cast %get3A_623 : vector<16xi32> to vector<16xi32>
    %get3A_625 = arith.constant 64 : index
    %get3A_626 = tpu.vector_load %arg11[%get3A_625] {strides = array<i32>} : memref<80xi32, #tpu.memory_space<vmem>>, vector<16xi32>,
    %get3A_627 = vector.shape_cast %get3A_626 : vector<16xi32> to vector<16xi32>
    %eq3A_628 = arith.cmpi eq, %get3A_624, %get3A_627 : vector<16xi32>
    %jit3A_629 = arith.constant 1.000000e+00 : f32
    %jit3A_630 = arith.constant 0.000000e+00 : f32
    %broadcast_in_dim3A_631 = vector.broadcast %jit3A_629 : f32 to vector<16xf32>
    %broadcast_in_dim3A_632 = vector.broadcast %jit3A_630 : f32 to vector<16xf32>
    %select_n3A_633 = arith.select %eq3A_628, %broadcast_in_dim3A_631, %broadcast_in_dim3A_632 : vector<16xi1>, vector<16xf32>
    %swap3A_634 = arith.constant 64 : index
    %swap3A_635 = tpu.vector_load %arg13[%swap3A_634] {strides = array<i32>} : memref<80xi32, #tpu.memory_space<vmem>>, vector<16xi32>,
    %swap3A_636 = vector.shape_cast %swap3A_635 : vector<16xi32> to vector<16xi32>
    %swap3A_637 = vector.shape_cast %get3A_624 : vector<16xi32> to vector<16xi32>
    tpu.vector_store %arg13[%swap3A_634], %swap3A_637 {strides = array<i32>} : memref<80xi32, #tpu.memory_space<vmem>>, vector<16xi32>,
    %swap3A_638 = arith.constant 64 : index
    %swap3A_639 = tpu.vector_load %arg20[%swap3A_638] {strides = array<i32>} : memref<80xf32, #tpu.memory_space<vmem>>, vector<16xf32>,
    %swap3A_640 = vector.shape_cast %swap3A_639 : vector<16xf32> to vector<16xf32>
    %swap3A_641 = vector.shape_cast %select_n3A_633 : vector<16xf32> to vector<16xf32>
    tpu.vector_store %arg20[%swap3A_638], %swap3A_641 {strides = array<i32>} : memref<80xf32, #tpu.memory_space<vmem>>, vector<16xf32>,
    %mul3A_642 = arith.mulf %sub3A_509, %select_n3A_633 : vector<16xf32>
    %add3A_643 = arith.constant 1.000000e+00 : f32
    %add3A_644 = vector.broadcast %add3A_643 : f32 to vector<16xf32>
    %add3A_645 = arith.addf %add3A_644, %mul3A_642 : vector<16xf32>
    %swap3A_646 = arith.constant 64 : index
    %swap3A_647 = tpu.vector_load %arg18[%swap3A_646] {strides = array<i32>} : memref<80xf32, #tpu.memory_space<vmem>>, vector<16xf32>,
    %swap3A_648 = vector.shape_cast %swap3A_647 : vector<16xf32> to vector<16xf32>
    %swap3A_649 = vector.shape_cast %add3A_645 : vector<16xf32> to vector<16xf32>
    tpu.vector_store %arg18[%swap3A_646], %swap3A_649 {strides = array<i32>} : memref<80xf32, #tpu.memory_space<vmem>>, vector<16xf32>,
    %dma_start3A_650 = arith.constant 0 : i32
    %dma_start3A_651 = arith.constant 0 : i32
    %dma_start3A_652 = tpu.memref_slice %arg23[%dma_start3A_650, %dma_start3A_651] : memref<10240x128xf32, #tpu.memory_space<vmem_shared>> -> memref<10240x128xf32, #tpu.memory_space<vmem_shared>>
    tpu.enqueue_indirect_dma source(%arg15 : memref<80x128xf32, #tpu.memory_space<vmem>>) target(%dma_start3A_652 : memref<10240x128xf32, #tpu.memory_space<vmem_shared>>) offsets(%arg13 : memref<80xi32, #tpu.memory_space<vmem>>) semaphore(%arg30 : memref<!tpu.dma_semaphore, #tpu.memory_space<semaphore_mem>>) {add = true}
    %dma_start3A_653 = arith.constant 0 : i32
    %dma_start3A_654 = tpu.memref_slice %arg24[%dma_start3A_653] : memref<10240xf32, #tpu.memory_space<vmem_shared>> -> memref<10240xf32, #tpu.memory_space<vmem_shared>>
    tpu.enqueue_indirect_dma source(%arg18 : memref<80xf32, #tpu.memory_space<vmem>>) target(%dma_start3A_654 : memref<10240xf32, #tpu.memory_space<vmem_shared>>) offsets(%arg13 : memref<80xi32, #tpu.memory_space<vmem>>) semaphore(%arg32 : memref<!tpu.dma_semaphore, #tpu.memory_space<semaphore_mem>>) {add = true}
    %dma_start3A_655 = arith.constant 0 : i32
    %dma_start3A_656 = tpu.memref_slice %arg25[%dma_start3A_655] : memref<10240xf32, #tpu.memory_space<vmem_shared>> -> memref<10240xf32, #tpu.memory_space<vmem_shared>>
    tpu.enqueue_indirect_dma source(%arg20 : memref<80xf32, #tpu.memory_space<vmem>>) target(%dma_start3A_656 : memref<10240xf32, #tpu.memory_space<vmem_shared>>) offsets(%arg13 : memref<80xi32, #tpu.memory_space<vmem>>) semaphore(%arg32 : memref<!tpu.dma_semaphore, #tpu.memory_space<semaphore_mem>>) {add = true}
    %dma_wait3A_657 = arith.constant 0 : i32
    %dma_wait3A_658 = arith.constant 0 : i32
    %dma_wait3A_659 = tpu.memref_slice %arg23[%dma_wait3A_657, %dma_wait3A_658] : memref<10240x128xf32, #tpu.memory_space<vmem_shared>> -> memref<10240x128xf32, #tpu.memory_space<vmem_shared>>
    tpu.wait_indirect_dma semaphore(%arg31 : memref<!tpu.dma_semaphore, #tpu.memory_space<semaphore_mem>>) src(%arg16 : memref<80x128xf32, #tpu.memory_space<vmem>>) dst(%dma_wait3A_659 : memref<10240x128xf32, #tpu.memory_space<vmem_shared>>)
    %dma_wait3A_660 = arith.constant 0 : i32
    %dma_wait3A_661 = tpu.memref_slice %arg24[%dma_wait3A_660] : memref<10240xf32, #tpu.memory_space<vmem_shared>> -> memref<10240xf32, #tpu.memory_space<vmem_shared>>
    tpu.wait_indirect_dma semaphore(%arg33 : memref<!tpu.dma_semaphore, #tpu.memory_space<semaphore_mem>>) src(%arg19 : memref<80xf32, #tpu.memory_space<vmem>>) dst(%dma_wait3A_661 : memref<10240xf32, #tpu.memory_space<vmem_shared>>)
    %dma_wait3A_662 = arith.constant 0 : i32
    %dma_wait3A_663 = tpu.memref_slice %arg25[%dma_wait3A_662] : memref<10240xf32, #tpu.memory_space<vmem_shared>> -> memref<10240xf32, #tpu.memory_space<vmem_shared>>
    tpu.wait_indirect_dma semaphore(%arg33 : memref<!tpu.dma_semaphore, #tpu.memory_space<semaphore_mem>>) src(%arg21 : memref<80xf32, #tpu.memory_space<vmem>>) dst(%dma_wait3A_663 : memref<10240xf32, #tpu.memory_space<vmem_shared>>)
    %dma_wait3A_664 = arith.constant 0 : i32
    %dma_wait3A_665 = arith.constant 0 : i32
    %dma_wait3A_666 = tpu.memref_slice %arg23[%dma_wait3A_664, %dma_wait3A_665] : memref<10240x128xf32, #tpu.memory_space<vmem_shared>> -> memref<10240x128xf32, #tpu.memory_space<vmem_shared>>
    tpu.wait_indirect_dma semaphore(%arg30 : memref<!tpu.dma_semaphore, #tpu.memory_space<semaphore_mem>>) src(%arg15 : memref<80x128xf32, #tpu.memory_space<vmem>>) dst(%dma_wait3A_666 : memref<10240x128xf32, #tpu.memory_space<vmem_shared>>)
    %dma_wait3A_667 = arith.constant 0 : i32
    %dma_wait3A_668 = tpu.memref_slice %arg24[%dma_wait3A_667] : memref<10240xf32, #tpu.memory_space<vmem_shared>> -> memref<10240xf32, #tpu.memory_space<vmem_shared>>
    tpu.wait_indirect_dma semaphore(%arg32 : memref<!tpu.dma_semaphore, #tpu.memory_space<semaphore_mem>>) src(%arg18 : memref<80xf32, #tpu.memory_space<vmem>>) dst(%dma_wait3A_668 : memref<10240xf32, #tpu.memory_space<vmem_shared>>)
    %dma_wait3A_669 = arith.constant 0 : i32
    %dma_wait3A_670 = tpu.memref_slice %arg25[%dma_wait3A_669] : memref<10240xf32, #tpu.memory_space<vmem_shared>> -> memref<10240xf32, #tpu.memory_space<vmem_shared>>
    tpu.wait_indirect_dma semaphore(%arg32 : memref<!tpu.dma_semaphore, #tpu.memory_space<semaphore_mem>>) src(%arg20 : memref<80xf32, #tpu.memory_space<vmem>>) dst(%dma_wait3A_670 : memref<10240xf32, #tpu.memory_space<vmem_shared>>)
    %barrier3A_671 = arith.constant 0 : index
    tpu.barrier barrier_id(%barrier3A_671)
    %add3A_672 = arith.constant 0 : i32
    %add3A_673 = arith.addi %multiple_of3A, %add3A_672 : i32
    %multiple_of3A_674 = tpu.assume_multiple %add3A_673, 8 : i32
    "tpu.region"() ({
      %run_scoped3A = tpu.sem_alloc : memref<!tpu.dma_semaphore, #tpu.memory_space<semaphore_mem>>
      %dma_start3A_816 = arith.constant 0 : i32
      %dma_start3A_817 = tpu.memref_slice %arg23[%multiple_of3A_674, %dma_start3A_816] : memref<10240x128xf32, #tpu.memory_space<vmem_shared>> -> memref<80x128xf32, #tpu.memory_space<vmem_shared>>
      %dma_start3A_818 = arith.constant 0 : i32
      %dma_start3A_819 = tpu.memref_slice %arg23[%multiple_of3A_674, %dma_start3A_818] : memref<10240x128xf32, #tpu.memory_space<vmem_shared>> -> memref<80x128xf32, #tpu.memory_space<vmem_shared>>
      tpu.enqueue_dma source(%dma_start3A_819 : memref<80x128xf32, #tpu.memory_space<vmem_shared>>) target(%arg15 : memref<80x128xf32, #tpu.memory_space<vmem>>) target_semaphore(%run_scoped3A : memref<!tpu.dma_semaphore, #tpu.memory_space<semaphore_mem>>)
      %dma_wait3A_820 = arith.constant 0 : i32
      %dma_wait3A_821 = tpu.memref_slice %arg23[%multiple_of3A_674, %dma_wait3A_820] : memref<10240x128xf32, #tpu.memory_space<vmem_shared>> -> memref<80x128xf32, #tpu.memory_space<vmem_shared>>
      %dma_wait3A_822 = arith.constant 0 : i32
      %dma_wait3A_823 = tpu.memref_slice %arg23[%multiple_of3A_674, %dma_wait3A_822] : memref<10240x128xf32, #tpu.memory_space<vmem_shared>> -> memref<80x128xf32, #tpu.memory_space<vmem_shared>>
      tpu.wait_dma2 semaphore(%run_scoped3A : memref<!tpu.dma_semaphore, #tpu.memory_space<semaphore_mem>>) src(%dma_wait3A_823 : memref<80x128xf32, #tpu.memory_space<vmem_shared>>) dst(%arg15 : memref<80x128xf32, #tpu.memory_space<vmem>>)
      tpu.yield
    }) : () -> ()
    %dma_start3A_675 = arith.constant 0 : i32
    %dma_start3A_676 = tpu.memref_slice %arg6[%arg0, %multiple_of3A_674, %dma_start3A_675] : memref<2x10240x128xf32, #tpu.memory_space<hbm>> -> memref<1x80x128xf32, #tpu.memory_space<hbm>>
    %dma_start3A_677 = tpu.memref_squeeze %dma_start3A_676 : memref<1x80x128xf32, #tpu.memory_space<hbm>> -> memref<80x128xf32, #tpu.memory_space<hbm>>
    %dma_start3A_678 = arith.constant 0 : i32
    %dma_start3A_679 = tpu.memref_slice %arg6[%arg0, %multiple_of3A_674, %dma_start3A_678] : memref<2x10240x128xf32, #tpu.memory_space<hbm>> -> memref<1x80x128xf32, #tpu.memory_space<hbm>>
    %dma_start3A_680 = tpu.memref_squeeze %dma_start3A_679 : memref<1x80x128xf32, #tpu.memory_space<hbm>> -> memref<80x128xf32, #tpu.memory_space<hbm>>
    tpu.enqueue_dma source(%arg15 : memref<80x128xf32, #tpu.memory_space<vmem>>) target(%dma_start3A_680 : memref<80x128xf32, #tpu.memory_space<hbm>>) target_semaphore(%arg28 : memref<!tpu.dma_semaphore, #tpu.memory_space<semaphore_mem>>)
    %add3A_681 = arith.constant 80 : i32
    %add3A_682 = arith.addi %multiple_of3A, %add3A_681 : i32
    %multiple_of3A_683 = tpu.assume_multiple %add3A_682, 8 : i32
    "tpu.region"() ({
      %run_scoped3A = tpu.sem_alloc : memref<!tpu.dma_semaphore, #tpu.memory_space<semaphore_mem>>
      %dma_start3A_816 = arith.constant 0 : i32
      %dma_start3A_817 = tpu.memref_slice %arg23[%multiple_of3A_683, %dma_start3A_816] : memref<10240x128xf32, #tpu.memory_space<vmem_shared>> -> memref<80x128xf32, #tpu.memory_space<vmem_shared>>
      %dma_start3A_818 = arith.constant 0 : i32
      %dma_start3A_819 = tpu.memref_slice %arg23[%multiple_of3A_683, %dma_start3A_818] : memref<10240x128xf32, #tpu.memory_space<vmem_shared>> -> memref<80x128xf32, #tpu.memory_space<vmem_shared>>
      tpu.enqueue_dma source(%dma_start3A_819 : memref<80x128xf32, #tpu.memory_space<vmem_shared>>) target(%arg16 : memref<80x128xf32, #tpu.memory_space<vmem>>) target_semaphore(%run_scoped3A : memref<!tpu.dma_semaphore, #tpu.memory_space<semaphore_mem>>)
      %dma_wait3A_820 = arith.constant 0 : i32
      %dma_wait3A_821 = tpu.memref_slice %arg23[%multiple_of3A_683, %dma_wait3A_820] : memref<10240x128xf32, #tpu.memory_space<vmem_shared>> -> memref<80x128xf32, #tpu.memory_space<vmem_shared>>
      %dma_wait3A_822 = arith.constant 0 : i32
      %dma_wait3A_823 = tpu.memref_slice %arg23[%multiple_of3A_683, %dma_wait3A_822] : memref<10240x128xf32, #tpu.memory_space<vmem_shared>> -> memref<80x128xf32, #tpu.memory_space<vmem_shared>>
      tpu.wait_dma2 semaphore(%run_scoped3A : memref<!tpu.dma_semaphore, #tpu.memory_space<semaphore_mem>>) src(%dma_wait3A_823 : memref<80x128xf32, #tpu.memory_space<vmem_shared>>) dst(%arg16 : memref<80x128xf32, #tpu.memory_space<vmem>>)
      tpu.yield
    }) : () -> ()
    %dma_start3A_684 = arith.constant 0 : i32
    %dma_start3A_685 = tpu.memref_slice %arg6[%arg0, %multiple_of3A_683, %dma_start3A_684] : memref<2x10240x128xf32, #tpu.memory_space<hbm>> -> memref<1x80x128xf32, #tpu.memory_space<hbm>>
    %dma_start3A_686 = tpu.memref_squeeze %dma_start3A_685 : memref<1x80x128xf32, #tpu.memory_space<hbm>> -> memref<80x128xf32, #tpu.memory_space<hbm>>
    %dma_start3A_687 = arith.constant 0 : i32
    %dma_start3A_688 = tpu.memref_slice %arg6[%arg0, %multiple_of3A_683, %dma_start3A_687] : memref<2x10240x128xf32, #tpu.memory_space<hbm>> -> memref<1x80x128xf32, #tpu.memory_space<hbm>>
    %dma_start3A_689 = tpu.memref_squeeze %dma_start3A_688 : memref<1x80x128xf32, #tpu.memory_space<hbm>> -> memref<80x128xf32, #tpu.memory_space<hbm>>
    tpu.enqueue_dma source(%arg16 : memref<80x128xf32, #tpu.memory_space<vmem>>) target(%dma_start3A_689 : memref<80x128xf32, #tpu.memory_space<hbm>>) target_semaphore(%arg29 : memref<!tpu.dma_semaphore, #tpu.memory_space<semaphore_mem>>)
    %add3A_690 = arith.constant 160 : i32
    %add3A_691 = arith.addi %multiple_of3A, %add3A_690 : i32
    %multiple_of3A_692 = tpu.assume_multiple %add3A_691, 8 : i32
    %add3A_693 = arith.constant 0 : i32
    %add3A_694 = arith.addi %multiple_of3A, %add3A_693 : i32
    %multiple_of3A_695 = tpu.assume_multiple %add3A_694, 8 : i32
    %dma_wait3A_696 = arith.constant 0 : i32
    %dma_wait3A_697 = tpu.memref_slice %arg6[%arg0, %multiple_of3A_695, %dma_wait3A_696] : memref<2x10240x128xf32, #tpu.memory_space<hbm>> -> memref<1x80x128xf32, #tpu.memory_space<hbm>>
    %dma_wait3A_698 = tpu.memref_squeeze %dma_wait3A_697 : memref<1x80x128xf32, #tpu.memory_space<hbm>> -> memref<80x128xf32, #tpu.memory_space<hbm>>
    %dma_wait3A_699 = arith.constant 0 : i32
    %dma_wait3A_700 = tpu.memref_slice %arg6[%arg0, %multiple_of3A_695, %dma_wait3A_699] : memref<2x10240x128xf32, #tpu.memory_space<hbm>> -> memref<1x80x128xf32, #tpu.memory_space<hbm>>
    %dma_wait3A_701 = tpu.memref_squeeze %dma_wait3A_700 : memref<1x80x128xf32, #tpu.memory_space<hbm>> -> memref<80x128xf32, #tpu.memory_space<hbm>>
    tpu.wait_dma2 semaphore(%arg28 : memref<!tpu.dma_semaphore, #tpu.memory_space<semaphore_mem>>) src(%arg15 : memref<80x128xf32, #tpu.memory_space<vmem>>) dst(%dma_wait3A_701 : memref<80x128xf32, #tpu.memory_space<hbm>>)
    "tpu.region"() ({
      %run_scoped3A = tpu.sem_alloc : memref<!tpu.dma_semaphore, #tpu.memory_space<semaphore_mem>>
      %dma_start3A_816 = arith.constant 0 : i32
      %dma_start3A_817 = tpu.memref_slice %arg23[%multiple_of3A_692, %dma_start3A_816] : memref<10240x128xf32, #tpu.memory_space<vmem_shared>> -> memref<80x128xf32, #tpu.memory_space<vmem_shared>>
      %dma_start3A_818 = arith.constant 0 : i32
      %dma_start3A_819 = tpu.memref_slice %arg23[%multiple_of3A_692, %dma_start3A_818] : memref<10240x128xf32, #tpu.memory_space<vmem_shared>> -> memref<80x128xf32, #tpu.memory_space<vmem_shared>>
      tpu.enqueue_dma source(%dma_start3A_819 : memref<80x128xf32, #tpu.memory_space<vmem_shared>>) target(%arg15 : memref<80x128xf32, #tpu.memory_space<vmem>>) target_semaphore(%run_scoped3A : memref<!tpu.dma_semaphore, #tpu.memory_space<semaphore_mem>>)
      %dma_wait3A_820 = arith.constant 0 : i32
      %dma_wait3A_821 = tpu.memref_slice %arg23[%multiple_of3A_692, %dma_wait3A_820] : memref<10240x128xf32, #tpu.memory_space<vmem_shared>> -> memref<80x128xf32, #tpu.memory_space<vmem_shared>>
      %dma_wait3A_822 = arith.constant 0 : i32
      %dma_wait3A_823 = tpu.memref_slice %arg23[%multiple_of3A_692, %dma_wait3A_822] : memref<10240x128xf32, #tpu.memory_space<vmem_shared>> -> memref<80x128xf32, #tpu.memory_space<vmem_shared>>
      tpu.wait_dma2 semaphore(%run_scoped3A : memref<!tpu.dma_semaphore, #tpu.memory_space<semaphore_mem>>) src(%dma_wait3A_823 : memref<80x128xf32, #tpu.memory_space<vmem_shared>>) dst(%arg15 : memref<80x128xf32, #tpu.memory_space<vmem>>)
      tpu.yield
    }) : () -> ()
    %dma_start3A_702 = arith.constant 0 : i32
    %dma_start3A_703 = tpu.memref_slice %arg6[%arg0, %multiple_of3A_692, %dma_start3A_702] : memref<2x10240x128xf32, #tpu.memory_space<hbm>> -> memref<1x80x128xf32, #tpu.memory_space<hbm>>
    %dma_start3A_704 = tpu.memref_squeeze %dma_start3A_703 : memref<1x80x128xf32, #tpu.memory_space<hbm>> -> memref<80x128xf32, #tpu.memory_space<hbm>>
    %dma_start3A_705 = arith.constant 0 : i32
    %dma_start3A_706 = tpu.memref_slice %arg6[%arg0, %multiple_of3A_692, %dma_start3A_705] : memref<2x10240x128xf32, #tpu.memory_space<hbm>> -> memref<1x80x128xf32, #tpu.memory_space<hbm>>
    %dma_start3A_707 = tpu.memref_squeeze %dma_start3A_706 : memref<1x80x128xf32, #tpu.memory_space<hbm>> -> memref<80x128xf32, #tpu.memory_space<hbm>>
    tpu.enqueue_dma source(%arg15 : memref<80x128xf32, #tpu.memory_space<vmem>>) target(%dma_start3A_707 : memref<80x128xf32, #tpu.memory_space<hbm>>) target_semaphore(%arg28 : memref<!tpu.dma_semaphore, #tpu.memory_space<semaphore_mem>>)
    %add3A_708 = arith.constant 240 : i32
    %add3A_709 = arith.addi %multiple_of3A, %add3A_708 : i32
    %multiple_of3A_710 = tpu.assume_multiple %add3A_709, 8 : i32
    %add3A_711 = arith.constant 80 : i32
    %add3A_712 = arith.addi %multiple_of3A, %add3A_711 : i32
    %multiple_of3A_713 = tpu.assume_multiple %add3A_712, 8 : i32
    %dma_wait3A_714 = arith.constant 0 : i32
    %dma_wait3A_715 = tpu.memref_slice %arg6[%arg0, %multiple_of3A_713, %dma_wait3A_714] : memref<2x10240x128xf32, #tpu.memory_space<hbm>> -> memref<1x80x128xf32, #tpu.memory_space<hbm>>
    %dma_wait3A_716 = tpu.memref_squeeze %dma_wait3A_715 : memref<1x80x128xf32, #tpu.memory_space<hbm>> -> memref<80x128xf32, #tpu.memory_space<hbm>>
    %dma_wait3A_717 = arith.constant 0 : i32
    %dma_wait3A_718 = tpu.memref_slice %arg6[%arg0, %multiple_of3A_713, %dma_wait3A_717] : memref<2x10240x128xf32, #tpu.memory_space<hbm>> -> memref<1x80x128xf32, #tpu.memory_space<hbm>>
    %dma_wait3A_719 = tpu.memref_squeeze %dma_wait3A_718 : memref<1x80x128xf32, #tpu.memory_space<hbm>> -> memref<80x128xf32, #tpu.memory_space<hbm>>
    tpu.wait_dma2 semaphore(%arg29 : memref<!tpu.dma_semaphore, #tpu.memory_space<semaphore_mem>>) src(%arg16 : memref<80x128xf32, #tpu.memory_space<vmem>>) dst(%dma_wait3A_719 : memref<80x128xf32, #tpu.memory_space<hbm>>)
    "tpu.region"() ({
      %run_scoped3A = tpu.sem_alloc : memref<!tpu.dma_semaphore, #tpu.memory_space<semaphore_mem>>
      %dma_start3A_816 = arith.constant 0 : i32
      %dma_start3A_817 = tpu.memref_slice %arg23[%multiple_of3A_710, %dma_start3A_816] : memref<10240x128xf32, #tpu.memory_space<vmem_shared>> -> memref<80x128xf32, #tpu.memory_space<vmem_shared>>
      %dma_start3A_818 = arith.constant 0 : i32
      %dma_start3A_819 = tpu.memref_slice %arg23[%multiple_of3A_710, %dma_start3A_818] : memref<10240x128xf32, #tpu.memory_space<vmem_shared>> -> memref<80x128xf32, #tpu.memory_space<vmem_shared>>
      tpu.enqueue_dma source(%dma_start3A_819 : memref<80x128xf32, #tpu.memory_space<vmem_shared>>) target(%arg16 : memref<80x128xf32, #tpu.memory_space<vmem>>) target_semaphore(%run_scoped3A : memref<!tpu.dma_semaphore, #tpu.memory_space<semaphore_mem>>)
      %dma_wait3A_820 = arith.constant 0 : i32
      %dma_wait3A_821 = tpu.memref_slice %arg23[%multiple_of3A_710, %dma_wait3A_820] : memref<10240x128xf32, #tpu.memory_space<vmem_shared>> -> memref<80x128xf32, #tpu.memory_space<vmem_shared>>
      %dma_wait3A_822 = arith.constant 0 : i32
      %dma_wait3A_823 = tpu.memref_slice %arg23[%multiple_of3A_710, %dma_wait3A_822] : memref<10240x128xf32, #tpu.memory_space<vmem_shared>> -> memref<80x128xf32, #tpu.memory_space<vmem_shared>>
      tpu.wait_dma2 semaphore(%run_scoped3A : memref<!tpu.dma_semaphore, #tpu.memory_space<semaphore_mem>>) src(%dma_wait3A_823 : memref<80x128xf32, #tpu.memory_space<vmem_shared>>) dst(%arg16 : memref<80x128xf32, #tpu.memory_space<vmem>>)
      tpu.yield
    }) : () -> ()
    %dma_start3A_720 = arith.constant 0 : i32
    %dma_start3A_721 = tpu.memref_slice %arg6[%arg0, %multiple_of3A_710, %dma_start3A_720] : memref<2x10240x128xf32, #tpu.memory_space<hbm>> -> memref<1x80x128xf32, #tpu.memory_space<hbm>>
    %dma_start3A_722 = tpu.memref_squeeze %dma_start3A_721 : memref<1x80x128xf32, #tpu.memory_space<hbm>> -> memref<80x128xf32, #tpu.memory_space<hbm>>
    %dma_start3A_723 = arith.constant 0 : i32
    %dma_start3A_724 = tpu.memref_slice %arg6[%arg0, %multiple_of3A_710, %dma_start3A_723] : memref<2x10240x128xf32, #tpu.memory_space<hbm>> -> memref<1x80x128xf32, #tpu.memory_space<hbm>>
    %dma_start3A_725 = tpu.memref_squeeze %dma_start3A_724 : memref<1x80x128xf32, #tpu.memory_space<hbm>> -> memref<80x128xf32, #tpu.memory_space<hbm>>
    tpu.enqueue_dma source(%arg16 : memref<80x128xf32, #tpu.memory_space<vmem>>) target(%dma_start3A_725 : memref<80x128xf32, #tpu.memory_space<hbm>>) target_semaphore(%arg29 : memref<!tpu.dma_semaphore, #tpu.memory_space<semaphore_mem>>)
    %add3A_726 = arith.constant 320 : i32
    %add3A_727 = arith.addi %multiple_of3A, %add3A_726 : i32
    %multiple_of3A_728 = tpu.assume_multiple %add3A_727, 8 : i32
    %add3A_729 = arith.constant 160 : i32
    %add3A_730 = arith.addi %multiple_of3A, %add3A_729 : i32
    %multiple_of3A_731 = tpu.assume_multiple %add3A_730, 8 : i32
    %dma_wait3A_732 = arith.constant 0 : i32
    %dma_wait3A_733 = tpu.memref_slice %arg6[%arg0, %multiple_of3A_731, %dma_wait3A_732] : memref<2x10240x128xf32, #tpu.memory_space<hbm>> -> memref<1x80x128xf32, #tpu.memory_space<hbm>>
    %dma_wait3A_734 = tpu.memref_squeeze %dma_wait3A_733 : memref<1x80x128xf32, #tpu.memory_space<hbm>> -> memref<80x128xf32, #tpu.memory_space<hbm>>
    %dma_wait3A_735 = arith.constant 0 : i32
    %dma_wait3A_736 = tpu.memref_slice %arg6[%arg0, %multiple_of3A_731, %dma_wait3A_735] : memref<2x10240x128xf32, #tpu.memory_space<hbm>> -> memref<1x80x128xf32, #tpu.memory_space<hbm>>
    %dma_wait3A_737 = tpu.memref_squeeze %dma_wait3A_736 : memref<1x80x128xf32, #tpu.memory_space<hbm>> -> memref<80x128xf32, #tpu.memory_space<hbm>>
    tpu.wait_dma2 semaphore(%arg28 : memref<!tpu.dma_semaphore, #tpu.memory_space<semaphore_mem>>) src(%arg15 : memref<80x128xf32, #tpu.memory_space<vmem>>) dst(%dma_wait3A_737 : memref<80x128xf32, #tpu.memory_space<hbm>>)
    "tpu.region"() ({
      %run_scoped3A = tpu.sem_alloc : memref<!tpu.dma_semaphore, #tpu.memory_space<semaphore_mem>>
      %dma_start3A_816 = arith.constant 0 : i32
      %dma_start3A_817 = tpu.memref_slice %arg23[%multiple_of3A_728, %dma_start3A_816] : memref<10240x128xf32, #tpu.memory_space<vmem_shared>> -> memref<80x128xf32, #tpu.memory_space<vmem_shared>>
      %dma_start3A_818 = arith.constant 0 : i32
      %dma_start3A_819 = tpu.memref_slice %arg23[%multiple_of3A_728, %dma_start3A_818] : memref<10240x128xf32, #tpu.memory_space<vmem_shared>> -> memref<80x128xf32, #tpu.memory_space<vmem_shared>>
      tpu.enqueue_dma source(%dma_start3A_819 : memref<80x128xf32, #tpu.memory_space<vmem_shared>>) target(%arg15 : memref<80x128xf32, #tpu.memory_space<vmem>>) target_semaphore(%run_scoped3A : memref<!tpu.dma_semaphore, #tpu.memory_space<semaphore_mem>>)
      %dma_wait3A_820 = arith.constant 0 : i32
      %dma_wait3A_821 = tpu.memref_slice %arg23[%multiple_of3A_728, %dma_wait3A_820] : memref<10240x128xf32, #tpu.memory_space<vmem_shared>> -> memref<80x128xf32, #tpu.memory_space<vmem_shared>>
      %dma_wait3A_822 = arith.constant 0 : i32
      %dma_wait3A_823 = tpu.memref_slice %arg23[%multiple_of3A_728, %dma_wait3A_822] : memref<10240x128xf32, #tpu.memory_space<vmem_shared>> -> memref<80x128xf32, #tpu.memory_space<vmem_shared>>
      tpu.wait_dma2 semaphore(%run_scoped3A : memref<!tpu.dma_semaphore, #tpu.memory_space<semaphore_mem>>) src(%dma_wait3A_823 : memref<80x128xf32, #tpu.memory_space<vmem_shared>>) dst(%arg15 : memref<80x128xf32, #tpu.memory_space<vmem>>)
      tpu.yield
    }) : () -> ()
    %dma_start3A_738 = arith.constant 0 : i32
    %dma_start3A_739 = tpu.memref_slice %arg6[%arg0, %multiple_of3A_728, %dma_start3A_738] : memref<2x10240x128xf32, #tpu.memory_space<hbm>> -> memref<1x80x128xf32, #tpu.memory_space<hbm>>
    %dma_start3A_740 = tpu.memref_squeeze %dma_start3A_739 : memref<1x80x128xf32, #tpu.memory_space<hbm>> -> memref<80x128xf32, #tpu.memory_space<hbm>>
    %dma_start3A_741 = arith.constant 0 : i32
    %dma_start3A_742 = tpu.memref_slice %arg6[%arg0, %multiple_of3A_728, %dma_start3A_741] : memref<2x10240x128xf32, #tpu.memory_space<hbm>> -> memref<1x80x128xf32, #tpu.memory_space<hbm>>
    %dma_start3A_743 = tpu.memref_squeeze %dma_start3A_742 : memref<1x80x128xf32, #tpu.memory_space<hbm>> -> memref<80x128xf32, #tpu.memory_space<hbm>>
    tpu.enqueue_dma source(%arg15 : memref<80x128xf32, #tpu.memory_space<vmem>>) target(%dma_start3A_743 : memref<80x128xf32, #tpu.memory_space<hbm>>) target_semaphore(%arg28 : memref<!tpu.dma_semaphore, #tpu.memory_space<semaphore_mem>>)
    %add3A_744 = arith.constant 400 : i32
    %add3A_745 = arith.addi %multiple_of3A, %add3A_744 : i32
    %multiple_of3A_746 = tpu.assume_multiple %add3A_745, 8 : i32
    %add3A_747 = arith.constant 240 : i32
    %add3A_748 = arith.addi %multiple_of3A, %add3A_747 : i32
    %multiple_of3A_749 = tpu.assume_multiple %add3A_748, 8 : i32
    %dma_wait3A_750 = arith.constant 0 : i32
    %dma_wait3A_751 = tpu.memref_slice %arg6[%arg0, %multiple_of3A_749, %dma_wait3A_750] : memref<2x10240x128xf32, #tpu.memory_space<hbm>> -> memref<1x80x128xf32, #tpu.memory_space<hbm>>
    %dma_wait3A_752 = tpu.memref_squeeze %dma_wait3A_751 : memref<1x80x128xf32, #tpu.memory_space<hbm>> -> memref<80x128xf32, #tpu.memory_space<hbm>>
    %dma_wait3A_753 = arith.constant 0 : i32
    %dma_wait3A_754 = tpu.memref_slice %arg6[%arg0, %multiple_of3A_749, %dma_wait3A_753] : memref<2x10240x128xf32, #tpu.memory_space<hbm>> -> memref<1x80x128xf32, #tpu.memory_space<hbm>>
    %dma_wait3A_755 = tpu.memref_squeeze %dma_wait3A_754 : memref<1x80x128xf32, #tpu.memory_space<hbm>> -> memref<80x128xf32, #tpu.memory_space<hbm>>
    tpu.wait_dma2 semaphore(%arg29 : memref<!tpu.dma_semaphore, #tpu.memory_space<semaphore_mem>>) src(%arg16 : memref<80x128xf32, #tpu.memory_space<vmem>>) dst(%dma_wait3A_755 : memref<80x128xf32, #tpu.memory_space<hbm>>)
    "tpu.region"() ({
      %run_scoped3A = tpu.sem_alloc : memref<!tpu.dma_semaphore, #tpu.memory_space<semaphore_mem>>
      %dma_start3A_816 = arith.constant 0 : i32
      %dma_start3A_817 = tpu.memref_slice %arg23[%multiple_of3A_746, %dma_start3A_816] : memref<10240x128xf32, #tpu.memory_space<vmem_shared>> -> memref<80x128xf32, #tpu.memory_space<vmem_shared>>
      %dma_start3A_818 = arith.constant 0 : i32
      %dma_start3A_819 = tpu.memref_slice %arg23[%multiple_of3A_746, %dma_start3A_818] : memref<10240x128xf32, #tpu.memory_space<vmem_shared>> -> memref<80x128xf32, #tpu.memory_space<vmem_shared>>
      tpu.enqueue_dma source(%dma_start3A_819 : memref<80x128xf32, #tpu.memory_space<vmem_shared>>) target(%arg16 : memref<80x128xf32, #tpu.memory_space<vmem>>) target_semaphore(%run_scoped3A : memref<!tpu.dma_semaphore, #tpu.memory_space<semaphore_mem>>)
      %dma_wait3A_820 = arith.constant 0 : i32
      %dma_wait3A_821 = tpu.memref_slice %arg23[%multiple_of3A_746, %dma_wait3A_820] : memref<10240x128xf32, #tpu.memory_space<vmem_shared>> -> memref<80x128xf32, #tpu.memory_space<vmem_shared>>
      %dma_wait3A_822 = arith.constant 0 : i32
      %dma_wait3A_823 = tpu.memref_slice %arg23[%multiple_of3A_746, %dma_wait3A_822] : memref<10240x128xf32, #tpu.memory_space<vmem_shared>> -> memref<80x128xf32, #tpu.memory_space<vmem_shared>>
      tpu.wait_dma2 semaphore(%run_scoped3A : memref<!tpu.dma_semaphore, #tpu.memory_space<semaphore_mem>>) src(%dma_wait3A_823 : memref<80x128xf32, #tpu.memory_space<vmem_shared>>) dst(%arg16 : memref<80x128xf32, #tpu.memory_space<vmem>>)
      tpu.yield
    }) : () -> ()
    %dma_start3A_756 = arith.constant 0 : i32
    %dma_start3A_757 = tpu.memref_slice %arg6[%arg0, %multiple_of3A_746, %dma_start3A_756] : memref<2x10240x128xf32, #tpu.memory_space<hbm>> -> memref<1x80x128xf32, #tpu.memory_space<hbm>>
    %dma_start3A_758 = tpu.memref_squeeze %dma_start3A_757 : memref<1x80x128xf32, #tpu.memory_space<hbm>> -> memref<80x128xf32, #tpu.memory_space<hbm>>
    %dma_start3A_759 = arith.constant 0 : i32
    %dma_start3A_760 = tpu.memref_slice %arg6[%arg0, %multiple_of3A_746, %dma_start3A_759] : memref<2x10240x128xf32, #tpu.memory_space<hbm>> -> memref<1x80x128xf32, #tpu.memory_space<hbm>>
    %dma_start3A_761 = tpu.memref_squeeze %dma_start3A_760 : memref<1x80x128xf32, #tpu.memory_space<hbm>> -> memref<80x128xf32, #tpu.memory_space<hbm>>
    tpu.enqueue_dma source(%arg16 : memref<80x128xf32, #tpu.memory_space<vmem>>) target(%dma_start3A_761 : memref<80x128xf32, #tpu.memory_space<hbm>>) target_semaphore(%arg29 : memref<!tpu.dma_semaphore, #tpu.memory_space<semaphore_mem>>)
    %add3A_762 = arith.constant 480 : i32
    %add3A_763 = arith.addi %multiple_of3A, %add3A_762 : i32
    %multiple_of3A_764 = tpu.assume_multiple %add3A_763, 8 : i32
    %add3A_765 = arith.constant 320 : i32
    %add3A_766 = arith.addi %multiple_of3A, %add3A_765 : i32
    %multiple_of3A_767 = tpu.assume_multiple %add3A_766, 8 : i32
    %dma_wait3A_768 = arith.constant 0 : i32
    %dma_wait3A_769 = tpu.memref_slice %arg6[%arg0, %multiple_of3A_767, %dma_wait3A_768] : memref<2x10240x128xf32, #tpu.memory_space<hbm>> -> memref<1x80x128xf32, #tpu.memory_space<hbm>>
    %dma_wait3A_770 = tpu.memref_squeeze %dma_wait3A_769 : memref<1x80x128xf32, #tpu.memory_space<hbm>> -> memref<80x128xf32, #tpu.memory_space<hbm>>
    %dma_wait3A_771 = arith.constant 0 : i32
    %dma_wait3A_772 = tpu.memref_slice %arg6[%arg0, %multiple_of3A_767, %dma_wait3A_771] : memref<2x10240x128xf32, #tpu.memory_space<hbm>> -> memref<1x80x128xf32, #tpu.memory_space<hbm>>
    %dma_wait3A_773 = tpu.memref_squeeze %dma_wait3A_772 : memref<1x80x128xf32, #tpu.memory_space<hbm>> -> memref<80x128xf32, #tpu.memory_space<hbm>>
    tpu.wait_dma2 semaphore(%arg28 : memref<!tpu.dma_semaphore, #tpu.memory_space<semaphore_mem>>) src(%arg15 : memref<80x128xf32, #tpu.memory_space<vmem>>) dst(%dma_wait3A_773 : memref<80x128xf32, #tpu.memory_space<hbm>>)
    "tpu.region"() ({
      %run_scoped3A = tpu.sem_alloc : memref<!tpu.dma_semaphore, #tpu.memory_space<semaphore_mem>>
      %dma_start3A_816 = arith.constant 0 : i32
      %dma_start3A_817 = tpu.memref_slice %arg23[%multiple_of3A_764, %dma_start3A_816] : memref<10240x128xf32, #tpu.memory_space<vmem_shared>> -> memref<80x128xf32, #tpu.memory_space<vmem_shared>>
      %dma_start3A_818 = arith.constant 0 : i32
      %dma_start3A_819 = tpu.memref_slice %arg23[%multiple_of3A_764, %dma_start3A_818] : memref<10240x128xf32, #tpu.memory_space<vmem_shared>> -> memref<80x128xf32, #tpu.memory_space<vmem_shared>>
      tpu.enqueue_dma source(%dma_start3A_819 : memref<80x128xf32, #tpu.memory_space<vmem_shared>>) target(%arg15 : memref<80x128xf32, #tpu.memory_space<vmem>>) target_semaphore(%run_scoped3A : memref<!tpu.dma_semaphore, #tpu.memory_space<semaphore_mem>>)
      %dma_wait3A_820 = arith.constant 0 : i32
      %dma_wait3A_821 = tpu.memref_slice %arg23[%multiple_of3A_764, %dma_wait3A_820] : memref<10240x128xf32, #tpu.memory_space<vmem_shared>> -> memref<80x128xf32, #tpu.memory_space<vmem_shared>>
      %dma_wait3A_822 = arith.constant 0 : i32
      %dma_wait3A_823 = tpu.memref_slice %arg23[%multiple_of3A_764, %dma_wait3A_822] : memref<10240x128xf32, #tpu.memory_space<vmem_shared>> -> memref<80x128xf32, #tpu.memory_space<vmem_shared>>
      tpu.wait_dma2 semaphore(%run_scoped3A : memref<!tpu.dma_semaphore, #tpu.memory_space<semaphore_mem>>) src(%dma_wait3A_823 : memref<80x128xf32, #tpu.memory_space<vmem_shared>>) dst(%arg15 : memref<80x128xf32, #tpu.memory_space<vmem>>)
      tpu.yield
    }) : () -> ()
    %dma_start3A_774 = arith.constant 0 : i32
    %dma_start3A_775 = tpu.memref_slice %arg6[%arg0, %multiple_of3A_764, %dma_start3A_774] : memref<2x10240x128xf32, #tpu.memory_space<hbm>> -> memref<1x80x128xf32, #tpu.memory_space<hbm>>
    %dma_start3A_776 = tpu.memref_squeeze %dma_start3A_775 : memref<1x80x128xf32, #tpu.memory_space<hbm>> -> memref<80x128xf32, #tpu.memory_space<hbm>>
    %dma_start3A_777 = arith.constant 0 : i32
    %dma_start3A_778 = tpu.memref_slice %arg6[%arg0, %multiple_of3A_764, %dma_start3A_777] : memref<2x10240x128xf32, #tpu.memory_space<hbm>> -> memref<1x80x128xf32, #tpu.memory_space<hbm>>
    %dma_start3A_779 = tpu.memref_squeeze %dma_start3A_778 : memref<1x80x128xf32, #tpu.memory_space<hbm>> -> memref<80x128xf32, #tpu.memory_space<hbm>>
    tpu.enqueue_dma source(%arg15 : memref<80x128xf32, #tpu.memory_space<vmem>>) target(%dma_start3A_779 : memref<80x128xf32, #tpu.memory_space<hbm>>) target_semaphore(%arg28 : memref<!tpu.dma_semaphore, #tpu.memory_space<semaphore_mem>>)
    %add3A_780 = arith.constant 560 : i32
    %add3A_781 = arith.addi %multiple_of3A, %add3A_780 : i32
    %multiple_of3A_782 = tpu.assume_multiple %add3A_781, 8 : i32
    %add3A_783 = arith.constant 400 : i32
    %add3A_784 = arith.addi %multiple_of3A, %add3A_783 : i32
    %multiple_of3A_785 = tpu.assume_multiple %add3A_784, 8 : i32
    %dma_wait3A_786 = arith.constant 0 : i32
    %dma_wait3A_787 = tpu.memref_slice %arg6[%arg0, %multiple_of3A_785, %dma_wait3A_786] : memref<2x10240x128xf32, #tpu.memory_space<hbm>> -> memref<1x80x128xf32, #tpu.memory_space<hbm>>
    %dma_wait3A_788 = tpu.memref_squeeze %dma_wait3A_787 : memref<1x80x128xf32, #tpu.memory_space<hbm>> -> memref<80x128xf32, #tpu.memory_space<hbm>>
    %dma_wait3A_789 = arith.constant 0 : i32
    %dma_wait3A_790 = tpu.memref_slice %arg6[%arg0, %multiple_of3A_785, %dma_wait3A_789] : memref<2x10240x128xf32, #tpu.memory_space<hbm>> -> memref<1x80x128xf32, #tpu.memory_space<hbm>>
    %dma_wait3A_791 = tpu.memref_squeeze %dma_wait3A_790 : memref<1x80x128xf32, #tpu.memory_space<hbm>> -> memref<80x128xf32, #tpu.memory_space<hbm>>
    tpu.wait_dma2 semaphore(%arg29 : memref<!tpu.dma_semaphore, #tpu.memory_space<semaphore_mem>>) src(%arg16 : memref<80x128xf32, #tpu.memory_space<vmem>>) dst(%dma_wait3A_791 : memref<80x128xf32, #tpu.memory_space<hbm>>)
    "tpu.region"() ({
      %run_scoped3A = tpu.sem_alloc : memref<!tpu.dma_semaphore, #tpu.memory_space<semaphore_mem>>
      %dma_start3A_816 = arith.constant 0 : i32
      %dma_start3A_817 = tpu.memref_slice %arg23[%multiple_of3A_782, %dma_start3A_816] : memref<10240x128xf32, #tpu.memory_space<vmem_shared>> -> memref<80x128xf32, #tpu.memory_space<vmem_shared>>
      %dma_start3A_818 = arith.constant 0 : i32
      %dma_start3A_819 = tpu.memref_slice %arg23[%multiple_of3A_782, %dma_start3A_818] : memref<10240x128xf32, #tpu.memory_space<vmem_shared>> -> memref<80x128xf32, #tpu.memory_space<vmem_shared>>
      tpu.enqueue_dma source(%dma_start3A_819 : memref<80x128xf32, #tpu.memory_space<vmem_shared>>) target(%arg16 : memref<80x128xf32, #tpu.memory_space<vmem>>) target_semaphore(%run_scoped3A : memref<!tpu.dma_semaphore, #tpu.memory_space<semaphore_mem>>)
      %dma_wait3A_820 = arith.constant 0 : i32
      %dma_wait3A_821 = tpu.memref_slice %arg23[%multiple_of3A_782, %dma_wait3A_820] : memref<10240x128xf32, #tpu.memory_space<vmem_shared>> -> memref<80x128xf32, #tpu.memory_space<vmem_shared>>
      %dma_wait3A_822 = arith.constant 0 : i32
      %dma_wait3A_823 = tpu.memref_slice %arg23[%multiple_of3A_782, %dma_wait3A_822] : memref<10240x128xf32, #tpu.memory_space<vmem_shared>> -> memref<80x128xf32, #tpu.memory_space<vmem_shared>>
      tpu.wait_dma2 semaphore(%run_scoped3A : memref<!tpu.dma_semaphore, #tpu.memory_space<semaphore_mem>>) src(%dma_wait3A_823 : memref<80x128xf32, #tpu.memory_space<vmem_shared>>) dst(%arg16 : memref<80x128xf32, #tpu.memory_space<vmem>>)
      tpu.yield
    }) : () -> ()
    %dma_start3A_792 = arith.constant 0 : i32
    %dma_start3A_793 = tpu.memref_slice %arg6[%arg0, %multiple_of3A_782, %dma_start3A_792] : memref<2x10240x128xf32, #tpu.memory_space<hbm>> -> memref<1x80x128xf32, #tpu.memory_space<hbm>>
    %dma_start3A_794 = tpu.memref_squeeze %dma_start3A_793 : memref<1x80x128xf32, #tpu.memory_space<hbm>> -> memref<80x128xf32, #tpu.memory_space<hbm>>
    %dma_start3A_795 = arith.constant 0 : i32
    %dma_start3A_796 = tpu.memref_slice %arg6[%arg0, %multiple_of3A_782, %dma_start3A_795] : memref<2x10240x128xf32, #tpu.memory_space<hbm>> -> memref<1x80x128xf32, #tpu.memory_space<hbm>>
    %dma_start3A_797 = tpu.memref_squeeze %dma_start3A_796 : memref<1x80x128xf32, #tpu.memory_space<hbm>> -> memref<80x128xf32, #tpu.memory_space<hbm>>
    tpu.enqueue_dma source(%arg16 : memref<80x128xf32, #tpu.memory_space<vmem>>) target(%dma_start3A_797 : memref<80x128xf32, #tpu.memory_space<hbm>>) target_semaphore(%arg29 : memref<!tpu.dma_semaphore, #tpu.memory_space<semaphore_mem>>)
    "tpu.region"() ({
      %run_scoped3A = tpu.sem_alloc : memref<!tpu.dma_semaphore, #tpu.memory_space<semaphore_mem>>
      %dma_start3A_816 = tpu.memref_slice %arg24[%multiple_of3A] : memref<10240xf32, #tpu.memory_space<vmem_shared>> -> memref<640xf32, #tpu.memory_space<vmem_shared>>
      %dma_start3A_817 = tpu.memref_slice %arg24[%multiple_of3A] : memref<10240xf32, #tpu.memory_space<vmem_shared>> -> memref<640xf32, #tpu.memory_space<vmem_shared>>
      tpu.enqueue_dma source(%dma_start3A_817 : memref<640xf32, #tpu.memory_space<vmem_shared>>) target(%arg22 : memref<640xf32, #tpu.memory_space<vmem>>) target_semaphore(%run_scoped3A : memref<!tpu.dma_semaphore, #tpu.memory_space<semaphore_mem>>)
      %dma_wait3A_818 = tpu.memref_slice %arg24[%multiple_of3A] : memref<10240xf32, #tpu.memory_space<vmem_shared>> -> memref<640xf32, #tpu.memory_space<vmem_shared>>
      %dma_wait3A_819 = tpu.memref_slice %arg24[%multiple_of3A] : memref<10240xf32, #tpu.memory_space<vmem_shared>> -> memref<640xf32, #tpu.memory_space<vmem_shared>>
      tpu.wait_dma2 semaphore(%run_scoped3A : memref<!tpu.dma_semaphore, #tpu.memory_space<semaphore_mem>>) src(%dma_wait3A_819 : memref<640xf32, #tpu.memory_space<vmem_shared>>) dst(%arg22 : memref<640xf32, #tpu.memory_space<vmem>>)
      tpu.yield
    }) : () -> ()
    "tpu.region"() ({
      %run_scoped3A = tpu.sem_alloc : memref<!tpu.dma_semaphore, #tpu.memory_space<semaphore_mem>>
      %dma_start3A_816 = tpu.memref_slice %arg7[%arg0, %multiple_of3A] : memref<2x10240xf32, #tpu.memory_space<hbm>> -> memref<1x640xf32, #tpu.memory_space<hbm>>
      %dma_start3A_817 = tpu.memref_squeeze %dma_start3A_816 : memref<1x640xf32, #tpu.memory_space<hbm>> -> memref<640xf32, #tpu.memory_space<hbm>>
      %dma_start3A_818 = tpu.memref_slice %arg7[%arg0, %multiple_of3A] : memref<2x10240xf32, #tpu.memory_space<hbm>> -> memref<1x640xf32, #tpu.memory_space<hbm>>
      %dma_start3A_819 = tpu.memref_squeeze %dma_start3A_818 : memref<1x640xf32, #tpu.memory_space<hbm>> -> memref<640xf32, #tpu.memory_space<hbm>>
      tpu.enqueue_dma source(%arg22 : memref<640xf32, #tpu.memory_space<vmem>>) target(%dma_start3A_819 : memref<640xf32, #tpu.memory_space<hbm>>) target_semaphore(%run_scoped3A : memref<!tpu.dma_semaphore, #tpu.memory_space<semaphore_mem>>)
      %dma_wait3A_820 = tpu.memref_slice %arg7[%arg0, %multiple_of3A] : memref<2x10240xf32, #tpu.memory_space<hbm>> -> memref<1x640xf32, #tpu.memory_space<hbm>>
      %dma_wait3A_821 = tpu.memref_squeeze %dma_wait3A_820 : memref<1x640xf32, #tpu.memory_space<hbm>> -> memref<640xf32, #tpu.memory_space<hbm>>
      %dma_wait3A_822 = tpu.memref_slice %arg7[%arg0, %multiple_of3A] : memref<2x10240xf32, #tpu.memory_space<hbm>> -> memref<1x640xf32, #tpu.memory_space<hbm>>
      %dma_wait3A_823 = tpu.memref_squeeze %dma_wait3A_822 : memref<1x640xf32, #tpu.memory_space<hbm>> -> memref<640xf32, #tpu.memory_space<hbm>>
      tpu.wait_dma2 semaphore(%run_scoped3A : memref<!tpu.dma_semaphore, #tpu.memory_space<semaphore_mem>>) src(%arg22 : memref<640xf32, #tpu.memory_space<vmem>>) dst(%dma_wait3A_823 : memref<640xf32, #tpu.memory_space<hbm>>)
      tpu.yield
    }) : () -> ()
    "tpu.region"() ({
      %run_scoped3A = tpu.sem_alloc : memref<!tpu.dma_semaphore, #tpu.memory_space<semaphore_mem>>
      %dma_start3A_816 = tpu.memref_slice %arg25[%multiple_of3A] : memref<10240xf32, #tpu.memory_space<vmem_shared>> -> memref<640xf32, #tpu.memory_space<vmem_shared>>
      %dma_start3A_817 = tpu.memref_slice %arg25[%multiple_of3A] : memref<10240xf32, #tpu.memory_space<vmem_shared>> -> memref<640xf32, #tpu.memory_space<vmem_shared>>
      tpu.enqueue_dma source(%dma_start3A_817 : memref<640xf32, #tpu.memory_space<vmem_shared>>) target(%arg22 : memref<640xf32, #tpu.memory_space<vmem>>) target_semaphore(%run_scoped3A : memref<!tpu.dma_semaphore, #tpu.memory_space<semaphore_mem>>)
      %dma_wait3A_818 = tpu.memref_slice %arg25[%multiple_of3A] : memref<10240xf32, #tpu.memory_space<vmem_shared>> -> memref<640xf32, #tpu.memory_space<vmem_shared>>
      %dma_wait3A_819 = tpu.memref_slice %arg25[%multiple_of3A] : memref<10240xf32, #tpu.memory_space<vmem_shared>> -> memref<640xf32, #tpu.memory_space<vmem_shared>>
      tpu.wait_dma2 semaphore(%run_scoped3A : memref<!tpu.dma_semaphore, #tpu.memory_space<semaphore_mem>>) src(%dma_wait3A_819 : memref<640xf32, #tpu.memory_space<vmem_shared>>) dst(%arg22 : memref<640xf32, #tpu.memory_space<vmem>>)
      tpu.yield
    }) : () -> ()
    "tpu.region"() ({
      %run_scoped3A = tpu.sem_alloc : memref<!tpu.dma_semaphore, #tpu.memory_space<semaphore_mem>>
      %dma_start3A_816 = tpu.memref_slice %arg8[%arg0, %multiple_of3A] : memref<2x10240xf32, #tpu.memory_space<hbm>> -> memref<1x640xf32, #tpu.memory_space<hbm>>
      %dma_start3A_817 = tpu.memref_squeeze %dma_start3A_816 : memref<1x640xf32, #tpu.memory_space<hbm>> -> memref<640xf32, #tpu.memory_space<hbm>>
      %dma_start3A_818 = tpu.memref_slice %arg8[%arg0, %multiple_of3A] : memref<2x10240xf32, #tpu.memory_space<hbm>> -> memref<1x640xf32, #tpu.memory_space<hbm>>
      %dma_start3A_819 = tpu.memref_squeeze %dma_start3A_818 : memref<1x640xf32, #tpu.memory_space<hbm>> -> memref<640xf32, #tpu.memory_space<hbm>>
      tpu.enqueue_dma source(%arg22 : memref<640xf32, #tpu.memory_space<vmem>>) target(%dma_start3A_819 : memref<640xf32, #tpu.memory_space<hbm>>) target_semaphore(%run_scoped3A : memref<!tpu.dma_semaphore, #tpu.memory_space<semaphore_mem>>)
      %dma_wait3A_820 = tpu.memref_slice %arg8[%arg0, %multiple_of3A] : memref<2x10240xf32, #tpu.memory_space<hbm>> -> memref<1x640xf32, #tpu.memory_space<hbm>>
      %dma_wait3A_821 = tpu.memref_squeeze %dma_wait3A_820 : memref<1x640xf32, #tpu.memory_space<hbm>> -> memref<640xf32, #tpu.memory_space<hbm>>
      %dma_wait3A_822 = tpu.memref_slice %arg8[%arg0, %multiple_of3A] : memref<2x10240xf32, #tpu.memory_space<hbm>> -> memref<1x640xf32, #tpu.memory_space<hbm>>
      %dma_wait3A_823 = tpu.memref_squeeze %dma_wait3A_822 : memref<1x640xf32, #tpu.memory_space<hbm>> -> memref<640xf32, #tpu.memory_space<hbm>>
      tpu.wait_dma2 semaphore(%run_scoped3A : memref<!tpu.dma_semaphore, #tpu.memory_space<semaphore_mem>>) src(%arg22 : memref<640xf32, #tpu.memory_space<vmem>>) dst(%dma_wait3A_823 : memref<640xf32, #tpu.memory_space<hbm>>)
      tpu.yield
    }) : () -> ()
    %add3A_798 = arith.constant 480 : i32
    %add3A_799 = arith.addi %multiple_of3A, %add3A_798 : i32
    %multiple_of3A_800 = tpu.assume_multiple %add3A_799, 8 : i32
    %dma_wait3A_801 = arith.constant 0 : i32
    %dma_wait3A_802 = tpu.memref_slice %arg6[%arg0, %multiple_of3A_800, %dma_wait3A_801] : memref<2x10240x128xf32, #tpu.memory_space<hbm>> -> memref<1x80x128xf32, #tpu.memory_space<hbm>>
    %dma_wait3A_803 = tpu.memref_squeeze %dma_wait3A_802 : memref<1x80x128xf32, #tpu.memory_space<hbm>> -> memref<80x128xf32, #tpu.memory_space<hbm>>
    %dma_wait3A_804 = arith.constant 0 : i32
    %dma_wait3A_805 = tpu.memref_slice %arg6[%arg0, %multiple_of3A_800, %dma_wait3A_804] : memref<2x10240x128xf32, #tpu.memory_space<hbm>> -> memref<1x80x128xf32, #tpu.memory_space<hbm>>
    %dma_wait3A_806 = tpu.memref_squeeze %dma_wait3A_805 : memref<1x80x128xf32, #tpu.memory_space<hbm>> -> memref<80x128xf32, #tpu.memory_space<hbm>>
    tpu.wait_dma2 semaphore(%arg28 : memref<!tpu.dma_semaphore, #tpu.memory_space<semaphore_mem>>) src(%arg15 : memref<80x128xf32, #tpu.memory_space<vmem>>) dst(%dma_wait3A_806 : memref<80x128xf32, #tpu.memory_space<hbm>>)
    %add3A_807 = arith.constant 560 : i32
    %add3A_808 = arith.addi %multiple_of3A, %add3A_807 : i32
    %multiple_of3A_809 = tpu.assume_multiple %add3A_808, 8 : i32
    %dma_wait3A_810 = arith.constant 0 : i32
    %dma_wait3A_811 = tpu.memref_slice %arg6[%arg0, %multiple_of3A_809, %dma_wait3A_810] : memref<2x10240x128xf32, #tpu.memory_space<hbm>> -> memref<1x80x128xf32, #tpu.memory_space<hbm>>
    %dma_wait3A_812 = tpu.memref_squeeze %dma_wait3A_811 : memref<1x80x128xf32, #tpu.memory_space<hbm>> -> memref<80x128xf32, #tpu.memory_space<hbm>>
    %dma_wait3A_813 = arith.constant 0 : i32
    %dma_wait3A_814 = tpu.memref_slice %arg6[%arg0, %multiple_of3A_809, %dma_wait3A_813] : memref<2x10240x128xf32, #tpu.memory_space<hbm>> -> memref<1x80x128xf32, #tpu.memory_space<hbm>>
    %dma_wait3A_815 = tpu.memref_squeeze %dma_wait3A_814 : memref<1x80x128xf32, #tpu.memory_space<hbm>> -> memref<80x128xf32, #tpu.memory_space<hbm>>
    tpu.wait_dma2 semaphore(%arg29 : memref<!tpu.dma_semaphore, #tpu.memory_space<semaphore_mem>>) src(%arg16 : memref<80x128xf32, #tpu.memory_space<vmem>>) dst(%dma_wait3A_815 : memref<80x128xf32, #tpu.memory_space<hbm>>)
    return
  }
}

module attributes {stable_mosaic.version = 14 : i64} {
  func.func @_mlp_body(%arg0: i32, %arg1: memref<2000x128xf32, #tpu.memory_space<vmem>>, %arg2: memref<128x128xf32, #tpu.memory_space<vmem>>, %arg3: memref<1x128xf32, #tpu.memory_space<vmem>>, %arg4: memref<128x128xf32, #tpu.memory_space<vmem>>, %arg5: memref<1x128xf32, #tpu.memory_space<vmem>>, %arg6: memref<2000x128xf32, #tpu.memory_space<vmem>>) attributes {dimension_semantics = [#tpu.dimension_semantics<arbitrary>], iteration_bounds = array<i64: 5>, scalar_prefetch = 0 : i64, scratch_operands = 0 : i64, tpu.core_type = #tpu.core_type<tc>, window_params = [{transform_indices = @transform_0, window_bounds = array<i64: 2000, 128>}, {pipeline_mode = #tpu.pipeline_mode<synchronous>, transform_indices = @transform_1, window_bounds = array<i64: 128, 128>}, {pipeline_mode = #tpu.pipeline_mode<synchronous>, transform_indices = @transform_2, window_bounds = array<i64: 1, 128>}, {pipeline_mode = #tpu.pipeline_mode<synchronous>, transform_indices = @transform_3, window_bounds = array<i64: 128, 128>}, {pipeline_mode = #tpu.pipeline_mode<synchronous>, transform_indices = @transform_4, window_bounds = array<i64: 1, 128>}, {transform_indices = @transform_5, window_bounds = array<i64: 2000, 128>}]} {
    %get3A = arith.constant 0 : index
    %get3A_0 = arith.constant 0 : index
    %get3A_1 = vector.load %arg1[%get3A, %get3A_0] : memref<2000x128xf32, #tpu.memory_space<vmem>>, vector<2000x128xf32>
    %get3A_2 = arith.constant 0 : index
    %get3A_3 = arith.constant 0 : index
    %get3A_4 = vector.load %arg2[%get3A_2, %get3A_3] : memref<128x128xf32, #tpu.memory_space<vmem>>, vector<128x128xf32>
    %dot_general3A = arith.constant dense<0.000000e+00> : vector<2000x128xf32>
    %dot_general3A_5 = tpu.matmul %get3A_1, %get3A_4, %dot_general3A {dimension_numbers = #tpu.dot_dimension_numbers<[1], [0], [0], [1], [0, 0, 1, 1], [], []>, transpose_lhs_hint = false} : vector<2000x128xf32>, vector<128x128xf32>, vector<2000x128xf32> -> vector<2000x128xf32>
    %get3A_6 = arith.constant 0 : index
    %get3A_7 = arith.constant 0 : index
    %get3A_8 = vector.load %arg3[%get3A_6, %get3A_7] : memref<1x128xf32, #tpu.memory_space<vmem>>, vector<1x128xf32>
    %add3A = vector.broadcast %get3A_8 : vector<1x128xf32> to vector<2000x128xf32>
    %add3A_9 = arith.addf %dot_general3A_5, %add3A : vector<2000x128xf32>
    %tanh3A = math.tanh %add3A_9 : vector<2000x128xf32>
    %get3A_10 = arith.constant 0 : index
    %get3A_11 = arith.constant 0 : index
    %get3A_12 = vector.load %arg4[%get3A_10, %get3A_11] : memref<128x128xf32, #tpu.memory_space<vmem>>, vector<128x128xf32>
    %dot_general3A_13 = arith.constant dense<0.000000e+00> : vector<2000x128xf32>
    %dot_general3A_14 = tpu.matmul %tanh3A, %get3A_12, %dot_general3A_13 {dimension_numbers = #tpu.dot_dimension_numbers<[1], [0], [0], [1], [0, 0, 1, 1], [], []>, transpose_lhs_hint = false} : vector<2000x128xf32>, vector<128x128xf32>, vector<2000x128xf32> -> vector<2000x128xf32>
    %get3A_15 = arith.constant 0 : index
    %get3A_16 = arith.constant 0 : index
    %get3A_17 = vector.load %arg5[%get3A_15, %get3A_16] : memref<1x128xf32, #tpu.memory_space<vmem>>, vector<1x128xf32>
    %add3A_18 = vector.broadcast %get3A_17 : vector<1x128xf32> to vector<2000x128xf32>
    %add3A_19 = arith.addf %dot_general3A_14, %add3A_18 : vector<2000x128xf32>
    %swap3A = arith.constant 0 : index
    %swap3A_20 = arith.constant 0 : index
    %swap3A_21 = vector.load %arg6[%swap3A, %swap3A_20] : memref<2000x128xf32, #tpu.memory_space<vmem>>, vector<2000x128xf32>
    tpu.vector_store %arg6[%swap3A, %swap3A_20], %add3A_19 {strides = array<i32>} : memref<2000x128xf32, #tpu.memory_space<vmem>>, vector<2000x128xf32>,
    return
  }
  func.func @transform_0(%arg0: i32) -> (i32, i32) {
    %c0_i32 = arith.constant 0 : i32
    %c0_i32_0 = arith.constant 0 : i32
    return %arg0, %c0_i32 : i32, i32
  }
  func.func @transform_1(%arg0: i32) -> (i32, i32) {
    %c0_i32 = arith.constant 0 : i32
    %c0_i32_0 = arith.constant 0 : i32
    %c0_i32_1 = arith.constant 0 : i32
    return %c0_i32, %c0_i32_0 : i32, i32
  }
  func.func @transform_2(%arg0: i32) -> (i32, i32) {
    %c0_i32 = arith.constant 0 : i32
    %c0_i32_0 = arith.constant 0 : i32
    %c0_i32_1 = arith.constant 0 : i32
    return %c0_i32, %c0_i32_0 : i32, i32
  }
  func.func @transform_3(%arg0: i32) -> (i32, i32) {
    %c0_i32 = arith.constant 0 : i32
    %c0_i32_0 = arith.constant 0 : i32
    %c0_i32_1 = arith.constant 0 : i32
    return %c0_i32, %c0_i32_0 : i32, i32
  }
  func.func @transform_4(%arg0: i32) -> (i32, i32) {
    %c0_i32 = arith.constant 0 : i32
    %c0_i32_0 = arith.constant 0 : i32
    %c0_i32_1 = arith.constant 0 : i32
    return %c0_i32, %c0_i32_0 : i32, i32
  }
  func.func @transform_5(%arg0: i32) -> (i32, i32) {
    %c0_i32 = arith.constant 0 : i32
    %c0_i32_0 = arith.constant 0 : i32
    return %arg0, %c0_i32 : i32, i32
  }
}

module attributes {stable_mosaic.version = 14 : i64} {
  func.func @_combine_body(%arg0: i32, %arg1: memref<2x2000x128xf32, #tpu.memory_space<vmem>>, %arg2: memref<2000x2xf32, #tpu.memory_space<vmem>>, %arg3: memref<2000x2xf32, #tpu.memory_space<vmem>>, %arg4: memref<2000x128xf32, #tpu.memory_space<vmem>>, %arg5: memref<1x1xf32, #tpu.memory_space<vmem>>, %arg6: memref<2000x128xf32, #tpu.memory_space<vmem>>) attributes {dimension_semantics = [#tpu.dimension_semantics<arbitrary>], iteration_bounds = array<i64: 5>, scalar_prefetch = 0 : i64, scratch_operands = 0 : i64, tpu.core_type = #tpu.core_type<tc>, window_params = [{transform_indices = @transform_0, window_bounds = array<i64: 2, 2000, 128>}, {transform_indices = @transform_1, window_bounds = array<i64: 2000, 2>}, {transform_indices = @transform_2, window_bounds = array<i64: 2000, 2>}, {transform_indices = @transform_3, window_bounds = array<i64: 2000, 128>}, {pipeline_mode = #tpu.pipeline_mode<synchronous>, transform_indices = @transform_4, window_bounds = array<i64: 1, 1>}, {transform_indices = @transform_5, window_bounds = array<i64: 2000, 128>}]} {
    %get3A = arith.constant 0 : index
    %get3A_0 = arith.constant 0 : index
    %get3A_1 = vector.load %arg5[%get3A, %get3A_0] : memref<1x1xf32, #tpu.memory_space<vmem>>, vector<1x1xf32>
    %get3A_2 = vector.extract %get3A_1[0, 0] : f32 from vector<1x1xf32>
    %get3A_3 = arith.constant 0 : index
    %get3A_4 = arith.constant 0 : index
    %get3A_5 = vector.load %arg3[%get3A_3, %get3A_4] : memref<2000x2xf32, #tpu.memory_space<vmem>>, vector<2000x1xf32>
    %get3A_6 = arith.constant 0 : index
    %get3A_7 = arith.constant 1 : index
    %get3A_8 = vector.load %arg3[%get3A_6, %get3A_7] : memref<2000x2xf32, #tpu.memory_space<vmem>>, vector<2000x1xf32>
    %add3A = arith.addf %get3A_5, %get3A_8 : vector<2000x1xf32>
    %get3A_9 = arith.constant 0 : index
    %get3A_10 = arith.constant 0 : index
    %get3A_11 = vector.load %arg2[%get3A_9, %get3A_10] : memref<2000x2xf32, #tpu.memory_space<vmem>>, vector<2000x1xf32>
    %get3A_12 = arith.constant 0 : index
    %get3A_13 = arith.constant 1 : index
    %get3A_14 = vector.load %arg2[%get3A_12, %get3A_13] : memref<2000x2xf32, #tpu.memory_space<vmem>>, vector<2000x1xf32>
    %add3A_15 = arith.addf %get3A_11, %get3A_14 : vector<2000x1xf32>
    %get3A_16 = arith.constant 0 : index
    %get3A_17 = arith.constant 0 : index
    %get3A_18 = arith.constant 0 : index
    %get3A_19 = vector.load %arg1[%get3A_16, %get3A_17, %get3A_18] : memref<2x2000x128xf32, #tpu.memory_space<vmem>>, vector<1x2000x128xf32>
    %get3A_20 = vector.shape_cast %get3A_19 : vector<1x2000x128xf32> to vector<2000x128xf32>
    %get3A_21 = arith.constant 1 : index
    %get3A_22 = arith.constant 0 : index
    %get3A_23 = arith.constant 0 : index
    %get3A_24 = vector.load %arg1[%get3A_21, %get3A_22, %get3A_23] : memref<2x2000x128xf32, #tpu.memory_space<vmem>>, vector<1x2000x128xf32>
    %get3A_25 = vector.shape_cast %get3A_24 : vector<1x2000x128xf32> to vector<2000x128xf32>
    %add3A_26 = arith.addf %get3A_20, %get3A_25 : vector<2000x128xf32>
    %mul3A = vector.broadcast %get3A_2 : f32 to vector<2000x1xf32>
    %mul3A_27 = arith.mulf %mul3A, %add3A : vector<2000x1xf32>
    %get3A_28 = arith.constant 0 : index
    %get3A_29 = arith.constant 0 : index
    %get3A_30 = vector.load %arg4[%get3A_28, %get3A_29] : memref<2000x128xf32, #tpu.memory_space<vmem>>, vector<2000x128xf32>
    %mul3A_31 = vector.broadcast %mul3A_27 : vector<2000x1xf32> to vector<2000x128xf32>
    %mul3A_32 = arith.mulf %mul3A_31, %get3A_30 : vector<2000x128xf32>
    %add3A_33 = arith.addf %add3A_26, %mul3A_32 : vector<2000x128xf32>
    %eq3A = arith.constant 0.000000e+00 : f32
    %eq3A_34 = vector.broadcast %eq3A : f32 to vector<2000x1xf32>
    %eq3A_35 = arith.cmpf oeq, %add3A_15, %eq3A_34 : vector<2000x1xf32>
    %jit3A = arith.constant 1.000000e+00 : f32
    %broadcast_in_dim3A = vector.broadcast %jit3A : f32 to vector<2000x1xf32>
    %select_n3A = arith.select %eq3A_35, %broadcast_in_dim3A, %add3A_15 : vector<2000x1xi1>, vector<2000x1xf32>
    %div3A = vector.broadcast %select_n3A : vector<2000x1xf32> to vector<2000x128xf32>
    %div3A_36 = arith.divf %add3A_33, %div3A : vector<2000x128xf32>
    %swap3A = arith.constant 0 : index
    %swap3A_37 = arith.constant 0 : index
    %swap3A_38 = vector.load %arg6[%swap3A, %swap3A_37] : memref<2000x128xf32, #tpu.memory_space<vmem>>, vector<2000x128xf32>
    tpu.vector_store %arg6[%swap3A, %swap3A_37], %div3A_36 {strides = array<i32>} : memref<2000x128xf32, #tpu.memory_space<vmem>>, vector<2000x128xf32>,
    return
  }
  func.func @transform_0(%arg0: i32) -> (i32, i32, i32) {
    %c0_i32 = arith.constant 0 : i32
    %c0_i32_0 = arith.constant 0 : i32
    %c0_i32_1 = arith.constant 0 : i32
    return %c0_i32, %arg0, %c0_i32_0 : i32, i32, i32
  }
  func.func @transform_1(%arg0: i32) -> (i32, i32) {
    %c0_i32 = arith.constant 0 : i32
    %c0_i32_0 = arith.constant 0 : i32
    return %arg0, %c0_i32 : i32, i32
  }
  func.func @transform_2(%arg0: i32) -> (i32, i32) {
    %c0_i32 = arith.constant 0 : i32
    %c0_i32_0 = arith.constant 0 : i32
    return %arg0, %c0_i32 : i32, i32
  }
  func.func @transform_3(%arg0: i32) -> (i32, i32) {
    %c0_i32 = arith.constant 0 : i32
    %c0_i32_0 = arith.constant 0 : i32
    return %arg0, %c0_i32 : i32, i32
  }
  func.func @transform_4(%arg0: i32) -> (i32, i32) {
    %c0_i32 = arith.constant 0 : i32
    %c0_i32_0 = arith.constant 0 : i32
    %c0_i32_1 = arith.constant 0 : i32
    return %c0_i32, %c0_i32_0 : i32, i32
  }
  func.func @transform_5(%arg0: i32) -> (i32, i32) {
    %c0_i32 = arith.constant 0 : i32
    %c0_i32_0 = arith.constant 0 : i32
    return %arg0, %c0_i32 : i32, i32
  }
}

</mosaic_0001>

<sc_bundles>
// kernel: kernel.5.cloned.1.call-start
scs
__scs_entry_jumppad:
0x0: {  	(pc) =	sbr.rel $0x88, $3  }
0x1: {  	(tag) =	ssettag $0x0;
	lr =	simm.s32 $0x1  }
0x2: {  	[smem:$0x3F9A] =	sst lr;
	_ =	strace $0xD0000000  }
0x3: {  	_ = 	snop  }
0x4: {  	_ = 	snop  }
0x5: {  	_ = 	snop  }
0x6: {  	_ = 	snop  }
0x7: {  	_ = 	snop  }
__scs_overlays_trampoline_lowered:
0x8: {  	[smem:$0x3FA9] =	sst s0  }
0x9: {  	[smem:$0x3FAA] =	sst s1  }
0xa: {  	[smem:$0x3FAB] =	sst s2  }
0xb: {  	[smem:$0x3FAC] =	sst s3  }
0xc: {  	[smem:$0x3FAD] =	sst s4  }
0xd: {  	[smem:$0x3FAE] =	sst s5  }
0xe: {  	[smem:$0x3FAF] =	sst s6  }
0xf: {  	[smem:$0x3FB0] =	sst s7  }
0x10: {  	[smem:$0x3FB1] =	sst s8  }
0x11: {  	[smem:$0x3FB2] =	sst s9;
	s0 =	simm.s32 @!p0 $0x0  }
0x12: {  	s1 =	sld [smem:$0x3F98];
	s0 =	simm.s32 @p0 $0x1  }
0x13: {  	[smem:$0x3FB3] =	sst s0;
	s0 =	simm.s32 @!p1 $0x0  }
0x14: {  	s2 =	sld [smem:$0x3F97];
	s0 =	simm.s32 @p1 $0x1  }
0x15: {  	[smem:$0x3FB4] =	sst s0;
	s0 =	simm.s32 @!p2 $0x0  }
0x16: {  	s3 =	sld [smem:$0x3FDB];
	s0 =	simm.s32 @p2 $0x1  }
0x17: {  	s4 =	simm.s32 $0x1BF5;
	[smem:$0x3FB6] =	sst s0  }
0x18: {  	s0 =	sld [smem:$0x3F99];
	_ =	swait.ge [sflag:s4], $0x0  }
0x19: {  	s7 =	sld [smem:$0x3F9A]  }
0x1a: {  	s8 =	sadd.s32 $0xFFFFE003, lr  }
0x1b: {  	s9 =	sadd.s32 $0xFFFFFEF7, lr;
	s5 =	simm.s32 $0xFFFFFFFF;
	p2 =	slt.u32 s8, $0xFFFFF086  }
0x1c: {  	p1 =	slt.u32 s9, $0xF7A;
	s5 =	simm.s32 @!p2 $0x0  }
0x1d: {  	s5 =	simm.s32 @p1 $0x1;
	p0 =	seq.s32 s7, s2  }
0x1e: {  	s7 =	smul.u32 @!p0 $0xF7A, s2;
	p2 =	seq.s32 @!p0 s5, $0x0  }
0x1f: {  	s9 =	smul.u32 $0xF7A, s1;
	s8 =	simm.s32 @!p0 $0x1BF5;
	p2 =	por !p2, p0  }
0x20: {  	[sflag:s8] =	ssyncset.s32 @!p0 $0xFFFFF086;
	s6 =	sadd.s32 @!p0 s3, s7;
	s7 =	simm.s32 @!p0 $0x108  }
0x21: {  	s3 =	sadd.s32 s3, s9;
	s6 =	sadd.s32 @!p0 $0x88, s6;
	s7 =	simm.s32 @p2 $0x1082  }
0x22: {  	[simem:s7], [sflag:s8] =	dma.local @!p0 [hbm:s6], $0xF7A  }
0x23: {  	s9 =	sor.u32 $0xD0000000, s2;
	s6 =	simm.s32 $0x108;
	_ =	swait.ge @!p0 [sflag:s8], $0x0  }
0x24: {  	s3 =	sadd.s32 $0x88, s3;
	s6 =	simm.s32 @!p1 $0x1082;
	[sflag:s4] =	ssyncset.s32 $0xFFFFF086  }
0x25: {  	[simem:s6], [sflag:s4] =	dma.local [hbm:s3], $0xF7A  }
0x26: {  	[smem:$0x3F9A] =	sst s1;
	(tag) =	ssettag s2;
	_ =	strace s9  }
0x27: {  	s1 =	sld [smem:$0x3FAA]  }
0x28: {  	s2 =	sld [smem:$0x3FAB]  }
0x29: {  	s4 =	sld [smem:$0x3FAD]  }
0x2a: {  	p0 =	seq.s32 s5, $0x0;
	s5 =	sld [smem:$0x3FAE]  }
0x2b: {  	s6 =	sld [smem:$0x3FAF]  }
0x2c: {  	s7 =	sld [smem:$0x3FB0]  }
0x2d: {  	s3 =	simm.s32 $0x108;
	s8 =	sld [smem:$0x3FB1]  }
0x2e: {  	s3 =	simm.s32 @!p0 $0x1082;
	s9 =	sld [smem:$0x3FB2]  }
0x2f: {  	lr =	sadd.s32 s0, s3;
	s0 =	sld [smem:$0x3FA9]  }
0x30: {  	s3 =	sld [smem:$0x3FAC]  }
0x31: {  	[smem:$0x3FB5] =	sst s10  }
0x32: {  	s10 =	sld [smem:$0x3FB3];
	_ =	sdelay $0x3  }
0x33: {  	p0 =	seq.s32 s10, $0x1;
	s10 =	sld [smem:$0x3FB5];
	_ =	sdelay $0x3  }
0x34: {  	[smem:$0x3FB5] =	sst s10  }
0x35: {  	s10 =	sld [smem:$0x3FB4];
	_ =	sdelay $0x3  }
0x36: {  	p1 =	seq.s32 s10, $0x1;
	s10 =	sld [smem:$0x3FB5];
	_ =	sdelay $0x3  }
0x37: {  	[smem:$0x3FB5] =	sst s10  }
0x38: {  	s10 =	sld [smem:$0x3FB6]  }
0x39: {  	_ = 	snop;
	(pc) =	sbr.ind lr, $3  }
0x3a: {  	_ = 	snop  }
0x3b: {  	_ = 	snop  }
0x3c: {  	p2 =	seq.s32 s10, $0x1;
	s10 =	sld [smem:$0x3FB5]  }
0x3d: {  	_ =	shalt  }
0x3e: {  	_ =	shalt  }
0x3f: {  	_ =	shalt  }
0x40: {  	_ =	shalt  }
0x41: {  	_ =	shalt  }
0x42: {  	_ =	shalt  }
0x43: {  	_ =	shalt  }
0x44: {  	_ =	shalt  }
0x45: {  	_ =	shalt  }
0x46: {  	_ =	shalt  }
0x47: {  	_ =	shalt  }
0x48: {  	_ =	shalt  }
0x49: {  	_ =	shalt  }
0x4a: {  	_ =	shalt  }
0x4b: {  	_ =	shalt  }
0x4c: {  	_ =	shalt  }
0x4d: {  	_ =	shalt  }
0x4e: {  	_ =	shalt  }
0x4f: {  	_ =	shalt  }
0x50: {  	_ =	shalt  }
0x51: {  	_ =	shalt  }
0x52: {  	_ =	shalt  }
0x53: {  	_ =	shalt  }
0x54: {  	_ =	shalt  }
0x55: {  	_ =	shalt  }
0x56: {  	_ =	shalt  }
0x57: {  	_ =	shalt  }
0x58: {  	_ =	shalt  }
0x59: {  	_ =	shalt  }
0x5a: {  	_ =	shalt  }
0x5b: {  	_ =	shalt  }
0x5c: {  	_ =	shalt  }
0x5d: {  	_ =	shalt  }
0x5e: {  	_ =	shalt  }
0x5f: {  	_ =	shalt  }
0x60: {  	_ =	shalt  }
0x61: {  	_ =	shalt  }
0x62: {  	_ =	shalt  }
0x63: {  	_ =	shalt  }
0x64: {  	_ =	shalt  }
0x65: {  	_ =	shalt  }
0x66: {  	_ =	shalt  }
0x67: {  	_ =	shalt  }
0x68: {  	_ =	shalt  }
0x69: {  	_ =	shalt  }
0x6a: {  	_ =	shalt  }
0x6b: {  	_ =	shalt  }
0x6c: {  	_ =	shalt  }
0x6d: {  	_ =	shalt  }
0x6e: {  	_ =	shalt  }
0x6f: {  	_ =	shalt  }
0x70: {  	_ =	shalt  }
0x71: {  	_ =	shalt  }
0x72: {  	_ =	shalt  }
0x73: {  	_ =	shalt  }
0x74: {  	_ =	shalt  }
0x75: {  	_ =	shalt  }
0x76: {  	_ =	shalt  }
0x77: {  	_ =	shalt  }
0x78: {  	_ =	shalt  }
0x79: {  	_ =	shalt  }
0x7a: {  	_ =	shalt  }
0x7b: {  	_ =	shalt  }
0x7c: {  	_ =	shalt  }
0x7d: {  	_ =	shalt  }
0x7e: {  	_ =	shalt  }
0x7f: {  	_ =	shalt  }
0x80: {  	_ =	shalt  }
0x81: {  	_ =	shalt  }
0x82: {  	_ =	shalt  }
0x83: {  	_ =	shalt  }
0x84: {  	_ =	shalt  }
0x85: {  	_ =	shalt  }
0x86: {  	_ =	shalt  }
0x87: {  	_ =	shalt  }
.Lfunc_end0:
.L_simem_size_0:
called_computation_lowered:
.L_overlay_start_0:
0x88: {  	s2 =	sld [smem:$0x3FD9]  }
0x89: {  	s3 =	sld [smem:$0x3FFE];
	_ =	sdelay $0x1  }
0x8a: {  	s1 =	srdreg.scid  }
0x8b: {  	s0 =	sand.u32 $0x1, s1  }
0x8c: {  	s17 =	sshll.u32 s0, $0xA;
	s2 =	sadd.s32 s3, s2  }
0x8d: {  	s2 =	sadd.s32 s2, s17  }
0x8e: {  	[smem:$0x3FC1] =	sst s2  }
0x8f: {  	_ = 	snop  }
0x90: {  	s2 =	sld [smem:$0x3FD0];
	(tm) =	ssettm $0x1  }
0x91: {  	s18 =	sld [smem:$0x3FFB];
	_ =	sdelay $0x3  }
0x92: {  	_ =	strace s18  }
0x93: {  	s3 =	sld [smem:$0x3FFC];
	_ =	sdelay $0x3  }
0x94: {  	_ =	strace s3  }
0x95: {  	s3 =	sld [smem:$0x3FFD];
	_ =	sdelay $0x3  }
0x96: {  	_ =	strace s3  }
0x97: {  	_ =	strace $0x8FFFFFFF  }
0x98: {  	s19 =	sld [smem:$0x3FDB];
	_ =	sdelay $0x1  }
0x99: {  	s4 =	simm.s32 $_scs_section_size  }
0x9a: {  	s5 =	simm.s32 $_size__tile_overlayer_lowered;
	s6 =	simm.s32 $_tile_overlayer_lowered  }
0x9b: {  	s22 =	simm.s32 $0x1BFF;
	s21 =	sshll.u32 s6, $0x1;
	s3 =	sadd.s32 s4, s19  }
0x9c: {  	s7 =	simm.s32 $0x0;
	s20 =	sshll.u32 s5, $0x1;
	s5 =	sadd.s32 s21, s3  }
0x9d: {  	[timem:s7], [sflag:s22] =	dma.local [hbm:s5], s20  }
0x9e: {  	_ =	swait.ge [sflag:s22], s20  }
0x9f: {  	s4 =	ssub.s32 $0x0, s20;
	[sflag:s22] =	ssyncset.done $0x0  }
0xa0: {  	[sflag:s22] =	ssyncadd.s32 s4;
	_ =	sdelay $0x1  }
0xa1: {  	s23 =	simm.s32 $0x1B8B  }
0xa2: {  	_ =	swait.ge [sflag:s23], $0x1  }
0xa3: {  	[sflag:s23] =	ssyncset.done $0x0  }
0xa4: {  	s25 =	simm.s32 $0x1B8E;
	s24 =	sld [smem:$0x3FFE];
	[sflag:s23] =	ssyncadd.s32 $0xFFFFFFFF  }
0xa5: {  	s26 =	simm.s32 $execute0_lowered;
	[smem:$0x3FD2] =	sst s25  }
0xa6: {  	s5 =	sshll.u32 s26, $0x1;
	_ =	strace $0x80000046;
	[dreg:$0x1] =	wrdreg $0xFFFFFFFF  }
0xa7: {  	s28 =	simm.s32 $_size_execute0_lowered;
	s3 =	sadd.s32 s3, s5;
	[dreg:$0x0] =	wrdreg $0x0  }
0xa8: {  	s5 =	sshll.u32 s28, $0x1;
	[dreg:$0x2] =	wrdreg s3  }
0xa9: {  	[dreg:$0x3] =	wrdreg s5  }
0xaa: {  	[dreg:$0x4] =	wrdreg $0xC0  }
0xab: {  	_ =	task [dreg:s7], $0x5FFFF  }
0xac: {  	[dreg:$0x1] =	wrdreg $0xFFFFFFFF  }
0xad: {  	[dreg:$0x0] =	wrdreg $0x60  }
0xae: {  	[dreg:$0x2] =	wrdreg s2  }
0xaf: {  	[dreg:$0x3] =	wrdreg s24  }
0xb0: {  	[dreg:$0x4] =	wrdreg $0x58000  }
0xb1: {  	[dreg:$0x5] =	wrdreg $0x198000  }
0xb2: {  	[dreg:$0x6] =	wrdreg $0x19A800  }
0xb3: {  	[dreg:$0x7] =	wrdreg $0x9  }
0xb4: {  	_ =	task.clear_ibuf [dreg:s7], $0x8FFFF;
	_ =	strace $0x90000046  }
0xb5: {  	s29 =	simm.s32 $0x9;
	_ =	strace $0x80000048  }
0xb6: {  	_ =	swait.ge [sflag:s29], $0x1  }
0xb7: {  	[sflag:s29] =	ssyncadd.s32 $0xFFFFFFFF  }
0xb8: {  	_ =	strace $0x90000048  }
0xb9: {  	_ =	sfence  }
0xba: {  	s30 =	sld [smem:$0x0];
	_ =	sdelay $0x2  }
0xbb: {  	s31 =	sshll.u32 s1, $0xD;
	s1 =	sshrl.u32 s1, $0x2  }
0xbc: {  	s3 =	sand.u32 $0x4000, s31;
	s1 =	sadd.s32 s1, s30  }
0xbd: {  	s0 =	sor.u32 s3, s0;
	s1 =	sshll.u32 s1, $0x11  }
0xbe: {  	s0 =	sor.u32 s1, s0  }
0xbf: {  	s0 =	sadd.s32 $0x8F2B, s0  }
0xc0: {  	[sflag:s0] =	ssyncadd.remote.s32 $0x1  }
0xc1: {  	_ =	sfence.sel $0xFFFF  }
0xc2: {  	[dreg:$0x0] =	wrdreg $0xFFFFFFFF;
	(pc) =	sbr.abs _section_cstart, $3  }
0xc3: {  	[dreg:$0x1] =	wrdreg $0xFFFFFFFF  }
0xc4: {  	_ =	task.clear_ibuf [dreg:s7], $0x2FFFF;
	_ =	strace $0x9FFFFFFF  }
0xc5: {  	(tm) =	ssettm $0x7FFFFFFF  }
tec
execute0_lowered:
.L_overlay_start_1:
0x0: {  	(tag) =	ssettag $0x1  }
0x1: {  	s0 =	rddreg [dreg:$0x1]  }
0x2: {  	s1 =	simm.s32 $0x0;
	s2 =	srdreg.scid;
	s22 =	stileid.u32  }
0x3: {  	[smem:$0x7FF] =	sst s1;
	s3 =	smul.u32 $0x500, s22  }
0x4: {  	s4 =	sadd.s32 $0xB400, s0;
	s13 =	sand.u32 $0x1, s2;
	s2 =	smul.u32 $0x280, s22  }
0x5: {  	s14 =	sadd.s32 $0x16A00, s0;
	s7 =	sshll.u32 s22, $0x1;
	s17 =	smul.u32 $0x14000, s22  }
0x6: {  	s5 =	sshll.u32 s13, $0x7;
	s6 =	ssub.s32 $0x2, s13;
	s16 =	smul.u32 $0x140000, s13  }
0x7: {  	s7 =	sor.u32 s13, s7;
	s13 =	smul.u32 $0x2710, s13;
	s5 =	sor.u32 s5, s3  }
0x8: {  	s20 =	sshrl.u32 s6, $0x1;
	s15 =	smul.u32 $0x2710, s7;
	s12 =	sshll.u32 s2, $0x7  }
0x9: {  	s3 =	ssub.s32 s6, s20;
	s6 =	sor.u32 $0x2800, s12;
	s7 =	sadd.s32 $0x5000, s12  }
0xa: {  	s8 =	sadd.s32 $0x7800, s12;
	s9 =	sadd.s32 $0xA000, s12;
	s10 =	sadd.s32 $0xC800, s12  }
0xb: {  	s11 =	sadd.s32 $0xF000, s12;
	s12 =	sadd.s32 $0x11800, s12;
	s17 =	sadd.s32 s17, s16  }
0xc: {  	s15 =	sshrl.u32 s15, $0x3;
	s18 =	sadd.s32 s16, s6;
	s17 =	sshrl.u32 s17, $0x3  }
0xd: {  	s19 =	sadd.s32 s16, s7;
	s24 =	sadd.s32 s16, s8;
	s25 =	sadd.s32 s16, s9  }
0xe: {  	s26 =	sadd.s32 s16, s10;
	s18 =	sshrl.u32 s18, $0x3;
	s17 =	sadd.s32 s14, s17  }
0xf: {  	s23 =	sshrl.u32 s19, $0x3;
	[dreg:$0x6] =	wrdreg s17;
	s21 =	sadd.s32 s14, s18  }
0x10: {  	s19 =	sadd.s32 $0x14, s15;
	s17 =	sadd.s32 s14, s23;
	[dreg:$0x7] =	wrdreg s21  }
0x11: {  	s18 =	sshrl.u32 s25, $0x3;
	s23 =	sadd.s32 s16, s11;
	[dreg:$0x8] =	wrdreg s17  }
0x12: {  	s17 =	sshrl.u32 s24, $0x3;
	s20 =	sadd.s32 s14, s18;
	s21 =	sshrl.u32 s26, $0x3  }
0x13: {  	s18 =	sshrl.u32 s23, $0x3;
	s17 =	sadd.s32 s14, s17;
	[dreg:$0xa] =	wrdreg s20  }
0x14: {  	s26 =	sadd.s32 $0xA, s15;
	s25 =	sadd.s32 s14, s18;
	[dreg:$0x9] =	wrdreg s17  }
0x15: {  	s16 =	sadd.s32 s16, s12;
	s18 =	sadd.s32 s4, s26;
	[dreg:$0xc] =	wrdreg s25  }
0x16: {  	s24 =	smul.u32 $0x4E20, s22;
	s20 =	sadd.s32 s4, s19;
	[dreg:$0xe] =	wrdreg s18  }
0x17: {  	s16 =	sshrl.u32 s16, $0x3;
	s17 =	sadd.s32 s14, s21;
	[dreg:$0x10] =	wrdreg s20  }
0x18: {  	s14 =	sadd.s32 s14, s16;
	[dreg:$0xb] =	wrdreg s17  }
0x19: {  	s13 =	sadd.s32 s13, s24;
	s21 =	sadd.s32 s4, s15;
	[dreg:$0xd] =	wrdreg s14  }
0x1a: {  	s14 =	sadd.s32 $0x1600, s0;
	[dreg:$0x12] =	wrdreg s21;
	s24 =	sadd.s32 $0x190, s13  }
0x1b: {  	s16 =	sadd.s32 s14, s26;
	s25 =	sshrl.u32 s24, $0x3;
	s24 =	rddreg [dreg:$0x4]  }
0x1c: {  	s23 =	sadd.s32 s14, s15;
	[dreg:$0xf] =	wrdreg s16  }
0x1d: {  	[dreg:$0x13] =	wrdreg s23  }
0x1e: {  	s16 =	sadd.s32 s14, s19;
	s19 =	rddreg [dreg:$0x2]  }
0x1f: {  	s18 =	sshrl.u32 s5, $0x3;
	s23 =	rddreg [dreg:$0x3]  }
0x20: {  	s13 =	sadd.s32 $0x140, s13;
	s15 =	sadd.s32 $0x1E, s15;
	[dreg:$0x11] =	wrdreg s16  }
0x21: {  	s17 =	smul.u32 $0x50000, s22;
	s26 =	sadd.s32 s4, s15;
	s16 =	rddreg [dreg:$0x0]  }
0x22: {  	s13 =	sshrl.u32 s13, $0x3;
	s15 =	sadd.s32 s14, s15;
	[dreg:$0x14] =	wrdreg s26  }
0x23: {  	s21 =	sadd.s32 s25, s4;
	s22 =	sshrl.u32 s17, $0x2;
	[dreg:$0x15] =	wrdreg s15  }
0x24: {  	s26 =	sadd.s32 s13, s4;
	s4 =	sadd.s32 s18, s0;
	s0 =	sadd.s32 $0x15400, s0  }
0x25: {  	s5 =	sadd.s32 s22, s19;
	_ =	strace $0x80000047;
	[dreg:$0x16] =	wrdreg s0  }
0x26: {  	s6 =	sadd.s32 s6, s19;
	[dreg:$0x17] =	wrdreg s5  }
0x27: {  	s7 =	sadd.s32 s7, s19;
	[dreg:$0x18] =	wrdreg s6  }
0x28: {  	s28 =	simm.s32 $0x180;
	s8 =	sadd.s32 s8, s19;
	[dreg:$0x19] =	wrdreg s7  }
0x29: {  	s29 =	simm.s32 $0x5380;
	s9 =	sadd.s32 s9, s19;
	[dreg:$0x1a] =	wrdreg s8  }
0x2a: {  	s30 =	simm.s32 $0x5480;
	s10 =	sadd.s32 s10, s19;
	[dreg:$0x1b] =	wrdreg s9  }
0x2b: {  	s20 =	sadd.s32 s25, s14;
	s11 =	sadd.s32 s11, s19;
	[dreg:$0x1c] =	wrdreg s10  }
0x2c: {  	s25 =	sadd.s32 s13, s14;
	s13 =	sadd.s32 s12, s19;
	[dreg:$0x1d] =	wrdreg s11  }
0x2d: {  	s31 =	simm.s32 $0x1;
	s14 =	sadd.s32 s2, s23;
	[dreg:$0x1e] =	wrdreg s13  }
0x2e: {  	s15 =	sadd.s32 s2, s24;
	s22 =	smax.u32 s3, $0x1;
	[dreg:$0x1f] =	wrdreg s14  }
0x2f: {  	s3 =	simm.s32 $0x5500;
	s12 =	simm.s32 $0x0;
	[smem:$0x7FA] =	sst s15  }
0x30: {  	s17 =	sadd.s32 $0x15600, s4;
	s18 =	sadd.s32 $0x16000, s4;
	[smem:$0x7FD] =	sst s22  }
0x31: {  	s10 =	simm.s32 $0x9;
	s11 =	simm.s32 $0x300;
	s13 =	simm.s32 $0x3  }
.Ltmp0:
0x32: {  	s14 =	simm.s32 $0x4;
	s15 =	simm.s32 $0x100;
	(pc) =	sbr.rel .LBB2_1-.Ltmp0, $4  }
0x33: {  	s7 =	simm.s32 $0x2;
	s8 =	simm.s32 $0x2B00;
	s9 =	simm.s32 $0x200  }
0x34: {  	s22 =	simm.s32 $0x5;
	s0 =	simm.s32 $0x280;
	s4 =	simm.s32 $0x6  }
0x35: {  	s5 =	simm.s32 $0x7;
	s6 =	simm.s32 $0x8;
	[smem:$0x7FB] =	sst s17  }
0x36: {  	v0 =	vimm.f32 $0.0e+00;
	[smem:$0x7FC] =	sst s18;
	s17 =	simm.s32 $0x50;
	s18 =	simm.s32 $0x80  }
.LBB2_6:
0x37: {  	_ =	swait.ge [sflag:s13], $0x2800  }
0x38: {  	[sflag:s13] =	ssyncset.done $0x0  }
0x39: {  	[sflag:s13] =	ssyncadd.s32 $0xFFFFD800  }
0x3a: {  	_ =	swait.ge [sflag:s5], $0x50  }
0x3b: {  	[sflag:s5] =	ssyncset.done $0x0  }
0x3c: {  	[sflag:s5] =	ssyncadd.s32 $0xFFFFFFB0  }
0x3d: {  	_ =	swait.ge [sflag:s5], $0x50  }
0x3e: {  	[sflag:s5] =	ssyncset.done $0x0  }
0x3f: {  	[sflag:s5] =	ssyncadd.s32 $0xFFFFFFB0  }
0x40: {  	v1 =	vld [tilespmem:$0x5300]  }
0x41: {  	v2 =	vld [tilespmem:$0x0]  }
0x42: {  	v3 =	vld [tilespmem:$0x100];
	_ =	sdelay $0x1  }
0x43: {  	v4 =	vld [tilespmem:$0x10]  }
0x44: {  	v5 =	vld [tilespmem:$0x110]  }
0x45: {  	v7 =	vld [tilespmem:$0x120]  }
0x46: {  	v54 =	vld [tilespmem:$0x30];
	v1 =	vadd.f32 $-1.000000000e+00, v1;
	vm0 =	veq.s32 v2, v3  }
0x47: {  	v9 =	vld [tilespmem:$0x130];
	v6 =	vsel vm0, $0x3F800000, v0  }
0x48: {  	v3 =	vld [tilespmem:$0x20];
	v8 =	vmul.f32 v6, v1  }
0x49: {  	[tilespmem:$0x200] =	vst v2  }
0x4a: {  	[tilespmem:$0x210] =	vst v4;
	v2 =	vadd.f32 $1.000000000e+00, v8  }
0x4b: {  	v59 =	vld [tilespmem:$0x140];
	vm12 =	veq.s32 v4, v5;
	[tilespmem:$0x230] =	vst v54  }
0x4c: {  	v55 =	vsel vm12, $0x3F800000, v0;
	[tilespmem:$0x5380] =	vst v2;
	v2 =	vld [tilespmem:$0x40]  }
0x4d: {  	vm14 =	veq.s32 v54, v9;
	[tilespmem:$0x5480] =	vst v6;
	v56 =	vmul.f32 v55, v1;
	vm13 =	veq.s32 v3, v7  }
0x4e: {  	v61 =	vsel vm14, $0x3F800000, v0;
	[tilespmem:$0x5490] =	vst v55;
	v58 =	vsel vm13, $0x3F800000, v0  }
0x4f: {  	[tilespmem:$0x54B0] =	vst v61;
	v57 =	vadd.f32 $1.000000000e+00, v56;
	v60 =	vmul.f32 v58, v1  }
0x50: {  	[tilespmem:$0x220] =	vst v3  }
0x51: {  	v62 =	vmul.f32 v61, v1;
	[tilespmem:$0x5390] =	vst v57;
	v3 =	vadd.f32 $1.000000000e+00, v60;
	vm15 =	veq.s32 v2, v59  }
0x52: {  	[tilespmem:$0x54A0] =	vst v58;
	v63 =	vsel vm15, $0x3F800000, v0  }
0x53: {  	[tilespmem:$0x53A0] =	vst v3;
	v3 =	vadd.f32 $1.000000000e+00, v62;
	v1 =	vmul.f32 v63, v1  }
0x54: {  	[tilespmem:$0x240] =	vst v2  }
0x55: {  	[tilespmem:$0x53B0] =	vst v3;
	v1 =	vadd.f32 $1.000000000e+00, v1  }
0x56: {  	[tilespmem:$0x54C0] =	vst v63  }
0x57: {  	[tilespmem:$0x53C0] =	vst v1  }
0x58: {  	[spmem:s19] =	stream.indirect.scatter.add.f32 [tilespmem:s11], [sflag:$0x5], $0x80, s9, s17, $0xb8;
	[tilespmem:$0x19D00] =	vst v63  }
0x59: {  	_ = 	snop  }
0x5a: {  	[spmem:s23] =	stream.indirect.scatter.add.f32 [tilespmem:s29], [sflag:$0x7], $0x1, s9, s17, $0xb8;
	[tilespmem:$0x19D00] =	vst v63  }
0x5b: {  	_ = 	snop  }
0x5c: {  	[spmem:s24] =	stream.indirect.scatter.add.f32 [tilespmem:s30], [sflag:$0x7], $0x1, s9, s17, $0xb8;
	[tilespmem:$0x19D00] =	vst v63  }
0x5d: {  	_ =	swait.ge [sflag:s4], $0x2800  }
0x5e: {  	[sflag:s4] =	ssyncset.done $0x0  }
0x5f: {  	[sflag:s4] =	ssyncadd.s32 $0xFFFFD800  }
0x60: {  	_ =	swait.ge [sflag:s6], $0x50  }
0x61: {  	[sflag:s6] =	ssyncset.done $0x0  }
0x62: {  	[sflag:s6] =	ssyncadd.s32 $0xFFFFFFB0  }
0x63: {  	_ =	swait.ge [sflag:s6], $0x50  }
0x64: {  	[sflag:s6] =	ssyncset.done $0x0  }
0x65: {  	[sflag:s6] =	ssyncadd.s32 $0xFFFFFFB0  }
0x66: {  	_ =	swait.ge [sflag:s22], $0x2800  }
0x67: {  	[sflag:s22] =	ssyncset.done $0x0  }
0x68: {  	[sflag:s22] =	ssyncadd.s32 $0xFFFFD800  }
0x69: {  	_ =	swait.ge [sflag:s5], $0x50  }
0x6a: {  	[sflag:s5] =	ssyncset.done $0x0  }
0x6b: {  	[sflag:s5] =	ssyncadd.s32 $0xFFFFFFB0  }
0x6c: {  	_ =	swait.ge [sflag:s5], $0x50  }
0x6d: {  	[sflag:s5] =	ssyncset.done $0x0  }
0x6e: {  	[sflag:s5] =	ssyncadd.s32 $0xFFFFFFB0  }
0x6f: {  	[bflag:$0x0] =	sbarrier.arrive $0xFFFF  }
0x70: {  	s2 =	rddreg [dreg:$0x17]  }
0x71: {  	[tilespmem:s11], [sflag:$0x9] =	stream.linear.gather [spmem:s2], $0x2800, $0x38;
	[tilespmem:$0x19D00] =	vst v63  }
0x72: {  	_ =	swait.ge [sflag:s10], $0x2800  }
0x73: {  	[sflag:s10] =	ssyncset.done $0x0  }
0x74: {  	s12 =	rddreg [dreg:$0x6];
	[sflag:s10] =	ssyncadd.s32 $0xFFFFD800  }
0x75: {  	[hbm4b:s12+s1] =	stream.linear.scatter [tilespmem:s11], [sflag:$0x3], $0x2800, $0x38;
	[tilespmem:$0x19D00] =	vst v63  }
0x76: {  	s12 =	rddreg [dreg:$0x18]  }
0x77: {  	[tilespmem:s8], [sflag:$0x9] =	stream.linear.gather [spmem:s12], $0x2800, $0x38;
	[tilespmem:$0x19D00] =	vst v63  }
0x78: {  	_ =	swait.ge [sflag:s10], $0x2800  }
0x79: {  	[sflag:s10] =	ssyncset.done $0x0  }
0x7a: {  	s12 =	rddreg [dreg:$0x7];
	[sflag:s10] =	ssyncadd.s32 $0xFFFFD800  }
0x7b: {  	[hbm4b:s12+s1] =	stream.linear.scatter [tilespmem:s8], [sflag:$0x4], $0x2800, $0x38;
	[tilespmem:$0x19D00] =	vst v63  }
0x7c: {  	_ =	swait.ge [sflag:s13], $0x2800  }
0x7d: {  	[sflag:s13] =	ssyncset.done $0x0  }
0x7e: {  	s12 =	rddreg [dreg:$0x19];
	[sflag:s13] =	ssyncadd.s32 $0xFFFFD800  }
0x7f: {  	[tilespmem:s11], [sflag:$0x9] =	stream.linear.gather [spmem:s12], $0x2800, $0x38;
	[tilespmem:$0x19D00] =	vst v63  }
0x80: {  	_ =	swait.ge [sflag:s10], $0x2800  }
0x81: {  	[sflag:s10] =	ssyncset.done $0x0  }
0x82: {  	s12 =	rddreg [dreg:$0x8];
	[sflag:s10] =	ssyncadd.s32 $0xFFFFD800  }
0x83: {  	[hbm4b:s12+s1] =	stream.linear.scatter [tilespmem:s11], [sflag:$0x3], $0x2800, $0x38;
	[tilespmem:$0x19D00] =	vst v63  }
0x84: {  	_ =	swait.ge [sflag:s14], $0x2800  }
0x85: {  	[sflag:s14] =	ssyncset.done $0x0  }
0x86: {  	s12 =	rddreg [dreg:$0x1a];
	[sflag:s14] =	ssyncadd.s32 $0xFFFFD800  }
0x87: {  	[tilespmem:s8], [sflag:$0x9] =	stream.linear.gather [spmem:s12], $0x2800, $0x38;
	[tilespmem:$0x19D00] =	vst v63  }
0x88: {  	_ =	swait.ge [sflag:s10], $0x2800  }
0x89: {  	[sflag:s10] =	ssyncset.done $0x0  }
0x8a: {  	s12 =	rddreg [dreg:$0x9];
	[sflag:s10] =	ssyncadd.s32 $0xFFFFD800  }
0x8b: {  	[hbm4b:s12+s1] =	stream.linear.scatter [tilespmem:s8], [sflag:$0x4], $0x2800, $0x38;
	[tilespmem:$0x19D00] =	vst v63  }
0x8c: {  	_ =	swait.ge [sflag:s13], $0x2800  }
0x8d: {  	[sflag:s13] =	ssyncset.done $0x0  }
0x8e: {  	s12 =	rddreg [dreg:$0x1b];
	[sflag:s13] =	ssyncadd.s32 $0xFFFFD800  }
0x8f: {  	[tilespmem:s11], [sflag:$0x9] =	stream.linear.gather [spmem:s12], $0x2800, $0x38;
	[tilespmem:$0x19D00] =	vst v63  }
0x90: {  	_ =	swait.ge [sflag:s10], $0x2800  }
0x91: {  	[sflag:s10] =	ssyncset.done $0x0  }
0x92: {  	s12 =	rddreg [dreg:$0xa];
	[sflag:s10] =	ssyncadd.s32 $0xFFFFD800  }
0x93: {  	[hbm4b:s12+s1] =	stream.linear.scatter [tilespmem:s11], [sflag:$0x3], $0x2800, $0x38;
	[tilespmem:$0x19D00] =	vst v63  }
0x94: {  	_ =	swait.ge [sflag:s14], $0x2800  }
0x95: {  	[sflag:s14] =	ssyncset.done $0x0  }
0x96: {  	s12 =	rddreg [dreg:$0x1c];
	[sflag:s14] =	ssyncadd.s32 $0xFFFFD800  }
0x97: {  	[tilespmem:s8], [sflag:$0x9] =	stream.linear.gather [spmem:s12], $0x2800, $0x38;
	[tilespmem:$0x19D00] =	vst v63  }
0x98: {  	_ =	swait.ge [sflag:s10], $0x2800  }
0x99: {  	[sflag:s10] =	ssyncset.done $0x0  }
0x9a: {  	s12 =	rddreg [dreg:$0xb];
	[sflag:s10] =	ssyncadd.s32 $0xFFFFD800  }
0x9b: {  	[hbm4b:s12+s1] =	stream.linear.scatter [tilespmem:s8], [sflag:$0x4], $0x2800, $0x38;
	[tilespmem:$0x19D00] =	vst v63  }
0x9c: {  	_ =	swait.ge [sflag:s13], $0x2800  }
0x9d: {  	[sflag:s13] =	ssyncset.done $0x0  }
0x9e: {  	s12 =	rddreg [dreg:$0x1d];
	[sflag:s13] =	ssyncadd.s32 $0xFFFFD800  }
0x9f: {  	[tilespmem:s11], [sflag:$0x9] =	stream.linear.gather [spmem:s12], $0x2800, $0x38;
	[tilespmem:$0x19D00] =	vst v63  }
0xa0: {  	_ =	swait.ge [sflag:s10], $0x2800  }
0xa1: {  	[sflag:s10] =	ssyncset.done $0x0  }
0xa2: {  	s12 =	rddreg [dreg:$0xc];
	[sflag:s10] =	ssyncadd.s32 $0xFFFFD800  }
0xa3: {  	[hbm4b:s12+s1] =	stream.linear.scatter [tilespmem:s11], [sflag:$0x3], $0x2800, $0x38;
	[tilespmem:$0x19D00] =	vst v63  }
0xa4: {  	_ =	swait.ge [sflag:s14], $0x2800  }
0xa5: {  	[sflag:s14] =	ssyncset.done $0x0  }
0xa6: {  	s12 =	rddreg [dreg:$0x1e];
	[sflag:s14] =	ssyncadd.s32 $0xFFFFD800  }
0xa7: {  	[tilespmem:s8], [sflag:$0x9] =	stream.linear.gather [spmem:s12], $0x2800, $0x38;
	[tilespmem:$0x19D00] =	vst v63  }
0xa8: {  	_ =	swait.ge [sflag:s10], $0x2800  }
0xa9: {  	[sflag:s10] =	ssyncset.done $0x0  }
0xaa: {  	s12 =	rddreg [dreg:$0xd];
	[sflag:s10] =	ssyncadd.s32 $0xFFFFD800  }
0xab: {  	[hbm4b:s12+s1] =	stream.linear.scatter [tilespmem:s8], [sflag:$0x4], $0x2800, $0x38;
	[tilespmem:$0x19D00] =	vst v63  }
0xac: {  	s2 =	rddreg [dreg:$0x1f];
	s12 =	simm.s32 $0x5580  }
0xad: {  	[tilespmem:s12], [sflag:$0x9] =	stream.linear.gather [spmem:s2], $0x280, $0x38;
	[tilespmem:$0x19D00] =	vst v63  }
0xae: {  	_ =	swait.ge [sflag:s10], $0x280  }
0xaf: {  	s2 =	sld [smem:$0x7FB]  }
0xb0: {  	[sflag:s10] =	ssyncset.done $0x0  }
0xb1: {  	[sflag:s10] =	ssyncadd.s32 $0xFFFFFD80  }
0xb2: {  	[hbm4b:s2+s18] =	stream.strided.scatter [tilespmem:s12], [sflag:$0x9], $0x280, s15, s18, $0x38;
	[tilespmem:$0x19D00] =	vst v63  }
0xb3: {  	_ =	swait.ge [sflag:s10], $0x280  }
0xb4: {  	s2 =	sld [smem:$0x7FA]  }
0xb5: {  	[sflag:s10] =	ssyncset.done $0x0  }
0xb6: {  	[sflag:s10] =	ssyncadd.s32 $0xFFFFFD80  }
0xb7: {  	[tilespmem:s12], [sflag:$0x9] =	stream.linear.gather [spmem:s2], $0x280, $0x38;
	[tilespmem:$0x19D00] =	vst v63  }
0xb8: {  	_ =	swait.ge [sflag:s10], $0x280  }
0xb9: {  	s2 =	sld [smem:$0x7FC]  }
0xba: {  	[sflag:s10] =	ssyncset.done $0x0  }
0xbb: {  	[sflag:s10] =	ssyncadd.s32 $0xFFFFFD80  }
0xbc: {  	[hbm4b:s2+s18] =	stream.strided.scatter [tilespmem:s12], [sflag:$0x9], $0x280, s15, s18, $0x38;
	[tilespmem:$0x19D00] =	vst v63  }
0xbd: {  	_ =	swait.ge [sflag:s10], $0x280  }
0xbe: {  	[sflag:s10] =	ssyncset.done $0x0  }
0xbf: {  	[sflag:s10] =	ssyncadd.s32 $0xFFFFFD80  }
0xc0: {  	_ =	swait.ge [sflag:s13], $0x2800  }
0xc1: {  	[sflag:s13] =	ssyncset.done $0x0  }
0xc2: {  	[sflag:s13] =	ssyncadd.s32 $0xFFFFD800  }
0xc3: {  	_ =	swait.ge [sflag:s14], $0x2800  }
0xc4: {  	s2 =	sld [smem:$0x7F9];
	_ =	sdelay $0x2  }
0xc5: {  	s12 =	sadd.s32 $0x1, s2;
	s2 =	sld [smem:$0x7FD];
	_ =	sdelay $0x2  }
0xc6: {  	p0 =	sne.s32 s12, s2  }
.Ltmp1:
0xc7: {  	_ = 	snop;
	(pc) =	sbr.rel @!p0 .LBB2_7-.Ltmp1, $3  }
0xc8: {  	_ =	sdelay $0x1  }
0xc9: {  	[sflag:s14] =	ssyncset.done $0x0  }
0xca: {  	[sflag:s14] =	ssyncadd.s32 $0xFFFFD800  }
.LBB2_1:
0xcb: {  	[smem:$0x7F9] =	sst s12  }
0xcc: {  	s2 =	rddreg [dreg:$0x16];
	s12 =	simm.s32 $0x5300  }
0xcd: {  	[tilespmem:s12], [sflag:$0x9] =	stream.linear.gather [hbm4b:s2+s1], $0x80, $0x38;
	[tilespmem:$0x19D00] =	vst v63  }
0xce: {  	_ =	swait.ge [sflag:s10], $0x80  }
0xcf: {  	[sflag:s10] =	ssyncset.done $0x0  }
0xd0: {  	s12 =	simm.s32 $0x0;
	s2 =	simm.s32 $0x200;
	[sflag:s10] =	ssyncadd.s32 $0xFFFFFF80  }
.LBB2_2:
0xd1: {  	p0 =	sne.s32 s2, $0x9E00;
	[tilespmem:s12+$0x370] =	vst v0  }
0xd2: {  	[tilespmem:s12+$0x300] =	vst v0  }
0xd3: {  	[tilespmem:s12+$0x310] =	vst v0  }
.Ltmp2:
0xd4: {  	[tilespmem:s12+$0x320] =	vst v0;
	(pc) =	sbr.rel @p0 .LBB2_2-.Ltmp2, $4  }
0xd5: {  	[tilespmem:s12+$0x330] =	vst v0  }
0xd6: {  	[tilespmem:s12+$0x340] =	vst v0  }
0xd7: {  	[tilespmem:s12+$0x350] =	vst v0  }
0xd8: {  	[tilespmem:s12+$0x360] =	vst v0;
	s12 =	sshra.s32 s2, $0x2;
	s2 =	sadd.s32 $0x200, s2  }
0xd9: {  	[tilespmem:s12+$0x370] =	vst v0  }
0xda: {  	[tilespmem:s12+$0x300] =	vst v0  }
0xdb: {  	[tilespmem:s12+$0x310] =	vst v0  }
0xdc: {  	[tilespmem:s12+$0x320] =	vst v0  }
0xdd: {  	[tilespmem:s12+$0x330] =	vst v0  }
0xde: {  	[tilespmem:s12+$0x340] =	vst v0  }
0xdf: {  	[tilespmem:s12+$0x350] =	vst v0  }
0xe0: {  	[tilespmem:s12+$0x360] =	vst v0  }
0xe1: {  	[tilespmem:$0x5580] =	vst v0  }
0xe2: {  	[tilespmem:$0x5590] =	vst v0  }
0xe3: {  	[tilespmem:$0x55A0] =	vst v0  }
0xe4: {  	[tilespmem:$0x55B0] =	vst v0  }
0xe5: {  	[tilespmem:$0x55C0] =	vst v0  }
0xe6: {  	[tilespmem:$0x55D0] =	vst v0  }
0xe7: {  	[tilespmem:$0x55E0] =	vst v0  }
0xe8: {  	[tilespmem:$0x55F0] =	vst v0  }
0xe9: {  	[tilespmem:$0x5600] =	vst v0  }
0xea: {  	[tilespmem:$0x5610] =	vst v0  }
0xeb: {  	[tilespmem:$0x5620] =	vst v0  }
0xec: {  	[tilespmem:$0x5630] =	vst v0  }
0xed: {  	[tilespmem:$0x5640] =	vst v0  }
0xee: {  	[tilespmem:$0x5650] =	vst v0  }
0xef: {  	[tilespmem:$0x5660] =	vst v0  }
0xf0: {  	[tilespmem:$0x5670] =	vst v0  }
0xf1: {  	[tilespmem:$0x5680] =	vst v0  }
0xf2: {  	[tilespmem:$0x5690] =	vst v0  }
0xf3: {  	[tilespmem:$0x56A0] =	vst v0  }
0xf4: {  	[tilespmem:$0x56B0] =	vst v0  }
0xf5: {  	[tilespmem:$0x56C0] =	vst v0  }
0xf6: {  	[tilespmem:$0x56D0] =	vst v0  }
0xf7: {  	[tilespmem:$0x56E0] =	vst v0  }
0xf8: {  	[tilespmem:$0x56F0] =	vst v0  }
0xf9: {  	[tilespmem:$0x5700] =	vst v0  }
0xfa: {  	[tilespmem:$0x5710] =	vst v0  }
0xfb: {  	[tilespmem:$0x5720] =	vst v0  }
0xfc: {  	[tilespmem:$0x5730] =	vst v0  }
0xfd: {  	[tilespmem:$0x5740] =	vst v0  }
0xfe: {  	[tilespmem:$0x5750] =	vst v0  }
0xff: {  	[tilespmem:$0x5760] =	vst v0  }
0x100: {  	[tilespmem:$0x5770] =	vst v0  }
0x101: {  	[tilespmem:$0x5780] =	vst v0  }
0x102: {  	[tilespmem:$0x5790] =	vst v0  }
0x103: {  	[tilespmem:$0x57A0] =	vst v0  }
0x104: {  	[tilespmem:$0x57B0] =	vst v0  }
0x105: {  	[tilespmem:$0x57C0] =	vst v0  }
0x106: {  	[tilespmem:$0x57D0] =	vst v0  }
0x107: {  	[tilespmem:$0x57E0] =	vst v0  }
0x108: {  	s2 =	rddreg [dreg:$0x17];
	[tilespmem:$0x57F0] =	vst v0  }
0x109: {  	[spmem:s2] =	stream.linear.scatter [tilespmem:s11], [sflag:$0x3], $0x2800, $0x38;
	[tilespmem:$0x19D00] =	vst v63  }
0x10a: {  	s12 =	rddreg [dreg:$0x18]  }
0x10b: {  	[spmem:s12] =	stream.linear.scatter [tilespmem:s11], [sflag:$0x3], $0x2800, $0x38;
	[tilespmem:$0x19D00] =	vst v63  }
0x10c: {  	s12 =	rddreg [dreg:$0x19]  }
0x10d: {  	[spmem:s12] =	stream.linear.scatter [tilespmem:s11], [sflag:$0x3], $0x2800, $0x38;
	[tilespmem:$0x19D00] =	vst v63  }
0x10e: {  	s12 =	rddreg [dreg:$0x1a]  }
0x10f: {  	[spmem:s12] =	stream.linear.scatter [tilespmem:s11], [sflag:$0x3], $0x2800, $0x38;
	[tilespmem:$0x19D00] =	vst v63  }
0x110: {  	s12 =	rddreg [dreg:$0x1b]  }
0x111: {  	[spmem:s12] =	stream.linear.scatter [tilespmem:s11], [sflag:$0x3], $0x2800, $0x38;
	[tilespmem:$0x19D00] =	vst v63  }
0x112: {  	s12 =	rddreg [dreg:$0x1c]  }
0x113: {  	[spmem:s12] =	stream.linear.scatter [tilespmem:s11], [sflag:$0x3], $0x2800, $0x38;
	[tilespmem:$0x19D00] =	vst v63  }
0x114: {  	s12 =	rddreg [dreg:$0x1d]  }
0x115: {  	[spmem:s12] =	stream.linear.scatter [tilespmem:s11], [sflag:$0x3], $0x2800, $0x38;
	[tilespmem:$0x19D00] =	vst v63  }
0x116: {  	s12 =	rddreg [dreg:$0x1e]  }
0x117: {  	[spmem:s12] =	stream.linear.scatter [tilespmem:s11], [sflag:$0x3], $0x2800, $0x38;
	[tilespmem:$0x19D00] =	vst v63  }
0x118: {  	s2 =	rddreg [dreg:$0x1f];
	s12 =	simm.s32 $0x5580  }
0x119: {  	[spmem:s2] =	stream.linear.scatter [tilespmem:s12], [sflag:$0x4], $0x280, $0x38;
	[tilespmem:$0x19D00] =	vst v63  }
0x11a: {  	s2 =	sld [smem:$0x7FA];
	_ =	sdelay $0x2  }
0x11b: {  	[spmem:s2] =	stream.linear.scatter [tilespmem:s12], [sflag:$0x4], $0x280, $0x38;
	[tilespmem:$0x19D00] =	vst v63  }
0x11c: {  	_ =	swait.ge [sflag:s13], $0x2800  }
0x11d: {  	[sflag:s13] =	ssyncset.done $0x0  }
0x11e: {  	[sflag:s13] =	ssyncadd.s32 $0xFFFFD800  }
0x11f: {  	_ =	swait.ge [sflag:s13], $0x2800  }
0x120: {  	[sflag:s13] =	ssyncset.done $0x0  }
0x121: {  	[sflag:s13] =	ssyncadd.s32 $0xFFFFD800  }
0x122: {  	_ =	swait.ge [sflag:s13], $0x2800  }
0x123: {  	[sflag:s13] =	ssyncset.done $0x0  }
0x124: {  	[sflag:s13] =	ssyncadd.s32 $0xFFFFD800  }
0x125: {  	_ =	swait.ge [sflag:s13], $0x2800  }
0x126: {  	[sflag:s13] =	ssyncset.done $0x0  }
0x127: {  	[sflag:s13] =	ssyncadd.s32 $0xFFFFD800  }
0x128: {  	_ =	swait.ge [sflag:s13], $0x2800  }
0x129: {  	[sflag:s13] =	ssyncset.done $0x0  }
0x12a: {  	[sflag:s13] =	ssyncadd.s32 $0xFFFFD800  }
0x12b: {  	_ =	swait.ge [sflag:s13], $0x2800  }
0x12c: {  	[sflag:s13] =	ssyncset.done $0x0  }
0x12d: {  	[sflag:s13] =	ssyncadd.s32 $0xFFFFD800  }
0x12e: {  	_ =	swait.ge [sflag:s13], $0x2800  }
0x12f: {  	[sflag:s13] =	ssyncset.done $0x0  }
0x130: {  	[sflag:s13] =	ssyncadd.s32 $0xFFFFD800  }
0x131: {  	_ =	swait.ge [sflag:s13], $0x2800  }
0x132: {  	[sflag:s13] =	ssyncset.done $0x0  }
0x133: {  	[sflag:s13] =	ssyncadd.s32 $0xFFFFD800  }
0x134: {  	_ =	swait.ge [sflag:s14], $0x280  }
0x135: {  	[sflag:s14] =	ssyncset.done $0x0  }
0x136: {  	[sflag:s14] =	ssyncadd.s32 $0xFFFFFD80  }
0x137: {  	_ =	swait.ge [sflag:s14], $0x280  }
0x138: {  	[sflag:s14] =	ssyncset.done $0x0  }
0x139: {  	[sflag:s14] =	ssyncadd.s32 $0xFFFFFD80  }
0x13a: {  	[bflag:$0x0] =	sbarrier.arrive $0xFFFF  }
0x13b: {  	s12 =	simm.s32 $0x0;
	s2 =	rddreg [dreg:$0x12]  }
0x13c: {  	[tilespmem:s12], [sflag:$0x9] =	stream.linear.gather [hbm4b:s2+s12], $0x50, $0x38;
	[tilespmem:$0x19D00] =	vst v63  }
0x13d: {  	_ =	swait.ge [sflag:s10], $0x50  }
0x13e: {  	[sflag:s10] =	ssyncset.done $0x0  }
0x13f: {  	s2 =	rddreg [dreg:$0x13];
	[sflag:s10] =	ssyncadd.s32 $0xFFFFFFB0  }
0x140: {  	[tilespmem:s15], [sflag:$0x9] =	stream.linear.gather [hbm4b:s2+s12], $0x50, $0x38;
	[tilespmem:$0x19D00] =	vst v63  }
0x141: {  	_ =	swait.ge [sflag:s10], $0x50  }
0x142: {  	[sflag:s10] =	ssyncset.done $0x0  }
0x143: {  	[sflag:s10] =	ssyncadd.s32 $0xFFFFFFB0  }
0x144: {  	[tilespmem:s11], [sflag:$0x3] =	stream.indirect.gather [hbm4b:s16+s17], $0x80, s15, s17, $0xb8;
	[tilespmem:$0x19D00] =	vst v63  }
0x145: {  	s2 =	rddreg [dreg:$0xe]  }
0x146: {  	[tilespmem:s18], [sflag:$0x2] =	stream.linear.gather [hbm4b:s2+s12], $0x50, $0x38;
	[tilespmem:$0x19D00] =	vst v63  }
0x147: {  	s2 =	rddreg [dreg:$0xf]  }
0x148: {  	[tilespmem:s28], [sflag:$0x2] =	stream.linear.gather [hbm4b:s2+s12], $0x50, $0x38;
	[tilespmem:$0x19D00] =	vst v63  }
0x149: {  	_ =	swait.ge [sflag:s7], $0x50  }
0x14a: {  	[sflag:s7] =	ssyncset.done $0x0  }
0x14b: {  	[sflag:s7] =	ssyncadd.s32 $0xFFFFFFB0  }
0x14c: {  	_ =	swait.ge [sflag:s7], $0x50  }
0x14d: {  	[sflag:s7] =	ssyncset.done $0x0  }
0x14e: {  	[sflag:s7] =	ssyncadd.s32 $0xFFFFFFB0  }
0x14f: {  	[tilespmem:s8], [sflag:$0x4] =	stream.indirect.gather [hbm4b:s16+s17], $0x80, s28, s17, $0xb8;
	[tilespmem:$0x19D00] =	vst v63  }
0x150: {  	_ =	swait.ge [sflag:s13], $0x2800  }
0x151: {  	[sflag:s13] =	ssyncset.done $0x0  }
0x152: {  	[sflag:s13] =	ssyncadd.s32 $0xFFFFD800  }
0x153: {  	v1 =	vld [tilespmem:$0x5300]  }
0x154: {  	v2 =	vld [tilespmem:$0x0]  }
0x155: {  	v3 =	vld [tilespmem:$0x100];
	_ =	sdelay $0x1  }
0x156: {  	v4 =	vld [tilespmem:$0x10]  }
0x157: {  	v5 =	vld [tilespmem:$0x110]  }
0x158: {  	v7 =	vld [tilespmem:$0x120]  }
0x159: {  	v38 =	vld [tilespmem:$0x30];
	v1 =	vadd.f32 $-1.000000000e+00, v1;
	vm0 =	veq.s32 v2, v3  }
0x15a: {  	v9 =	vld [tilespmem:$0x130];
	v6 =	vsel vm0, $0x3F800000, v0  }
0x15b: {  	v3 =	vld [tilespmem:$0x20];
	v8 =	vmul.f32 v6, v1  }
0x15c: {  	[tilespmem:$0x200] =	vst v2  }
0x15d: {  	[tilespmem:$0x210] =	vst v4;
	v2 =	vadd.f32 $1.000000000e+00, v8  }
0x15e: {  	v43 =	vld [tilespmem:$0x140];
	vm7 =	veq.s32 v4, v5;
	[tilespmem:$0x230] =	vst v38  }
0x15f: {  	v39 =	vsel vm7, $0x3F800000, v0;
	[tilespmem:$0x5380] =	vst v2;
	v2 =	vld [tilespmem:$0x40]  }
0x160: {  	vm9 =	veq.s32 v38, v9;
	[tilespmem:$0x5480] =	vst v6;
	v40 =	vmul.f32 v39, v1;
	vm8 =	veq.s32 v3, v7  }
0x161: {  	v45 =	vsel vm9, $0x3F800000, v0;
	[tilespmem:$0x5490] =	vst v39;
	v42 =	vsel vm8, $0x3F800000, v0  }
0x162: {  	[tilespmem:$0x54B0] =	vst v45;
	v41 =	vadd.f32 $1.000000000e+00, v40;
	v44 =	vmul.f32 v42, v1  }
0x163: {  	[tilespmem:$0x220] =	vst v3  }
0x164: {  	v46 =	vmul.f32 v45, v1;
	[tilespmem:$0x5390] =	vst v41;
	v3 =	vadd.f32 $1.000000000e+00, v44;
	vm10 =	veq.s32 v2, v43  }
0x165: {  	[tilespmem:$0x54A0] =	vst v42;
	v47 =	vsel vm10, $0x3F800000, v0  }
0x166: {  	[tilespmem:$0x53A0] =	vst v3;
	v3 =	vadd.f32 $1.000000000e+00, v46;
	v1 =	vmul.f32 v47, v1  }
0x167: {  	[tilespmem:$0x240] =	vst v2  }
0x168: {  	[tilespmem:$0x53B0] =	vst v3;
	v1 =	vadd.f32 $1.000000000e+00, v1  }
0x169: {  	[tilespmem:$0x54C0] =	vst v47  }
0x16a: {  	[tilespmem:$0x53C0] =	vst v1  }
0x16b: {  	[spmem:s19] =	stream.indirect.scatter.add.f32 [tilespmem:s11], [sflag:$0x5], $0x80, s9, s17, $0xb8;
	[tilespmem:$0x19D00] =	vst v63  }
0x16c: {  	_ = 	snop  }
0x16d: {  	[spmem:s23] =	stream.indirect.scatter.add.f32 [tilespmem:s29], [sflag:$0x7], $0x1, s9, s17, $0xb8;
	[tilespmem:$0x19D00] =	vst v63  }
0x16e: {  	_ = 	snop  }
0x16f: {  	[spmem:s24] =	stream.indirect.scatter.add.f32 [tilespmem:s30], [sflag:$0x7], $0x1, s9, s17, $0xb8;
	[tilespmem:$0x19D00] =	vst v63  }
0x170: {  	s2 =	rddreg [dreg:$0x10]  }
0x171: {  	[tilespmem:s12], [sflag:$0x1] =	stream.linear.gather [hbm4b:s2+s12], $0x50, $0x38;
	[tilespmem:$0x19D00] =	vst v63  }
0x172: {  	s2 =	rddreg [dreg:$0x11]  }
0x173: {  	[tilespmem:s15], [sflag:$0x1] =	stream.linear.gather [hbm4b:s2+s12], $0x50, $0x38;
	[tilespmem:$0x19D00] =	vst v63  }
0x174: {  	_ =	swait.ge [sflag:s31], $0x50  }
0x175: {  	[sflag:s31] =	ssyncset.done $0x0  }
0x176: {  	[sflag:s31] =	ssyncadd.s32 $0xFFFFFFB0  }
0x177: {  	_ =	swait.ge [sflag:s31], $0x50  }
0x178: {  	[sflag:s31] =	ssyncset.done $0x0  }
0x179: {  	[sflag:s31] =	ssyncadd.s32 $0xFFFFFFB0  }
0x17a: {  	_ =	swait.ge [sflag:s22], $0x2800  }
0x17b: {  	[sflag:s22] =	ssyncset.done $0x0  }
0x17c: {  	[sflag:s22] =	ssyncadd.s32 $0xFFFFD800  }
0x17d: {  	[tilespmem:s11], [sflag:$0x3] =	stream.indirect.gather [hbm4b:s16+s17], $0x80, s15, s17, $0xb8;
	[tilespmem:$0x19D00] =	vst v63  }
0x17e: {  	_ =	swait.ge [sflag:s14], $0x2800  }
0x17f: {  	[sflag:s14] =	ssyncset.done $0x0  }
0x180: {  	[sflag:s14] =	ssyncadd.s32 $0xFFFFD800  }
0x181: {  	v1 =	vld [tilespmem:$0x5300]  }
0x182: {  	v2 =	vld [tilespmem:$0x80]  }
0x183: {  	v3 =	vld [tilespmem:$0x180];
	_ =	sdelay $0x1  }
0x184: {  	v48 =	vld [tilespmem:$0x90]  }
0x185: {  	v49 =	vld [tilespmem:$0x190]  }
0x186: {  	v51 =	vld [tilespmem:$0x1A0]  }
0x187: {  	v53 =	vld [tilespmem:$0xB0];
	v1 =	vadd.f32 $-1.000000000e+00, v1;
	vm11 =	veq.s32 v2, v3  }
0x188: {  	v55 =	vld [tilespmem:$0x1B0];
	v50 =	vsel vm11, $0x3F800000, v0  }
0x189: {  	v3 =	vld [tilespmem:$0xA0];
	v52 =	vmul.f32 v50, v1  }
0x18a: {  	[tilespmem:$0x280] =	vst v2  }
0x18b: {  	[tilespmem:$0x290] =	vst v48;
	v2 =	vadd.f32 $1.000000000e+00, v52  }
0x18c: {  	v59 =	vld [tilespmem:$0x1C0];
	vm12 =	veq.s32 v48, v49;
	[tilespmem:$0x2B0] =	vst v53  }
0x18d: {  	v54 =	vsel vm12, $0x3F800000, v0;
	[tilespmem:$0x5400] =	vst v2;
	v2 =	vld [tilespmem:$0xC0]  }
0x18e: {  	vm14 =	veq.s32 v53, v55;
	[tilespmem:$0x5500] =	vst v50;
	v56 =	vmul.f32 v54, v1;
	vm13 =	veq.s32 v3, v51  }
0x18f: {  	v61 =	vsel vm14, $0x3F800000, v0;
	[tilespmem:$0x5510] =	vst v54;
	v58 =	vsel vm13, $0x3F800000, v0  }
0x190: {  	[tilespmem:$0x5530] =	vst v61;
	v57 =	vadd.f32 $1.000000000e+00, v56;
	v60 =	vmul.f32 v58, v1  }
0x191: {  	[tilespmem:$0x2A0] =	vst v3  }
0x192: {  	v62 =	vmul.f32 v61, v1;
	[tilespmem:$0x5410] =	vst v57;
	v3 =	vadd.f32 $1.000000000e+00, v60;
	vm15 =	veq.s32 v2, v59  }
0x193: {  	[tilespmem:$0x5520] =	vst v58;
	v63 =	vsel vm15, $0x3F800000, v0  }
0x194: {  	[tilespmem:$0x5420] =	vst v3;
	v3 =	vadd.f32 $1.000000000e+00, v62;
	v1 =	vmul.f32 v63, v1  }
0x195: {  	[tilespmem:$0x2C0] =	vst v2  }
0x196: {  	[tilespmem:$0x5430] =	vst v3;
	v1 =	vadd.f32 $1.000000000e+00, v1  }
0x197: {  	[tilespmem:$0x5540] =	vst v63  }
0x198: {  	[tilespmem:$0x5440] =	vst v1  }
0x199: {  	[spmem:s19] =	stream.indirect.scatter.add.f32 [tilespmem:s8], [sflag:$0x6], $0x80, s0, s17, $0xb8;
	[tilespmem:$0x19D00] =	vst v63  }
0x19a: {  	s2 =	simm.s32 $0x5400  }
0x19b: {  	[spmem:s23] =	stream.indirect.scatter.add.f32 [tilespmem:s2], [sflag:$0x8], $0x1, s0, s17, $0xb8;
	[tilespmem:$0x19D00] =	vst v63  }
0x19c: {  	_ = 	snop  }
0x19d: {  	[spmem:s24] =	stream.indirect.scatter.add.f32 [tilespmem:s3], [sflag:$0x8], $0x1, s0, s17, $0xb8;
	[tilespmem:$0x19D00] =	vst v63  }
0x19e: {  	s2 =	rddreg [dreg:$0x14]  }
0x19f: {  	[tilespmem:s18], [sflag:$0x2] =	stream.linear.gather [hbm4b:s2+s12], $0x50, $0x38;
	[tilespmem:$0x19D00] =	vst v63  }
0x1a0: {  	s2 =	rddreg [dreg:$0x15]  }
0x1a1: {  	[tilespmem:s28], [sflag:$0x2] =	stream.linear.gather [hbm4b:s2+s12], $0x50, $0x38;
	[tilespmem:$0x19D00] =	vst v63  }
.LBB2_4:
0x1a2: {  	_ =	swait.ge [sflag:s7], $0x50  }
0x1a3: {  	[sflag:s7] =	ssyncset.done $0x0  }
0x1a4: {  	[sflag:s7] =	ssyncadd.s32 $0xFFFFFFB0  }
0x1a5: {  	_ =	swait.ge [sflag:s7], $0x50  }
0x1a6: {  	[sflag:s7] =	ssyncset.done $0x0  }
0x1a7: {  	[sflag:s7] =	ssyncadd.s32 $0xFFFFFFB0  }
0x1a8: {  	_ =	swait.ge [sflag:s4], $0x2800  }
0x1a9: {  	[sflag:s4] =	ssyncset.done $0x0  }
0x1aa: {  	[sflag:s4] =	ssyncadd.s32 $0xFFFFD800  }
0x1ab: {  	[tilespmem:s8], [sflag:$0x4] =	stream.indirect.gather [hbm4b:s16+s17], $0x80, s28, s17, $0xb8;
	[tilespmem:$0x19D00] =	vst v63  }
0x1ac: {  	_ =	swait.ge [sflag:s13], $0x2800  }
0x1ad: {  	[sflag:s13] =	ssyncset.done $0x0  }
0x1ae: {  	[sflag:s13] =	ssyncadd.s32 $0xFFFFD800  }
0x1af: {  	_ =	swait.ge [sflag:s5], $0x50  }
0x1b0: {  	[sflag:s5] =	ssyncset.done $0x0  }
0x1b1: {  	[sflag:s5] =	ssyncadd.s32 $0xFFFFFFB0  }
0x1b2: {  	_ =	swait.ge [sflag:s5], $0x50  }
0x1b3: {  	[sflag:s5] =	ssyncset.done $0x0  }
0x1b4: {  	[sflag:s5] =	ssyncadd.s32 $0xFFFFFFB0  }
0x1b5: {  	v1 =	vld [tilespmem:$0x5300]  }
0x1b6: {  	v2 =	vld [tilespmem:$0x0]  }
0x1b7: {  	v3 =	vld [tilespmem:$0x100];
	_ =	sdelay $0x1  }
0x1b8: {  	v4 =	vld [tilespmem:$0x10]  }
0x1b9: {  	v5 =	vld [tilespmem:$0x110]  }
0x1ba: {  	v7 =	vld [tilespmem:$0x120]  }
0x1bb: {  	v38 =	vld [tilespmem:$0x30];
	v1 =	vadd.f32 $-1.000000000e+00, v1;
	vm0 =	veq.s32 v2, v3  }
0x1bc: {  	v9 =	vld [tilespmem:$0x130];
	v6 =	vsel vm0, $0x3F800000, v0  }
0x1bd: {  	v3 =	vld [tilespmem:$0x20];
	v8 =	vmul.f32 v6, v1  }
0x1be: {  	[tilespmem:$0x200] =	vst v2  }
0x1bf: {  	[tilespmem:$0x210] =	vst v4;
	v2 =	vadd.f32 $1.000000000e+00, v8  }
0x1c0: {  	v43 =	vld [tilespmem:$0x140];
	vm7 =	veq.s32 v4, v5;
	[tilespmem:$0x230] =	vst v38  }
0x1c1: {  	v39 =	vsel vm7, $0x3F800000, v0;
	[tilespmem:$0x5380] =	vst v2;
	v2 =	vld [tilespmem:$0x40]  }
0x1c2: {  	vm9 =	veq.s32 v38, v9;
	[tilespmem:$0x5480] =	vst v6;
	v40 =	vmul.f32 v39, v1;
	vm8 =	veq.s32 v3, v7  }
0x1c3: {  	v45 =	vsel vm9, $0x3F800000, v0;
	[tilespmem:$0x5490] =	vst v39;
	v42 =	vsel vm8, $0x3F800000, v0  }
0x1c4: {  	[tilespmem:$0x54B0] =	vst v45;
	v41 =	vadd.f32 $1.000000000e+00, v40;
	v44 =	vmul.f32 v42, v1  }
0x1c5: {  	[tilespmem:$0x220] =	vst v3  }
0x1c6: {  	v46 =	vmul.f32 v45, v1;
	[tilespmem:$0x5390] =	vst v41;
	v3 =	vadd.f32 $1.000000000e+00, v44;
	vm10 =	veq.s32 v2, v43  }
0x1c7: {  	[tilespmem:$0x54A0] =	vst v42;
	v47 =	vsel vm10, $0x3F800000, v0  }
0x1c8: {  	[tilespmem:$0x53A0] =	vst v3;
	v3 =	vadd.f32 $1.000000000e+00, v46;
	v1 =	vmul.f32 v47, v1  }
0x1c9: {  	[tilespmem:$0x240] =	vst v2  }
0x1ca: {  	[tilespmem:$0x53B0] =	vst v3;
	v1 =	vadd.f32 $1.000000000e+00, v1  }
0x1cb: {  	[tilespmem:$0x54C0] =	vst v47  }
0x1cc: {  	[tilespmem:$0x53C0] =	vst v1  }
0x1cd: {  	[spmem:s19] =	stream.indirect.scatter.add.f32 [tilespmem:s11], [sflag:$0x5], $0x80, s9, s17, $0xb8;
	[tilespmem:$0x19D00] =	vst v63  }
0x1ce: {  	_ = 	snop  }
0x1cf: {  	[spmem:s23] =	stream.indirect.scatter.add.f32 [tilespmem:s29], [sflag:$0x7], $0x1, s9, s17, $0xb8;
	[tilespmem:$0x19D00] =	vst v63  }
0x1d0: {  	_ = 	snop  }
0x1d1: {  	[spmem:s24] =	stream.indirect.scatter.add.f32 [tilespmem:s30], [sflag:$0x7], $0x1, s9, s17, $0xb8;
	[tilespmem:$0x19D00] =	vst v63  }
0x1d2: {  	s2 =	sadd.s32 s12, s26  }
0x1d3: {  	[tilespmem:s1], [sflag:$0x1] =	stream.linear.gather [hbm4b:s2+s1], $0x50, $0x38;
	[tilespmem:$0x19D00] =	vst v63  }
0x1d4: {  	s2 =	sadd.s32 s12, s25  }
0x1d5: {  	[tilespmem:s15], [sflag:$0x1] =	stream.linear.gather [hbm4b:s2+s1], $0x50, $0x38;
	[tilespmem:$0x19D00] =	vst v63  }
0x1d6: {  	_ =	swait.ge [sflag:s31], $0x50  }
0x1d7: {  	[sflag:s31] =	ssyncset.done $0x0  }
0x1d8: {  	[sflag:s31] =	ssyncadd.s32 $0xFFFFFFB0  }
0x1d9: {  	_ =	swait.ge [sflag:s31], $0x50  }
0x1da: {  	[sflag:s31] =	ssyncset.done $0x0  }
0x1db: {  	[sflag:s31] =	ssyncadd.s32 $0xFFFFFFB0  }
0x1dc: {  	_ =	swait.ge [sflag:s22], $0x2800  }
0x1dd: {  	[sflag:s22] =	ssyncset.done $0x0  }
0x1de: {  	[sflag:s22] =	ssyncadd.s32 $0xFFFFD800  }
0x1df: {  	[tilespmem:s11], [sflag:$0x3] =	stream.indirect.gather [hbm4b:s16+s17], $0x80, s15, s17, $0xb8;
	[tilespmem:$0x19D00] =	vst v63  }
0x1e0: {  	_ =	swait.ge [sflag:s14], $0x2800  }
0x1e1: {  	[sflag:s14] =	ssyncset.done $0x0  }
0x1e2: {  	[sflag:s14] =	ssyncadd.s32 $0xFFFFD800  }
0x1e3: {  	_ =	swait.ge [sflag:s6], $0x50  }
0x1e4: {  	[sflag:s6] =	ssyncset.done $0x0  }
0x1e5: {  	[sflag:s6] =	ssyncadd.s32 $0xFFFFFFB0  }
0x1e6: {  	_ =	swait.ge [sflag:s6], $0x50  }
0x1e7: {  	[sflag:s6] =	ssyncset.done $0x0  }
0x1e8: {  	[sflag:s6] =	ssyncadd.s32 $0xFFFFFFB0  }
0x1e9: {  	v1 =	vld [tilespmem:$0x5300]  }
0x1ea: {  	v2 =	vld [tilespmem:$0x80]  }
0x1eb: {  	v3 =	vld [tilespmem:$0x180];
	_ =	sdelay $0x1  }
0x1ec: {  	v48 =	vld [tilespmem:$0x90]  }
0x1ed: {  	v49 =	vld [tilespmem:$0x190]  }
0x1ee: {  	v51 =	vld [tilespmem:$0x1A0]  }
0x1ef: {  	v53 =	vld [tilespmem:$0xB0];
	v1 =	vadd.f32 $-1.000000000e+00, v1;
	vm11 =	veq.s32 v2, v3  }
0x1f0: {  	v55 =	vld [tilespmem:$0x1B0];
	v50 =	vsel vm11, $0x3F800000, v0  }
0x1f1: {  	v3 =	vld [tilespmem:$0xA0];
	v52 =	vmul.f32 v50, v1  }
0x1f2: {  	[tilespmem:$0x280] =	vst v2  }
0x1f3: {  	[tilespmem:$0x290] =	vst v48;
	v2 =	vadd.f32 $1.000000000e+00, v52  }
0x1f4: {  	v59 =	vld [tilespmem:$0x1C0];
	vm12 =	veq.s32 v48, v49;
	[tilespmem:$0x2B0] =	vst v53  }
0x1f5: {  	v54 =	vsel vm12, $0x3F800000, v0;
	[tilespmem:$0x5400] =	vst v2;
	v2 =	vld [tilespmem:$0xC0]  }
0x1f6: {  	vm14 =	veq.s32 v53, v55;
	[tilespmem:$0x5500] =	vst v50;
	v56 =	vmul.f32 v54, v1;
	vm13 =	veq.s32 v3, v51  }
0x1f7: {  	v61 =	vsel vm14, $0x3F800000, v0;
	[tilespmem:$0x5510] =	vst v54;
	v58 =	vsel vm13, $0x3F800000, v0  }
0x1f8: {  	[tilespmem:$0x5530] =	vst v61;
	v57 =	vadd.f32 $1.000000000e+00, v56;
	v60 =	vmul.f32 v58, v1  }
0x1f9: {  	[tilespmem:$0x2A0] =	vst v3  }
0x1fa: {  	v62 =	vmul.f32 v61, v1;
	[tilespmem:$0x5410] =	vst v57;
	v3 =	vadd.f32 $1.000000000e+00, v60;
	vm15 =	veq.s32 v2, v59  }
0x1fb: {  	[tilespmem:$0x5520] =	vst v58;
	v63 =	vsel vm15, $0x3F800000, v0  }
0x1fc: {  	[tilespmem:$0x5420] =	vst v3;
	v3 =	vadd.f32 $1.000000000e+00, v62;
	v1 =	vmul.f32 v63, v1  }
0x1fd: {  	[tilespmem:$0x2C0] =	vst v2  }
0x1fe: {  	[tilespmem:$0x5430] =	vst v3;
	v1 =	vadd.f32 $1.000000000e+00, v1  }
0x1ff: {  	[tilespmem:$0x5540] =	vst v63  }
0x200: {  	p0 =	seq.s32 s12, $0x4B0;
	[tilespmem:$0x5440] =	vst v1  }
0x201: {  	[spmem:s19] =	stream.indirect.scatter.add.f32 [tilespmem:s8], [sflag:$0x6], $0x80, s0, s17, $0xb8;
	[tilespmem:$0x19D00] =	vst v63  }
.Ltmp3:
0x202: {  	_ = 	snop;
	(pc) =	sbr.rel @p0 .LBB2_6-.Ltmp3, $4  }
0x203: {  	s2 =	simm.s32 $0x5400  }
0x204: {  	[spmem:s23] =	stream.indirect.scatter.add.f32 [tilespmem:s2], [sflag:$0x8], $0x1, s0, s17, $0xb8;
	[tilespmem:$0x19D00] =	vst v63  }
0x205: {  	_ = 	snop  }
0x206: {  	[spmem:s24] =	stream.indirect.scatter.add.f32 [tilespmem:s3], [sflag:$0x8], $0x1, s0, s17, $0xb8;
	[tilespmem:$0x19D00] =	vst v63  }
.Ltmp4:
0x207: {  	(pc) =	sbr.rel .LBB2_4-.Ltmp4, $4  }
0x208: {  	s2 =	sadd.s32 s12, s21  }
0x209: {  	[tilespmem:s18], [sflag:$0x2] =	stream.linear.gather [hbm4b:s2+s1], $0x50, $0x38;
	[tilespmem:$0x19D00] =	vst v63  }
0x20a: {  	s2 =	sadd.s32 s12, s20;
	s12 =	sadd.s32 $0x14, s12  }
0x20b: {  	[tilespmem:s28], [sflag:$0x2] =	stream.linear.gather [hbm4b:s2+s1], $0x50, $0x38;
	[tilespmem:$0x19D00] =	vst v63  }
.LBB2_7:
0x20c: {  	_ =	sfence.sel $0x180000  }
0x20d: {  	[bflag:$0x0] =	sbarrier.arrive $0xFFFF  }
0x20e: {  	_ =	strace $0x90000047  }
0x20f: {  	s0 =	stileid.u32;
	[bflag:$0x2] =	sbarrier.arrive $0xFFFF  }
0x210: {  	p0 =	sne.s32 s0, $0x0;
	s0 =	rddreg [dreg:$0x5]  }
0x211: {  	s0 =	sadd.s32 @!p0 $0x100000, s0  }
0x212: {  	[sflag:s0] =	ssyncadd.tile.s32 @!p0 $0x1;
	_ =	shalt  }
.Lfunc_end2:
_tile_overlayer_lowered:
.L_overlay_start_2:
0x213: {  	(tag) =	ssettag $0x2  }
0x214: {  	s0 =	rddreg [dreg:$0x0];
	s2 =	stileid.u32  }
0x215: {  	s1 =	rddreg [dreg:$0x1];
	p0 =	sne.s32 s2, $0x0  }
0x216: {  	s3 =	rddreg [dreg:$0x2];
	[bflag:$0x3] =	sbarrier.arrive $0xFFFF;
	s2 =	simm.s32 @!p0 $0x1C09  }
0x217: {  	[timem:s3], [sflag:s2] =	dma.local @!p0 [hbm:s0], s1  }
0x218: {  	s0 =	simm.s32 @!p0 $0x9  }
0x219: {  	_ =	swait.ge @!p0 [sflag:s0], s1  }
0x21a: {  	s1 =	ssub.s32 @!p0 $0x0, s1;
	[sflag:s0] =	ssyncset.done @!p0 $0x0  }
0x21b: {  	[sflag:s0] =	ssyncadd.s32 @!p0 s1  }
0x21c: {  	[bflag:$0x3] =	sbarrier.arrive $0xFFFF  }
0x21d: {  	_ =	shalt  }

</sc_bundles>
